<compile_context>
chip_gen: v7x
topology: tpu7x:2x2x1
jax: 0.10.2.dev20260603
libtpu: 0.0.44.dev20260713+nightly
codegen_flags: <defaults>
</compile_context>

<pallas_src>
import functools

import jax
import jax.numpy as jnp
from jax import lax
from jax.experimental import pallas as pl
from jax.experimental.pallas import tpu as pltpu
from jax.experimental.pallas import tpu_sc as plsc

VOCAB = 100000
EMBED = 64
B, L = 4096, 200

NC, NS = 2, 16
NW = NC * NS
BC = B // NW
LH, LL = L // 8, 8
EH, EL = EMBED // 8, 8
BH = B // 128

_mesh = plsc.VectorSubcoreMesh(
    core_axis_name="c", subcore_axis_name="s", num_cores=NC, num_subcores=NS
)


@functools.partial(
    pl.kernel,
    out_type=jax.ShapeDtypeStruct((L, EH, BH, EL, 128), jnp.float32),
    mesh=_mesh,
    compiler_params=pltpu.CompilerParams(
        use_tc_tiling_on_sc=False, needs_layout_passes=False
    ),
    scratch_types=[
        pltpu.VMEM((LH, LL, BC), jnp.int32),
        pltpu.VMEM((L, EMBED), jnp.float32),
        pltpu.VMEM((4, BC, EMBED), jnp.float32),
        pltpu.VMEM((4, EH, EL, 145), jnp.float32),
        pltpu.SemaphoreType.DMA,
        pltpu.SemaphoreType.DMA,
    ],
)
def _sc_embed(x_hbm, tok_hbm, pos_hbm, out_hbm, xcol_v, pos_v, rows_v,
              stg_v, sem_g, sem_o):
    wid = lax.axis_index("s") * NC + lax.axis_index("c")
    pltpu.sync_copy(x_hbm.at[:, wid], xcol_v)
    pltpu.sync_copy(pos_hbm.at[pl.ds(0, L)], pos_v)
    ND = 4

    iv = lax.iota(jnp.int32, 16)
    ivh = iv // EL
    elv = iv % EL

    def start_gather(l, par):
        pltpu.async_copy(
            tok_hbm.at[xcol_v.at[l // 8, l % 8]], rows_v.at[par], sem_g
        )

    def wait_gather(par):
        pltpu.make_async_copy(
            tok_hbm.at[pl.ds(0, BC)], rows_v.at[par], sem_g
        ).wait()

    def wait_out(par):
        pltpu.make_async_copy(
            stg_v.at[par, :, :, pl.ds(0, 128)], out_hbm.at[0, :, wid], sem_o
        ).wait()

    for p in range(ND - 1):
        start_gather(p, p)

    @pl.loop(0, L, step=ND)
    def _block(l0):
        for par in range(ND):
            l = l0 + par
            cur, stg = rows_v.at[par], stg_v.at[par]

            @pl.when(l >= ND)
            def _free_stg():
                wait_out(par)

            @pl.when(l + ND - 1 < L)
            def _prefetch():
                start_gather(l + ND - 1, (par + ND - 1) % ND)

            wait_gather(par)

            pos = [pos_v[l, pl.ds(16 * k, 16)] for k in range(EMBED // 16)]
            ehv = [2 * k + ivh for k in range(EMBED // 16)]

            @plsc.parallel_loop(0, BC, unroll=8)
            def _row(r):
                rv = jnp.broadcast_to(r, (16,)).astype(jnp.int32)
                for k in range(EMBED // 16):
                    val = cur[r, pl.ds(16 * k, 16)] + pos[k]
                    plsc.store_scatter(stg, [ehv[k], elv, rv], val)

            pltpu.async_copy(
                stg.at[:, :, pl.ds(0, 128)], out_hbm.at[l, :, wid], sem_o
            )

    for p in range(ND):
        wait_out(p)


def kernel(x, tok_table, pos_table):
    x4 = x.T.astype(jnp.int32).reshape(LH, LL, BH, 128).transpose(0, 2, 1, 3)
    out5 = _sc_embed(x4, tok_table, pos_table)
    return out5.transpose(2, 4, 0, 1, 3).reshape(B, L, EMBED)

# --- scband reference (transcript-rebuilt; emitter-appended) ---
"""Pipeline reference for scband-positional-embedding-50268297232890 (READ-ONLY COPY).

The authoritative reference and input builder live on the scoring server;
editing this copy changes nothing except your own understanding.
"""

import jax, jax.numpy as jnp
import numpy as np

VOCAB = 100000
EMBED = 64
MAX_POS = 2048
B, L = 4096, 200

def setup_inputs(seed: int = 0) -> dict:
    key = jax.random.key(seed)
    k1, k2, k3 = jax.random.split(key, 3)
    x = jax.random.randint(k1, (B, L), 0, VOCAB, dtype=jnp.int64 if jax.config.jax_enable_x64 else jnp.int32)
    tok_table = jax.random.normal(k2, (VOCAB, EMBED), dtype=jnp.float32) * 0.05
    pos_table = jax.random.normal(k3, (MAX_POS, EMBED), dtype=jnp.float32) * 0.05
    return {"x": x, "tok_table": tok_table, "pos_table": pos_table}

def reference(x, tok_table, pos_table):
    maxlen = x.shape[-1]
    positions = jnp.arange(maxlen)
    pos_emb = jnp.take(pos_table, positions, axis=0)
    tok_emb = jnp.take(tok_table, x, axis=0)
    return tok_emb + pos_emb[None, :, :]

if __name__ == "__main__":
    import jax
    _d = setup_inputs()
    print(jax.jit(kernel)(*tuple(_d.values())))

</pallas_src>

<mosaic_0001>
#map = affine_map<(d0, d1) -> (0, 0, 0, 0)>
#map1 = affine_map<(d0, d1) -> (0, 0)>
#map2 = affine_map<(d0, d1) -> (0, 0, 0, 0, 0)>
module attributes {stable_mosaic.version = 14 : i64} {
  func.func @_sc_embed(%arg0: i32, %arg1: i32, %arg2: memref<25x32x8x128xi32, #tpu.memory_space<hbm>>, %arg3: memref<100000x64xf32, #tpu.memory_space<hbm>>, %arg4: memref<2048x64xf32, #tpu.memory_space<hbm>>, %arg5: memref<200x8x32x8x128xf32, #tpu.memory_space<hbm>>, %arg6: memref<25x8x128xi32, #tpu.memory_space<vmem>>, %arg7: memref<200x64xf32, #tpu.memory_space<vmem>>, %arg8: memref<4x128x64xf32, #tpu.memory_space<vmem>>, %arg9: memref<4x8x8x145xf32, #tpu.memory_space<vmem>>, %arg10: memref<!tpu.dma_semaphore, #tpu.memory_space<semaphore_mem>>, %arg11: memref<!tpu.dma_semaphore, #tpu.memory_space<semaphore_mem>>) attributes {dimension_semantics = [#tpu.dimension_semantics<core_parallel>, #tpu.dimension_semantics<subcore_parallel>], iteration_bounds = array<i64: 2, 16>, scalar_prefetch = 0 : i64, scratch_operands = 6 : i64, tpu.core_type = #tpu.core_type<sc_vector_subcore>, window_params = [{transform_indices = #map}, {transform_indices = #map1}, {transform_indices = #map1}, {transform_indices = #map2}]} {
    %mul3A = arith.constant 2 : i32
    %mul3A_0 = arith.muli %arg1, %mul3A : i32
    %add3A = arith.addi %mul3A_0, %arg0 : i32
    "tpu.region"() ({
      %run_scoped3A = tpu.sem_alloc : memref<!tpu.dma_semaphore, #tpu.memory_space<semaphore_mem>>
      %dma_start3A_173 = arith.constant 0 : i32
      %dma_start3A_174 = arith.constant 0 : i32
      %dma_start3A_175 = arith.constant 0 : i32
      %dma_start3A_176 = tpu.memref_slice %arg2[%dma_start3A_173, %add3A, %dma_start3A_174, %dma_start3A_175] : memref<25x32x8x128xi32, #tpu.memory_space<hbm>> -> memref<25x1x8x128xi32, #tpu.memory_space<hbm>>
      %dma_start3A_177 = tpu.memref_squeeze %dma_start3A_176 : memref<25x1x8x128xi32, #tpu.memory_space<hbm>> -> memref<25x8x128xi32, #tpu.memory_space<hbm>>
      %dma_start3A_178 = arith.constant 0 : i32
      %dma_start3A_179 = arith.constant 0 : i32
      %dma_start3A_180 = arith.constant 0 : i32
      %dma_start3A_181 = tpu.memref_slice %arg2[%dma_start3A_178, %add3A, %dma_start3A_179, %dma_start3A_180] : memref<25x32x8x128xi32, #tpu.memory_space<hbm>> -> memref<25x1x8x128xi32, #tpu.memory_space<hbm>>
      %dma_start3A_182 = tpu.memref_squeeze %dma_start3A_181 : memref<25x1x8x128xi32, #tpu.memory_space<hbm>> -> memref<25x8x128xi32, #tpu.memory_space<hbm>>
      tpu.enqueue_dma source(%dma_start3A_182 : memref<25x8x128xi32, #tpu.memory_space<hbm>>) target(%arg6 : memref<25x8x128xi32, #tpu.memory_space<vmem>>) target_semaphore(%run_scoped3A : memref<!tpu.dma_semaphore, #tpu.memory_space<semaphore_mem>>)
      %dma_wait3A_183 = arith.constant 0 : i32
      %dma_wait3A_184 = arith.constant 0 : i32
      %dma_wait3A_185 = arith.constant 0 : i32
      %dma_wait3A_186 = tpu.memref_slice %arg2[%dma_wait3A_183, %add3A, %dma_wait3A_184, %dma_wait3A_185] : memref<25x32x8x128xi32, #tpu.memory_space<hbm>> -> memref<25x1x8x128xi32, #tpu.memory_space<hbm>>
      %dma_wait3A_187 = tpu.memref_squeeze %dma_wait3A_186 : memref<25x1x8x128xi32, #tpu.memory_space<hbm>> -> memref<25x8x128xi32, #tpu.memory_space<hbm>>
      %dma_wait3A_188 = arith.constant 0 : i32
      %dma_wait3A_189 = arith.constant 0 : i32
      %dma_wait3A_190 = arith.constant 0 : i32
      %dma_wait3A_191 = tpu.memref_slice %arg2[%dma_wait3A_188, %add3A, %dma_wait3A_189, %dma_wait3A_190] : memref<25x32x8x128xi32, #tpu.memory_space<hbm>> -> memref<25x1x8x128xi32, #tpu.memory_space<hbm>>
      %dma_wait3A_192 = tpu.memref_squeeze %dma_wait3A_191 : memref<25x1x8x128xi32, #tpu.memory_space<hbm>> -> memref<25x8x128xi32, #tpu.memory_space<hbm>>
      tpu.wait_dma2 semaphore(%run_scoped3A : memref<!tpu.dma_semaphore, #tpu.memory_space<semaphore_mem>>) src(%dma_wait3A_192 : memref<25x8x128xi32, #tpu.memory_space<hbm>>) dst(%arg6 : memref<25x8x128xi32, #tpu.memory_space<vmem>>)
      tpu.yield
    }) : () -> ()
    "tpu.region"() ({
      %run_scoped3A = tpu.sem_alloc : memref<!tpu.dma_semaphore, #tpu.memory_space<semaphore_mem>>
      %dma_start3A_173 = arith.constant 0 : i32
      %dma_start3A_174 = arith.constant 0 : i32
      %dma_start3A_175 = tpu.memref_slice %arg4[%dma_start3A_173, %dma_start3A_174] : memref<2048x64xf32, #tpu.memory_space<hbm>> -> memref<200x64xf32, #tpu.memory_space<hbm>>
      %dma_start3A_176 = arith.constant 0 : i32
      %dma_start3A_177 = arith.constant 0 : i32
      %dma_start3A_178 = tpu.memref_slice %arg4[%dma_start3A_176, %dma_start3A_177] : memref<2048x64xf32, #tpu.memory_space<hbm>> -> memref<200x64xf32, #tpu.memory_space<hbm>>
      tpu.enqueue_dma source(%dma_start3A_178 : memref<200x64xf32, #tpu.memory_space<hbm>>) target(%arg7 : memref<200x64xf32, #tpu.memory_space<vmem>>) target_semaphore(%run_scoped3A : memref<!tpu.dma_semaphore, #tpu.memory_space<semaphore_mem>>)
      %dma_wait3A_179 = arith.constant 0 : i32
      %dma_wait3A_180 = arith.constant 0 : i32
      %dma_wait3A_181 = tpu.memref_slice %arg4[%dma_wait3A_179, %dma_wait3A_180] : memref<2048x64xf32, #tpu.memory_space<hbm>> -> memref<200x64xf32, #tpu.memory_space<hbm>>
      %dma_wait3A_182 = arith.constant 0 : i32
      %dma_wait3A_183 = arith.constant 0 : i32
      %dma_wait3A_184 = tpu.memref_slice %arg4[%dma_wait3A_182, %dma_wait3A_183] : memref<2048x64xf32, #tpu.memory_space<hbm>> -> memref<200x64xf32, #tpu.memory_space<hbm>>
      tpu.wait_dma2 semaphore(%run_scoped3A : memref<!tpu.dma_semaphore, #tpu.memory_space<semaphore_mem>>) src(%dma_wait3A_184 : memref<200x64xf32, #tpu.memory_space<hbm>>) dst(%arg7 : memref<200x64xf32, #tpu.memory_space<vmem>>)
      tpu.yield
    }) : () -> ()
    %iota3A = tpu.iota {dimensions = array<i32: 0>} : vector<16xi32>
    %jit3A = arith.constant 8 : i32
    %div3A = vector.broadcast %jit3A : i32 to vector<16xi32>
    %div3A_1 = arith.divsi %iota3A, %div3A : vector<16xi32>
    %sign3A = arith.constant 0 : i32
    %sign3A_2 = vector.broadcast %sign3A : i32 to vector<16xi32>
    %sign3A_3 = arith.cmpi sgt, %iota3A, %sign3A_2 : vector<16xi32>
    %sign3A_4 = arith.extui %sign3A_3 : vector<16xi1> to vector<16xi32>
    %sign3A_5 = arith.constant 0 : i32
    %sign3A_6 = vector.broadcast %sign3A_5 : i32 to vector<16xi32>
    %sign3A_7 = arith.cmpi slt, %iota3A, %sign3A_6 : vector<16xi32>
    %sign3A_8 = arith.extui %sign3A_7 : vector<16xi1> to vector<16xi32>
    %sign3A_9 = arith.subi %sign3A_4, %sign3A_8 : vector<16xi32>
    %sign3A_10 = arith.constant 0 : i32
    %sign3A_11 = arith.cmpi sgt, %jit3A, %sign3A_10 : i32
    %sign3A_12 = arith.extui %sign3A_11 : i1 to i32
    %sign3A_13 = arith.constant 0 : i32
    %sign3A_14 = arith.cmpi slt, %jit3A, %sign3A_13 : i32
    %sign3A_15 = arith.extui %sign3A_14 : i1 to i32
    %sign3A_16 = arith.subi %sign3A_12, %sign3A_15 : i32
    %ne3A = vector.broadcast %sign3A_16 : i32 to vector<16xi32>
    %ne3A_17 = arith.cmpi ne, %sign3A_9, %ne3A : vector<16xi32>
    %rem3A = vector.broadcast %jit3A : i32 to vector<16xi32>
    %rem3A_18 = arith.remsi %iota3A, %rem3A : vector<16xi32>
    %ne3A_19 = arith.constant 0 : i32
    %ne3A_20 = vector.broadcast %ne3A_19 : i32 to vector<16xi32>
    %ne3A_21 = arith.cmpi ne, %rem3A_18, %ne3A_20 : vector<16xi32>
    %and3A = arith.andi %ne3A_17, %ne3A_21 : vector<16xi1>
    %sub3A = arith.constant 1 : i32
    %sub3A_22 = vector.broadcast %sub3A : i32 to vector<16xi32>
    %sub3A_23 = arith.subi %div3A_1, %sub3A_22 : vector<16xi32>
    %select_n3A = arith.select %and3A, %sub3A_23, %div3A_1 : vector<16xi1>, vector<16xi32>
    %jit3A_24 = arith.constant 8 : i32
    %eq3A = arith.constant 0 : i32
    %eq3A_25 = arith.cmpi eq, %jit3A_24, %eq3A : i32
    %jit3A_26 = arith.constant 1 : i32
    %select_n3A_27 = arith.select %eq3A_25, %jit3A_26, %jit3A_24 : i32
    %rem3A_28 = vector.broadcast %select_n3A_27 : i32 to vector<16xi32>
    %rem3A_29 = arith.remsi %iota3A, %rem3A_28 : vector<16xi32>
    %ne3A_30 = arith.constant 0 : i32
    %ne3A_31 = vector.broadcast %ne3A_30 : i32 to vector<16xi32>
    %ne3A_32 = arith.cmpi ne, %rem3A_29, %ne3A_31 : vector<16xi32>
    %lt3A = arith.constant 0 : i32
    %lt3A_33 = vector.broadcast %lt3A : i32 to vector<16xi32>
    %lt3A_34 = arith.cmpi slt, %rem3A_29, %lt3A_33 : vector<16xi32>
    %lt3A_35 = arith.constant 0 : i32
    %lt3A_36 = arith.cmpi slt, %select_n3A_27, %lt3A_35 : i32
    %ne3A_37 = vector.broadcast %lt3A_36 : i1 to vector<16xi1>
    %ne3A_38 = vector.broadcast %ne3A_37 : vector<16xi1> to vector<16xi1>
    %ne3A_39 = arith.xori %lt3A_34, %ne3A_38 : vector<16xi1>
    %and3A_40 = arith.andi %ne3A_39, %ne3A_32 : vector<16xi1>
    %add3A_41 = vector.broadcast %select_n3A_27 : i32 to vector<16xi32>
    %add3A_42 = arith.addi %rem3A_29, %add3A_41 : vector<16xi32>
    %select_n3A_43 = arith.select %and3A_40, %add3A_42, %rem3A_29 : vector<16xi1>, vector<16xi32>
    %dma_start3A = arith.constant 0 : i32
    %dma_start3A_44 = arith.constant 0 : i32
    %dma_start3A_45 = arith.constant 0 : i32
    %dma_start3A_46 = arith.constant 0 : i32
    %dma_start3A_47 = arith.constant 0 : i32
    %dma_start3A_48 = tpu.memref_slice %arg8[%dma_start3A_45, %dma_start3A_46, %dma_start3A_47] : memref<4x128x64xf32, #tpu.memory_space<vmem>> -> memref<1x128x64xf32, #tpu.memory_space<vmem>>
    %dma_start3A_49 = tpu.memref_squeeze %dma_start3A_48 : memref<1x128x64xf32, #tpu.memory_space<vmem>> -> memref<128x64xf32, #tpu.memory_space<vmem>>
    %dma_start3A_50 = arith.constant 0 : i32
    %dma_start3A_51 = tpu.memref_slice %arg6[%dma_start3A, %dma_start3A_44, %dma_start3A_50] : memref<25x8x128xi32, #tpu.memory_space<vmem>> -> memref<1x1x128xi32, #tpu.memory_space<vmem>>
    %dma_start3A_52 = tpu.memref_squeeze %dma_start3A_51 : memref<1x1x128xi32, #tpu.memory_space<vmem>> -> memref<128xi32, #tpu.memory_space<vmem>>
    %dma_start3A_53 = arith.constant 0 : i32
    %dma_start3A_54 = arith.constant 0 : i32
    %dma_start3A_55 = tpu.memref_slice %arg3[%dma_start3A_53, %dma_start3A_54] : memref<100000x64xf32, #tpu.memory_space<hbm>> -> memref<100000x64xf32, #tpu.memory_space<hbm>>
    tpu.enqueue_indirect_dma source(%dma_start3A_55 : memref<100000x64xf32, #tpu.memory_space<hbm>>) target(%dma_start3A_49 : memref<128x64xf32, #tpu.memory_space<vmem>>) offsets(%dma_start3A_52 : memref<128xi32, #tpu.memory_space<vmem>>) semaphore(%arg10 : memref<!tpu.dma_semaphore, #tpu.memory_space<semaphore_mem>>)
    %dma_start3A_56 = arith.constant 0 : i32
    %dma_start3A_57 = arith.constant 1 : i32
    %dma_start3A_58 = arith.constant 1 : i32
    %dma_start3A_59 = arith.constant 0 : i32
    %dma_start3A_60 = arith.constant 0 : i32
    %dma_start3A_61 = tpu.memref_slice %arg8[%dma_start3A_58, %dma_start3A_59, %dma_start3A_60] : memref<4x128x64xf32, #tpu.memory_space<vmem>> -> memref<1x128x64xf32, #tpu.memory_space<vmem>>
    %dma_start3A_62 = tpu.memref_squeeze %dma_start3A_61 : memref<1x128x64xf32, #tpu.memory_space<vmem>> -> memref<128x64xf32, #tpu.memory_space<vmem>>
    %dma_start3A_63 = arith.constant 0 : i32
    %dma_start3A_64 = tpu.memref_slice %arg6[%dma_start3A_56, %dma_start3A_57, %dma_start3A_63] : memref<25x8x128xi32, #tpu.memory_space<vmem>> -> memref<1x1x128xi32, #tpu.memory_space<vmem>>
    %dma_start3A_65 = tpu.memref_squeeze %dma_start3A_64 : memref<1x1x128xi32, #tpu.memory_space<vmem>> -> memref<128xi32, #tpu.memory_space<vmem>>
    %dma_start3A_66 = arith.constant 0 : i32
    %dma_start3A_67 = arith.constant 0 : i32
    %dma_start3A_68 = tpu.memref_slice %arg3[%dma_start3A_66, %dma_start3A_67] : memref<100000x64xf32, #tpu.memory_space<hbm>> -> memref<100000x64xf32, #tpu.memory_space<hbm>>
    tpu.enqueue_indirect_dma source(%dma_start3A_68 : memref<100000x64xf32, #tpu.memory_space<hbm>>) target(%dma_start3A_62 : memref<128x64xf32, #tpu.memory_space<vmem>>) offsets(%dma_start3A_65 : memref<128xi32, #tpu.memory_space<vmem>>) semaphore(%arg10 : memref<!tpu.dma_semaphore, #tpu.memory_space<semaphore_mem>>)
    %dma_start3A_69 = arith.constant 0 : i32
    %dma_start3A_70 = arith.constant 2 : i32
    %dma_start3A_71 = arith.constant 2 : i32
    %dma_start3A_72 = arith.constant 0 : i32
    %dma_start3A_73 = arith.constant 0 : i32
    %dma_start3A_74 = tpu.memref_slice %arg8[%dma_start3A_71, %dma_start3A_72, %dma_start3A_73] : memref<4x128x64xf32, #tpu.memory_space<vmem>> -> memref<1x128x64xf32, #tpu.memory_space<vmem>>
    %dma_start3A_75 = tpu.memref_squeeze %dma_start3A_74 : memref<1x128x64xf32, #tpu.memory_space<vmem>> -> memref<128x64xf32, #tpu.memory_space<vmem>>
    %dma_start3A_76 = arith.constant 0 : i32
    %dma_start3A_77 = tpu.memref_slice %arg6[%dma_start3A_69, %dma_start3A_70, %dma_start3A_76] : memref<25x8x128xi32, #tpu.memory_space<vmem>> -> memref<1x1x128xi32, #tpu.memory_space<vmem>>
    %dma_start3A_78 = tpu.memref_squeeze %dma_start3A_77 : memref<1x1x128xi32, #tpu.memory_space<vmem>> -> memref<128xi32, #tpu.memory_space<vmem>>
    %dma_start3A_79 = arith.constant 0 : i32
    %dma_start3A_80 = arith.constant 0 : i32
    %dma_start3A_81 = tpu.memref_slice %arg3[%dma_start3A_79, %dma_start3A_80] : memref<100000x64xf32, #tpu.memory_space<hbm>> -> memref<100000x64xf32, #tpu.memory_space<hbm>>
    tpu.enqueue_indirect_dma source(%dma_start3A_81 : memref<100000x64xf32, #tpu.memory_space<hbm>>) target(%dma_start3A_75 : memref<128x64xf32, #tpu.memory_space<vmem>>) offsets(%dma_start3A_78 : memref<128xi32, #tpu.memory_space<vmem>>) semaphore(%arg10 : memref<!tpu.dma_semaphore, #tpu.memory_space<semaphore_mem>>)
    %scan3A = arith.constant 0 : i32
    %scan3A_82 = arith.constant 50 : i32
    %scan3A_83 = arith.addi %scan3A, %scan3A_82 : i32
    %scan3A_84 = arith.constant 1 : i32
    scf.for %scan3A_173 = %scan3A to %scan3A_83 step %scan3A_84  : i32 {
      %mul3A_174 = arith.constant 4 : i32
      %mul3A_175 = arith.muli %scan3A_173, %mul3A_174 : i32
      %add3A_176 = arith.constant 0 : i32
      %add3A_177 = arith.addi %add3A_176, %mul3A_175 : i32
      %add3A_178 = arith.constant 0 : i32
      %add3A_179 = arith.addi %add3A_177, %add3A_178 : i32
      %ge3A = arith.constant 4 : i32
      %ge3A_180 = arith.cmpi sge, %add3A_179, %ge3A : i32
      %convert_element_type3A = arith.extui %ge3A_180 : i1 to i32
      %cond3A = arith.constant 0 : i32
      %cond3A_181 = arith.cmpi ne, %convert_element_type3A, %cond3A : i32
      scf.if %cond3A_181 {
        %dma_wait3A_529 = arith.constant 0 : i32
        %dma_wait3A_530 = arith.constant 0 : i32
        %dma_wait3A_531 = arith.constant 0 : i32
        %dma_wait3A_532 = arith.constant 0 : i32
        %dma_wait3A_533 = arith.constant 0 : i32
        %dma_wait3A_534 = tpu.memref_slice %arg9[%dma_wait3A_529, %dma_wait3A_531, %dma_wait3A_532, %dma_wait3A_533] : memref<4x8x8x145xf32, #tpu.memory_space<vmem>> -> memref<1x8x8x128xf32, #tpu.memory_space<vmem>>
        %dma_wait3A_535 = tpu.memref_squeeze %dma_wait3A_534 : memref<1x8x8x128xf32, #tpu.memory_space<vmem>> -> memref<8x8x128xf32, #tpu.memory_space<vmem>>
        %dma_wait3A_536 = arith.constant 0 : i32
        %dma_wait3A_537 = arith.constant 0 : i32
        %dma_wait3A_538 = arith.constant 0 : i32
        %dma_wait3A_539 = tpu.memref_slice %arg5[%dma_wait3A_530, %dma_wait3A_536, %add3A, %dma_wait3A_537, %dma_wait3A_538] : memref<200x8x32x8x128xf32, #tpu.memory_space<hbm>> -> memref<1x8x1x8x128xf32, #tpu.memory_space<hbm>>
        %dma_wait3A_540 = tpu.memref_squeeze %dma_wait3A_539 : memref<1x8x1x8x128xf32, #tpu.memory_space<hbm>> -> memref<8x8x128xf32, #tpu.memory_space<hbm>>
        %dma_wait3A_541 = arith.constant 0 : i32
        %dma_wait3A_542 = arith.constant 0 : i32
        %dma_wait3A_543 = arith.constant 0 : i32
        %dma_wait3A_544 = tpu.memref_slice %arg5[%dma_wait3A_530, %dma_wait3A_541, %add3A, %dma_wait3A_542, %dma_wait3A_543] : memref<200x8x32x8x128xf32, #tpu.memory_space<hbm>> -> memref<1x8x1x8x128xf32, #tpu.memory_space<hbm>>
        %dma_wait3A_545 = tpu.memref_squeeze %dma_wait3A_544 : memref<1x8x1x8x128xf32, #tpu.memory_space<hbm>> -> memref<8x8x128xf32, #tpu.memory_space<hbm>>
        %dma_wait3A_546 = arith.constant 0 : i32
        %dma_wait3A_547 = arith.constant 0 : i32
        %dma_wait3A_548 = arith.constant 0 : i32
        %dma_wait3A_549 = tpu.memref_slice %arg9[%dma_wait3A_529, %dma_wait3A_546, %dma_wait3A_547, %dma_wait3A_548] : memref<4x8x8x145xf32, #tpu.memory_space<vmem>> -> memref<1x8x8x128xf32, #tpu.memory_space<vmem>>
        %dma_wait3A_550 = tpu.memref_squeeze %dma_wait3A_549 : memref<1x8x8x128xf32, #tpu.memory_space<vmem>> -> memref<8x8x128xf32, #tpu.memory_space<vmem>>
        tpu.wait_dma2 semaphore(%arg11 : memref<!tpu.dma_semaphore, #tpu.memory_space<semaphore_mem>>) src(%dma_wait3A_550 : memref<8x8x128xf32, #tpu.memory_space<vmem>>) dst(%dma_wait3A_545 : memref<8x8x128xf32, #tpu.memory_space<hbm>>)
      } else {
      }
      %add3A_182 = arith.constant 4 : i32
      %add3A_183 = arith.addi %add3A_179, %add3A_182 : i32
      %sub3A_184 = arith.constant 1 : i32
      %sub3A_185 = arith.subi %add3A_183, %sub3A_184 : i32
      %lt3A_186 = arith.constant 200 : i32
      %lt3A_187 = arith.cmpi slt, %sub3A_185, %lt3A_186 : i32
      %convert_element_type3A_188 = arith.extui %lt3A_187 : i1 to i32
      %cond3A_189 = arith.constant 0 : i32
      %cond3A_190 = arith.cmpi ne, %convert_element_type3A_188, %cond3A_189 : i32
      scf.if %cond3A_190 {
        %add3A_529 = arith.constant 4 : i32
        %add3A_530 = arith.addi %add3A_179, %add3A_529 : i32
        %sub3A_531 = arith.constant 1 : i32
        %sub3A_532 = arith.subi %add3A_530, %sub3A_531 : i32
        %jit3A_533 = arith.constant 8 : i32
        %div3A_534 = arith.divsi %sub3A_532, %jit3A_533 : i32
        %sign3A_535 = arith.constant 0 : i32
        %sign3A_536 = arith.cmpi sgt, %sub3A_532, %sign3A_535 : i32
        %sign3A_537 = arith.extui %sign3A_536 : i1 to i32
        %sign3A_538 = arith.constant 0 : i32
        %sign3A_539 = arith.cmpi slt, %sub3A_532, %sign3A_538 : i32
        %sign3A_540 = arith.extui %sign3A_539 : i1 to i32
        %sign3A_541 = arith.subi %sign3A_537, %sign3A_540 : i32
        %sign3A_542 = arith.constant 0 : i32
        %sign3A_543 = arith.cmpi sgt, %jit3A_533, %sign3A_542 : i32
        %sign3A_544 = arith.extui %sign3A_543 : i1 to i32
        %sign3A_545 = arith.constant 0 : i32
        %sign3A_546 = arith.cmpi slt, %jit3A_533, %sign3A_545 : i32
        %sign3A_547 = arith.extui %sign3A_546 : i1 to i32
        %sign3A_548 = arith.subi %sign3A_544, %sign3A_547 : i32
        %ne3A_549 = arith.cmpi ne, %sign3A_541, %sign3A_548 : i32
        %rem3A_550 = arith.remsi %sub3A_532, %jit3A_533 : i32
        %ne3A_551 = arith.constant 0 : i32
        %ne3A_552 = arith.cmpi ne, %rem3A_550, %ne3A_551 : i32
        %and3A_553 = arith.andi %ne3A_549, %ne3A_552 : i1
        %sub3A_554 = arith.constant 1 : i32
        %sub3A_555 = arith.subi %div3A_534, %sub3A_554 : i32
        %select_n3A_556 = arith.select %and3A_553, %sub3A_555, %div3A_534 : i32
        %jit3A_557 = arith.constant 8 : i32
        %eq3A_558 = arith.constant 0 : i32
        %eq3A_559 = arith.cmpi eq, %jit3A_557, %eq3A_558 : i32
        %jit3A_560 = arith.constant 1 : i32
        %select_n3A_561 = arith.select %eq3A_559, %jit3A_560, %jit3A_557 : i32
        %rem3A_562 = arith.remsi %sub3A_532, %select_n3A_561 : i32
        %ne3A_563 = arith.constant 0 : i32
        %ne3A_564 = arith.cmpi ne, %rem3A_562, %ne3A_563 : i32
        %lt3A_565 = arith.constant 0 : i32
        %lt3A_566 = arith.cmpi slt, %rem3A_562, %lt3A_565 : i32
        %lt3A_567 = arith.constant 0 : i32
        %lt3A_568 = arith.cmpi slt, %select_n3A_561, %lt3A_567 : i32
        %ne3A_569 = arith.xori %lt3A_566, %lt3A_568 : i1
        %and3A_570 = arith.andi %ne3A_569, %ne3A_564 : i1
        %add3A_571 = arith.addi %rem3A_562, %select_n3A_561 : i32
        %select_n3A_572 = arith.select %and3A_570, %add3A_571, %rem3A_562 : i32
        %dma_start3A_573 = arith.constant 3 : i32
        %dma_start3A_574 = arith.constant 0 : i32
        %dma_start3A_575 = arith.constant 0 : i32
        %dma_start3A_576 = tpu.memref_slice %arg8[%dma_start3A_573, %dma_start3A_574, %dma_start3A_575] : memref<4x128x64xf32, #tpu.memory_space<vmem>> -> memref<1x128x64xf32, #tpu.memory_space<vmem>>
        %dma_start3A_577 = tpu.memref_squeeze %dma_start3A_576 : memref<1x128x64xf32, #tpu.memory_space<vmem>> -> memref<128x64xf32, #tpu.memory_space<vmem>>
        %dma_start3A_578 = arith.constant 0 : i32
        %dma_start3A_579 = tpu.memref_slice %arg6[%select_n3A_556, %select_n3A_572, %dma_start3A_578] : memref<25x8x128xi32, #tpu.memory_space<vmem>> -> memref<1x1x128xi32, #tpu.memory_space<vmem>>
        %dma_start3A_580 = tpu.memref_squeeze %dma_start3A_579 : memref<1x1x128xi32, #tpu.memory_space<vmem>> -> memref<128xi32, #tpu.memory_space<vmem>>
        %dma_start3A_581 = arith.constant 0 : i32
        %dma_start3A_582 = arith.constant 0 : i32
        %dma_start3A_583 = tpu.memref_slice %arg3[%dma_start3A_581, %dma_start3A_582] : memref<100000x64xf32, #tpu.memory_space<hbm>> -> memref<100000x64xf32, #tpu.memory_space<hbm>>
        tpu.enqueue_indirect_dma source(%dma_start3A_583 : memref<100000x64xf32, #tpu.memory_space<hbm>>) target(%dma_start3A_577 : memref<128x64xf32, #tpu.memory_space<vmem>>) offsets(%dma_start3A_580 : memref<128xi32, #tpu.memory_space<vmem>>) semaphore(%arg10 : memref<!tpu.dma_semaphore, #tpu.memory_space<semaphore_mem>>)
      } else {
      }
      %dma_wait3A_191 = arith.constant 0 : i32
      %dma_wait3A_192 = arith.constant 0 : i32
      %dma_wait3A_193 = arith.constant 0 : i32
      %dma_wait3A_194 = tpu.memref_slice %arg8[%dma_wait3A_191, %dma_wait3A_192, %dma_wait3A_193] : memref<4x128x64xf32, #tpu.memory_space<vmem>> -> memref<1x128x64xf32, #tpu.memory_space<vmem>>
      %dma_wait3A_195 = tpu.memref_squeeze %dma_wait3A_194 : memref<1x128x64xf32, #tpu.memory_space<vmem>> -> memref<128x64xf32, #tpu.memory_space<vmem>>
      %dma_wait3A_196 = arith.constant 0 : i32
      %dma_wait3A_197 = arith.constant 0 : i32
      %dma_wait3A_198 = tpu.memref_slice %arg3[%dma_wait3A_196, %dma_wait3A_197] : memref<100000x64xf32, #tpu.memory_space<hbm>> -> memref<128x64xf32, #tpu.memory_space<hbm>>
      %dma_wait3A_199 = arith.constant 0 : i32
      %dma_wait3A_200 = arith.constant 0 : i32
      %dma_wait3A_201 = tpu.memref_slice %arg8[%dma_wait3A_191, %dma_wait3A_199, %dma_wait3A_200] : memref<4x128x64xf32, #tpu.memory_space<vmem>> -> memref<1x128x64xf32, #tpu.memory_space<vmem>>
      %dma_wait3A_202 = tpu.memref_squeeze %dma_wait3A_201 : memref<1x128x64xf32, #tpu.memory_space<vmem>> -> memref<128x64xf32, #tpu.memory_space<vmem>>
      %dma_wait3A_203 = arith.constant 0 : i32
      %dma_wait3A_204 = arith.constant 0 : i32
      %dma_wait3A_205 = tpu.memref_slice %arg3[%dma_wait3A_203, %dma_wait3A_204] : memref<100000x64xf32, #tpu.memory_space<hbm>> -> memref<128x64xf32, #tpu.memory_space<hbm>>
      tpu.wait_dma2 semaphore(%arg10 : memref<!tpu.dma_semaphore, #tpu.memory_space<semaphore_mem>>) src(%dma_wait3A_205 : memref<128x64xf32, #tpu.memory_space<hbm>>) dst(%dma_wait3A_202 : memref<128x64xf32, #tpu.memory_space<vmem>>)
      %get3A = arith.index_cast %add3A_179 : i32 to index
      %get3A_206 = arith.constant 0 : index
      %get3A_207 = tpu.vector_load %arg7[%get3A, %get3A_206] {strides = array<i32>} : memref<200x64xf32, #tpu.memory_space<vmem>>, vector<16xf32>,
      %get3A_208 = arith.index_cast %add3A_179 : i32 to index
      %get3A_209 = arith.constant 16 : index
      %get3A_210 = tpu.vector_load %arg7[%get3A_208, %get3A_209] {strides = array<i32>} : memref<200x64xf32, #tpu.memory_space<vmem>>, vector<16xf32>,
      %get3A_211 = arith.index_cast %add3A_179 : i32 to index
      %get3A_212 = arith.constant 32 : index
      %get3A_213 = tpu.vector_load %arg7[%get3A_211, %get3A_212] {strides = array<i32>} : memref<200x64xf32, #tpu.memory_space<vmem>>, vector<16xf32>,
      %get3A_214 = arith.index_cast %add3A_179 : i32 to index
      %get3A_215 = arith.constant 48 : index
      %get3A_216 = tpu.vector_load %arg7[%get3A_214, %get3A_215] {strides = array<i32>} : memref<200x64xf32, #tpu.memory_space<vmem>>, vector<16xf32>,
      %add3A_217 = arith.constant 0 : i32
      %add3A_218 = vector.broadcast %add3A_217 : i32 to vector<16xi32>
      %add3A_219 = arith.addi %add3A_218, %select_n3A : vector<16xi32>
      %add3A_220 = arith.constant 2 : i32
      %add3A_221 = vector.broadcast %add3A_220 : i32 to vector<16xi32>
      %add3A_222 = arith.addi %add3A_221, %select_n3A : vector<16xi32>
      %add3A_223 = arith.constant 4 : i32
      %add3A_224 = vector.broadcast %add3A_223 : i32 to vector<16xi32>
      %add3A_225 = arith.addi %add3A_224, %select_n3A : vector<16xi32>
      %add3A_226 = arith.constant 6 : i32
      %add3A_227 = vector.broadcast %add3A_226 : i32 to vector<16xi32>
      %add3A_228 = arith.addi %add3A_227, %select_n3A : vector<16xi32>
      %parallel_loop3A = arith.constant 0 : i32
      %parallel_loop3A_229 = arith.constant 128 : i32
      %parallel_loop3A_230 = arith.constant 1 : i32
      %parallel_loop3A_231 = arith.constant 0 : i32
      %parallel_loop3A_232 = arith.constant 0 : i32
      scf.for %parallel_loop3A_529 = %parallel_loop3A to %parallel_loop3A_229 step %parallel_loop3A_230  : i32 {
        %parallel_loop3A_530 = vector.broadcast %parallel_loop3A_529 : i32 to vector<16xi32>
        %parallel_loop3A_531 = arith.constant 0 : i32
        %parallel_loop3A_532 = arith.constant 0 : i32
        %parallel_loop3A_533 = tpu.memref_slice %arg8[%parallel_loop3A_231, %parallel_loop3A_531, %parallel_loop3A_532] : memref<4x128x64xf32, #tpu.memory_space<vmem>> -> memref<1x128x64xf32, #tpu.memory_space<vmem>>
        %parallel_loop3A_534 = tpu.memref_squeeze %parallel_loop3A_533 : memref<1x128x64xf32, #tpu.memory_space<vmem>> -> memref<128x64xf32, #tpu.memory_space<vmem>>
        %parallel_loop3A_535 = arith.index_cast %parallel_loop3A_529 : i32 to index
        %parallel_loop3A_536 = arith.constant 0 : index
        %parallel_loop3A_537 = tpu.vector_load %parallel_loop3A_534[%parallel_loop3A_535, %parallel_loop3A_536] {strides = array<i32>} : memref<128x64xf32, #tpu.memory_space<vmem>>, vector<16xf32>,
        %parallel_loop3A_538 = arith.addf %parallel_loop3A_537, %get3A_207 : vector<16xf32>
        %parallel_loop3A_539 = arith.constant 0 : i32
        %parallel_loop3A_540 = arith.constant 0 : i32
        %parallel_loop3A_541 = arith.constant 0 : i32
        %parallel_loop3A_542 = tpu.memref_slice %arg9[%parallel_loop3A_232, %parallel_loop3A_539, %parallel_loop3A_540, %parallel_loop3A_541] : memref<4x8x8x145xf32, #tpu.memory_space<vmem>> -> memref<1x8x8x145xf32, #tpu.memory_space<vmem>>
        %parallel_loop3A_543 = tpu.memref_squeeze %parallel_loop3A_542 : memref<1x8x8x145xf32, #tpu.memory_space<vmem>> -> memref<8x8x145xf32, #tpu.memory_space<vmem>>
        tpu.vector_store_idx %parallel_loop3A_543[%add3A_219, %select_n3A_43, %parallel_loop3A_530], %parallel_loop3A_538 : memref<8x8x145xf32, #tpu.memory_space<vmem>>[vector<16xi32>, vector<16xi32>, vector<16xi32>], vector<16xf32>,
        %parallel_loop3A_544 = arith.constant 0 : i32
        %parallel_loop3A_545 = arith.constant 0 : i32
        %parallel_loop3A_546 = tpu.memref_slice %arg8[%parallel_loop3A_231, %parallel_loop3A_544, %parallel_loop3A_545] : memref<4x128x64xf32, #tpu.memory_space<vmem>> -> memref<1x128x64xf32, #tpu.memory_space<vmem>>
        %parallel_loop3A_547 = tpu.memref_squeeze %parallel_loop3A_546 : memref<1x128x64xf32, #tpu.memory_space<vmem>> -> memref<128x64xf32, #tpu.memory_space<vmem>>
        %parallel_loop3A_548 = arith.index_cast %parallel_loop3A_529 : i32 to index
        %parallel_loop3A_549 = arith.constant 16 : index
        %parallel_loop3A_550 = tpu.vector_load %parallel_loop3A_547[%parallel_loop3A_548, %parallel_loop3A_549] {strides = array<i32>} : memref<128x64xf32, #tpu.memory_space<vmem>>, vector<16xf32>,
        %parallel_loop3A_551 = arith.addf %parallel_loop3A_550, %get3A_210 : vector<16xf32>
        %parallel_loop3A_552 = arith.constant 0 : i32
        %parallel_loop3A_553 = arith.constant 0 : i32
        %parallel_loop3A_554 = arith.constant 0 : i32
        %parallel_loop3A_555 = tpu.memref_slice %arg9[%parallel_loop3A_232, %parallel_loop3A_552, %parallel_loop3A_553, %parallel_loop3A_554] : memref<4x8x8x145xf32, #tpu.memory_space<vmem>> -> memref<1x8x8x145xf32, #tpu.memory_space<vmem>>
        %parallel_loop3A_556 = tpu.memref_squeeze %parallel_loop3A_555 : memref<1x8x8x145xf32, #tpu.memory_space<vmem>> -> memref<8x8x145xf32, #tpu.memory_space<vmem>>
        tpu.vector_store_idx %parallel_loop3A_556[%add3A_222, %select_n3A_43, %parallel_loop3A_530], %parallel_loop3A_551 : memref<8x8x145xf32, #tpu.memory_space<vmem>>[vector<16xi32>, vector<16xi32>, vector<16xi32>], vector<16xf32>,
        %parallel_loop3A_557 = arith.constant 0 : i32
        %parallel_loop3A_558 = arith.constant 0 : i32
        %parallel_loop3A_559 = tpu.memref_slice %arg8[%parallel_loop3A_231, %parallel_loop3A_557, %parallel_loop3A_558] : memref<4x128x64xf32, #tpu.memory_space<vmem>> -> memref<1x128x64xf32, #tpu.memory_space<vmem>>
        %parallel_loop3A_560 = tpu.memref_squeeze %parallel_loop3A_559 : memref<1x128x64xf32, #tpu.memory_space<vmem>> -> memref<128x64xf32, #tpu.memory_space<vmem>>
        %parallel_loop3A_561 = arith.index_cast %parallel_loop3A_529 : i32 to index
        %parallel_loop3A_562 = arith.constant 32 : index
        %parallel_loop3A_563 = tpu.vector_load %parallel_loop3A_560[%parallel_loop3A_561, %parallel_loop3A_562] {strides = array<i32>} : memref<128x64xf32, #tpu.memory_space<vmem>>, vector<16xf32>,
        %parallel_loop3A_564 = arith.addf %parallel_loop3A_563, %get3A_213 : vector<16xf32>
        %parallel_loop3A_565 = arith.constant 0 : i32
        %parallel_loop3A_566 = arith.constant 0 : i32
        %parallel_loop3A_567 = arith.constant 0 : i32
        %parallel_loop3A_568 = tpu.memref_slice %arg9[%parallel_loop3A_232, %parallel_loop3A_565, %parallel_loop3A_566, %parallel_loop3A_567] : memref<4x8x8x145xf32, #tpu.memory_space<vmem>> -> memref<1x8x8x145xf32, #tpu.memory_space<vmem>>
        %parallel_loop3A_569 = tpu.memref_squeeze %parallel_loop3A_568 : memref<1x8x8x145xf32, #tpu.memory_space<vmem>> -> memref<8x8x145xf32, #tpu.memory_space<vmem>>
        tpu.vector_store_idx %parallel_loop3A_569[%add3A_225, %select_n3A_43, %parallel_loop3A_530], %parallel_loop3A_564 : memref<8x8x145xf32, #tpu.memory_space<vmem>>[vector<16xi32>, vector<16xi32>, vector<16xi32>], vector<16xf32>,
        %parallel_loop3A_570 = arith.constant 0 : i32
        %parallel_loop3A_571 = arith.constant 0 : i32
        %parallel_loop3A_572 = tpu.memref_slice %arg8[%parallel_loop3A_231, %parallel_loop3A_570, %parallel_loop3A_571] : memref<4x128x64xf32, #tpu.memory_space<vmem>> -> memref<1x128x64xf32, #tpu.memory_space<vmem>>
        %parallel_loop3A_573 = tpu.memref_squeeze %parallel_loop3A_572 : memref<1x128x64xf32, #tpu.memory_space<vmem>> -> memref<128x64xf32, #tpu.memory_space<vmem>>
        %parallel_loop3A_574 = arith.index_cast %parallel_loop3A_529 : i32 to index
        %parallel_loop3A_575 = arith.constant 48 : index
        %parallel_loop3A_576 = tpu.vector_load %parallel_loop3A_573[%parallel_loop3A_574, %parallel_loop3A_575] {strides = array<i32>} : memref<128x64xf32, #tpu.memory_space<vmem>>, vector<16xf32>,
        %parallel_loop3A_577 = arith.addf %parallel_loop3A_576, %get3A_216 : vector<16xf32>
        %parallel_loop3A_578 = arith.constant 0 : i32
        %parallel_loop3A_579 = arith.constant 0 : i32
        %parallel_loop3A_580 = arith.constant 0 : i32
        %parallel_loop3A_581 = tpu.memref_slice %arg9[%parallel_loop3A_232, %parallel_loop3A_578, %parallel_loop3A_579, %parallel_loop3A_580] : memref<4x8x8x145xf32, #tpu.memory_space<vmem>> -> memref<1x8x8x145xf32, #tpu.memory_space<vmem>>
        %parallel_loop3A_582 = tpu.memref_squeeze %parallel_loop3A_581 : memref<1x8x8x145xf32, #tpu.memory_space<vmem>> -> memref<8x8x145xf32, #tpu.memory_space<vmem>>
        tpu.vector_store_idx %parallel_loop3A_582[%add3A_228, %select_n3A_43, %parallel_loop3A_530], %parallel_loop3A_577 : memref<8x8x145xf32, #tpu.memory_space<vmem>>[vector<16xi32>, vector<16xi32>, vector<16xi32>], vector<16xf32>,
      } {sc.loop_unroll_factor = 8 : i64, sc.parallel_access}
      %dma_start3A_233 = arith.constant 0 : i32
      %dma_start3A_234 = arith.constant 0 : i32
      %dma_start3A_235 = arith.constant 0 : i32
      %dma_start3A_236 = arith.constant 0 : i32
      %dma_start3A_237 = tpu.memref_slice %arg9[%dma_start3A_233, %dma_start3A_234, %dma_start3A_235, %dma_start3A_236] : memref<4x8x8x145xf32, #tpu.memory_space<vmem>> -> memref<1x8x8x145xf32, #tpu.memory_space<vmem>>
      %dma_start3A_238 = tpu.memref_squeeze %dma_start3A_237 : memref<1x8x8x145xf32, #tpu.memory_space<vmem>> -> memref<8x8x145xf32, #tpu.memory_space<vmem>>
      %dma_start3A_239 = arith.constant 0 : i32
      %dma_start3A_240 = arith.constant 0 : i32
      %dma_start3A_241 = arith.constant 0 : i32
      %dma_start3A_242 = tpu.memref_slice %dma_start3A_238[%dma_start3A_239, %dma_start3A_240, %dma_start3A_241] : memref<8x8x145xf32, #tpu.memory_space<vmem>> -> memref<8x8x128xf32, #tpu.memory_space<vmem>>
      %dma_start3A_243 = arith.constant 0 : i32
      %dma_start3A_244 = arith.constant 0 : i32
      %dma_start3A_245 = arith.constant 0 : i32
      %dma_start3A_246 = tpu.memref_slice %arg5[%add3A_179, %dma_start3A_243, %add3A, %dma_start3A_244, %dma_start3A_245] : memref<200x8x32x8x128xf32, #tpu.memory_space<hbm>> -> memref<1x8x1x8x128xf32, #tpu.memory_space<hbm>>
      %dma_start3A_247 = tpu.memref_squeeze %dma_start3A_246 : memref<1x8x1x8x128xf32, #tpu.memory_space<hbm>> -> memref<8x8x128xf32, #tpu.memory_space<hbm>>
      %dma_start3A_248 = arith.constant 0 : i32
      %dma_start3A_249 = arith.constant 0 : i32
      %dma_start3A_250 = arith.constant 0 : i32
      %dma_start3A_251 = tpu.memref_slice %arg5[%add3A_179, %dma_start3A_248, %add3A, %dma_start3A_249, %dma_start3A_250] : memref<200x8x32x8x128xf32, #tpu.memory_space<hbm>> -> memref<1x8x1x8x128xf32, #tpu.memory_space<hbm>>
      %dma_start3A_252 = tpu.memref_squeeze %dma_start3A_251 : memref<1x8x1x8x128xf32, #tpu.memory_space<hbm>> -> memref<8x8x128xf32, #tpu.memory_space<hbm>>
      %dma_start3A_253 = arith.constant 0 : i32
      %dma_start3A_254 = arith.constant 0 : i32
      %dma_start3A_255 = arith.constant 0 : i32
      %dma_start3A_256 = tpu.memref_slice %arg9[%dma_start3A_233, %dma_start3A_253, %dma_start3A_254, %dma_start3A_255] : memref<4x8x8x145xf32, #tpu.memory_space<vmem>> -> memref<1x8x8x145xf32, #tpu.memory_space<vmem>>
      %dma_start3A_257 = tpu.memref_squeeze %dma_start3A_256 : memref<1x8x8x145xf32, #tpu.memory_space<vmem>> -> memref<8x8x145xf32, #tpu.memory_space<vmem>>
      %dma_start3A_258 = arith.constant 0 : i32
      %dma_start3A_259 = arith.constant 0 : i32
      %dma_start3A_260 = arith.constant 0 : i32
      %dma_start3A_261 = tpu.memref_slice %dma_start3A_257[%dma_start3A_258, %dma_start3A_259, %dma_start3A_260] : memref<8x8x145xf32, #tpu.memory_space<vmem>> -> memref<8x8x128xf32, #tpu.memory_space<vmem>>
      tpu.enqueue_dma source(%dma_start3A_261 : memref<8x8x128xf32, #tpu.memory_space<vmem>>) target(%dma_start3A_252 : memref<8x8x128xf32, #tpu.memory_space<hbm>>) target_semaphore(%arg11 : memref<!tpu.dma_semaphore, #tpu.memory_space<semaphore_mem>>)
      %add3A_262 = arith.constant 1 : i32
      %add3A_263 = arith.addi %add3A_177, %add3A_262 : i32
      %ge3A_264 = arith.constant 4 : i32
      %ge3A_265 = arith.cmpi sge, %add3A_263, %ge3A_264 : i32
      %convert_element_type3A_266 = arith.extui %ge3A_265 : i1 to i32
      %cond3A_267 = arith.constant 0 : i32
      %cond3A_268 = arith.cmpi ne, %convert_element_type3A_266, %cond3A_267 : i32
      scf.if %cond3A_268 {
        %dma_wait3A_529 = arith.constant 1 : i32
        %dma_wait3A_530 = arith.constant 0 : i32
        %dma_wait3A_531 = arith.constant 0 : i32
        %dma_wait3A_532 = arith.constant 0 : i32
        %dma_wait3A_533 = arith.constant 0 : i32
        %dma_wait3A_534 = tpu.memref_slice %arg9[%dma_wait3A_529, %dma_wait3A_531, %dma_wait3A_532, %dma_wait3A_533] : memref<4x8x8x145xf32, #tpu.memory_space<vmem>> -> memref<1x8x8x128xf32, #tpu.memory_space<vmem>>
        %dma_wait3A_535 = tpu.memref_squeeze %dma_wait3A_534 : memref<1x8x8x128xf32, #tpu.memory_space<vmem>> -> memref<8x8x128xf32, #tpu.memory_space<vmem>>
        %dma_wait3A_536 = arith.constant 0 : i32
        %dma_wait3A_537 = arith.constant 0 : i32
        %dma_wait3A_538 = arith.constant 0 : i32
        %dma_wait3A_539 = tpu.memref_slice %arg5[%dma_wait3A_530, %dma_wait3A_536, %add3A, %dma_wait3A_537, %dma_wait3A_538] : memref<200x8x32x8x128xf32, #tpu.memory_space<hbm>> -> memref<1x8x1x8x128xf32, #tpu.memory_space<hbm>>
        %dma_wait3A_540 = tpu.memref_squeeze %dma_wait3A_539 : memref<1x8x1x8x128xf32, #tpu.memory_space<hbm>> -> memref<8x8x128xf32, #tpu.memory_space<hbm>>
        %dma_wait3A_541 = arith.constant 0 : i32
        %dma_wait3A_542 = arith.constant 0 : i32
        %dma_wait3A_543 = arith.constant 0 : i32
        %dma_wait3A_544 = tpu.memref_slice %arg5[%dma_wait3A_530, %dma_wait3A_541, %add3A, %dma_wait3A_542, %dma_wait3A_543] : memref<200x8x32x8x128xf32, #tpu.memory_space<hbm>> -> memref<1x8x1x8x128xf32, #tpu.memory_space<hbm>>
        %dma_wait3A_545 = tpu.memref_squeeze %dma_wait3A_544 : memref<1x8x1x8x128xf32, #tpu.memory_space<hbm>> -> memref<8x8x128xf32, #tpu.memory_space<hbm>>
        %dma_wait3A_546 = arith.constant 0 : i32
        %dma_wait3A_547 = arith.constant 0 : i32
        %dma_wait3A_548 = arith.constant 0 : i32
        %dma_wait3A_549 = tpu.memref_slice %arg9[%dma_wait3A_529, %dma_wait3A_546, %dma_wait3A_547, %dma_wait3A_548] : memref<4x8x8x145xf32, #tpu.memory_space<vmem>> -> memref<1x8x8x128xf32, #tpu.memory_space<vmem>>
        %dma_wait3A_550 = tpu.memref_squeeze %dma_wait3A_549 : memref<1x8x8x128xf32, #tpu.memory_space<vmem>> -> memref<8x8x128xf32, #tpu.memory_space<vmem>>
        tpu.wait_dma2 semaphore(%arg11 : memref<!tpu.dma_semaphore, #tpu.memory_space<semaphore_mem>>) src(%dma_wait3A_550 : memref<8x8x128xf32, #tpu.memory_space<vmem>>) dst(%dma_wait3A_545 : memref<8x8x128xf32, #tpu.memory_space<hbm>>)
      } else {
      }
      %add3A_269 = arith.constant 4 : i32
      %add3A_270 = arith.addi %add3A_263, %add3A_269 : i32
      %sub3A_271 = arith.constant 1 : i32
      %sub3A_272 = arith.subi %add3A_270, %sub3A_271 : i32
      %lt3A_273 = arith.constant 200 : i32
      %lt3A_274 = arith.cmpi slt, %sub3A_272, %lt3A_273 : i32
      %convert_element_type3A_275 = arith.extui %lt3A_274 : i1 to i32
      %cond3A_276 = arith.constant 0 : i32
      %cond3A_277 = arith.cmpi ne, %convert_element_type3A_275, %cond3A_276 : i32
      scf.if %cond3A_277 {
        %add3A_529 = arith.constant 4 : i32
        %add3A_530 = arith.addi %add3A_263, %add3A_529 : i32
        %sub3A_531 = arith.constant 1 : i32
        %sub3A_532 = arith.subi %add3A_530, %sub3A_531 : i32
        %jit3A_533 = arith.constant 8 : i32
        %div3A_534 = arith.divsi %sub3A_532, %jit3A_533 : i32
        %sign3A_535 = arith.constant 0 : i32
        %sign3A_536 = arith.cmpi sgt, %sub3A_532, %sign3A_535 : i32
        %sign3A_537 = arith.extui %sign3A_536 : i1 to i32
        %sign3A_538 = arith.constant 0 : i32
        %sign3A_539 = arith.cmpi slt, %sub3A_532, %sign3A_538 : i32
        %sign3A_540 = arith.extui %sign3A_539 : i1 to i32
        %sign3A_541 = arith.subi %sign3A_537, %sign3A_540 : i32
        %sign3A_542 = arith.constant 0 : i32
        %sign3A_543 = arith.cmpi sgt, %jit3A_533, %sign3A_542 : i32
        %sign3A_544 = arith.extui %sign3A_543 : i1 to i32
        %sign3A_545 = arith.constant 0 : i32
        %sign3A_546 = arith.cmpi slt, %jit3A_533, %sign3A_545 : i32
        %sign3A_547 = arith.extui %sign3A_546 : i1 to i32
        %sign3A_548 = arith.subi %sign3A_544, %sign3A_547 : i32
        %ne3A_549 = arith.cmpi ne, %sign3A_541, %sign3A_548 : i32
        %rem3A_550 = arith.remsi %sub3A_532, %jit3A_533 : i32
        %ne3A_551 = arith.constant 0 : i32
        %ne3A_552 = arith.cmpi ne, %rem3A_550, %ne3A_551 : i32
        %and3A_553 = arith.andi %ne3A_549, %ne3A_552 : i1
        %sub3A_554 = arith.constant 1 : i32
        %sub3A_555 = arith.subi %div3A_534, %sub3A_554 : i32
        %select_n3A_556 = arith.select %and3A_553, %sub3A_555, %div3A_534 : i32
        %jit3A_557 = arith.constant 8 : i32
        %eq3A_558 = arith.constant 0 : i32
        %eq3A_559 = arith.cmpi eq, %jit3A_557, %eq3A_558 : i32
        %jit3A_560 = arith.constant 1 : i32
        %select_n3A_561 = arith.select %eq3A_559, %jit3A_560, %jit3A_557 : i32
        %rem3A_562 = arith.remsi %sub3A_532, %select_n3A_561 : i32
        %ne3A_563 = arith.constant 0 : i32
        %ne3A_564 = arith.cmpi ne, %rem3A_562, %ne3A_563 : i32
        %lt3A_565 = arith.constant 0 : i32
        %lt3A_566 = arith.cmpi slt, %rem3A_562, %lt3A_565 : i32
        %lt3A_567 = arith.constant 0 : i32
        %lt3A_568 = arith.cmpi slt, %select_n3A_561, %lt3A_567 : i32
        %ne3A_569 = arith.xori %lt3A_566, %lt3A_568 : i1
        %and3A_570 = arith.andi %ne3A_569, %ne3A_564 : i1
        %add3A_571 = arith.addi %rem3A_562, %select_n3A_561 : i32
        %select_n3A_572 = arith.select %and3A_570, %add3A_571, %rem3A_562 : i32
        %dma_start3A_573 = arith.constant 0 : i32
        %dma_start3A_574 = arith.constant 0 : i32
        %dma_start3A_575 = arith.constant 0 : i32
        %dma_start3A_576 = tpu.memref_slice %arg8[%dma_start3A_573, %dma_start3A_574, %dma_start3A_575] : memref<4x128x64xf32, #tpu.memory_space<vmem>> -> memref<1x128x64xf32, #tpu.memory_space<vmem>>
        %dma_start3A_577 = tpu.memref_squeeze %dma_start3A_576 : memref<1x128x64xf32, #tpu.memory_space<vmem>> -> memref<128x64xf32, #tpu.memory_space<vmem>>
        %dma_start3A_578 = arith.constant 0 : i32
        %dma_start3A_579 = tpu.memref_slice %arg6[%select_n3A_556, %select_n3A_572, %dma_start3A_578] : memref<25x8x128xi32, #tpu.memory_space<vmem>> -> memref<1x1x128xi32, #tpu.memory_space<vmem>>
        %dma_start3A_580 = tpu.memref_squeeze %dma_start3A_579 : memref<1x1x128xi32, #tpu.memory_space<vmem>> -> memref<128xi32, #tpu.memory_space<vmem>>
        %dma_start3A_581 = arith.constant 0 : i32
        %dma_start3A_582 = arith.constant 0 : i32
        %dma_start3A_583 = tpu.memref_slice %arg3[%dma_start3A_581, %dma_start3A_582] : memref<100000x64xf32, #tpu.memory_space<hbm>> -> memref<100000x64xf32, #tpu.memory_space<hbm>>
        tpu.enqueue_indirect_dma source(%dma_start3A_583 : memref<100000x64xf32, #tpu.memory_space<hbm>>) target(%dma_start3A_577 : memref<128x64xf32, #tpu.memory_space<vmem>>) offsets(%dma_start3A_580 : memref<128xi32, #tpu.memory_space<vmem>>) semaphore(%arg10 : memref<!tpu.dma_semaphore, #tpu.memory_space<semaphore_mem>>)
      } else {
      }
      %dma_wait3A_278 = arith.constant 1 : i32
      %dma_wait3A_279 = arith.constant 0 : i32
      %dma_wait3A_280 = arith.constant 0 : i32
      %dma_wait3A_281 = tpu.memref_slice %arg8[%dma_wait3A_278, %dma_wait3A_279, %dma_wait3A_280] : memref<4x128x64xf32, #tpu.memory_space<vmem>> -> memref<1x128x64xf32, #tpu.memory_space<vmem>>
      %dma_wait3A_282 = tpu.memref_squeeze %dma_wait3A_281 : memref<1x128x64xf32, #tpu.memory_space<vmem>> -> memref<128x64xf32, #tpu.memory_space<vmem>>
      %dma_wait3A_283 = arith.constant 0 : i32
      %dma_wait3A_284 = arith.constant 0 : i32
      %dma_wait3A_285 = tpu.memref_slice %arg3[%dma_wait3A_283, %dma_wait3A_284] : memref<100000x64xf32, #tpu.memory_space<hbm>> -> memref<128x64xf32, #tpu.memory_space<hbm>>
      %dma_wait3A_286 = arith.constant 0 : i32
      %dma_wait3A_287 = arith.constant 0 : i32
      %dma_wait3A_288 = tpu.memref_slice %arg8[%dma_wait3A_278, %dma_wait3A_286, %dma_wait3A_287] : memref<4x128x64xf32, #tpu.memory_space<vmem>> -> memref<1x128x64xf32, #tpu.memory_space<vmem>>
      %dma_wait3A_289 = tpu.memref_squeeze %dma_wait3A_288 : memref<1x128x64xf32, #tpu.memory_space<vmem>> -> memref<128x64xf32, #tpu.memory_space<vmem>>
      %dma_wait3A_290 = arith.constant 0 : i32
      %dma_wait3A_291 = arith.constant 0 : i32
      %dma_wait3A_292 = tpu.memref_slice %arg3[%dma_wait3A_290, %dma_wait3A_291] : memref<100000x64xf32, #tpu.memory_space<hbm>> -> memref<128x64xf32, #tpu.memory_space<hbm>>
      tpu.wait_dma2 semaphore(%arg10 : memref<!tpu.dma_semaphore, #tpu.memory_space<semaphore_mem>>) src(%dma_wait3A_292 : memref<128x64xf32, #tpu.memory_space<hbm>>) dst(%dma_wait3A_289 : memref<128x64xf32, #tpu.memory_space<vmem>>)
      %get3A_293 = arith.index_cast %add3A_263 : i32 to index
      %get3A_294 = arith.constant 0 : index
      %get3A_295 = tpu.vector_load %arg7[%get3A_293, %get3A_294] {strides = array<i32>} : memref<200x64xf32, #tpu.memory_space<vmem>>, vector<16xf32>,
      %get3A_296 = arith.index_cast %add3A_263 : i32 to index
      %get3A_297 = arith.constant 16 : index
      %get3A_298 = tpu.vector_load %arg7[%get3A_296, %get3A_297] {strides = array<i32>} : memref<200x64xf32, #tpu.memory_space<vmem>>, vector<16xf32>,
      %get3A_299 = arith.index_cast %add3A_263 : i32 to index
      %get3A_300 = arith.constant 32 : index
      %get3A_301 = tpu.vector_load %arg7[%get3A_299, %get3A_300] {strides = array<i32>} : memref<200x64xf32, #tpu.memory_space<vmem>>, vector<16xf32>,
      %get3A_302 = arith.index_cast %add3A_263 : i32 to index
      %get3A_303 = arith.constant 48 : index
      %get3A_304 = tpu.vector_load %arg7[%get3A_302, %get3A_303] {strides = array<i32>} : memref<200x64xf32, #tpu.memory_space<vmem>>, vector<16xf32>,
      %add3A_305 = arith.constant 0 : i32
      %add3A_306 = vector.broadcast %add3A_305 : i32 to vector<16xi32>
      %add3A_307 = arith.addi %add3A_306, %select_n3A : vector<16xi32>
      %add3A_308 = arith.constant 2 : i32
      %add3A_309 = vector.broadcast %add3A_308 : i32 to vector<16xi32>
      %add3A_310 = arith.addi %add3A_309, %select_n3A : vector<16xi32>
      %add3A_311 = arith.constant 4 : i32
      %add3A_312 = vector.broadcast %add3A_311 : i32 to vector<16xi32>
      %add3A_313 = arith.addi %add3A_312, %select_n3A : vector<16xi32>
      %add3A_314 = arith.constant 6 : i32
      %add3A_315 = vector.broadcast %add3A_314 : i32 to vector<16xi32>
      %add3A_316 = arith.addi %add3A_315, %select_n3A : vector<16xi32>
      %parallel_loop3A_317 = arith.constant 0 : i32
      %parallel_loop3A_318 = arith.constant 128 : i32
      %parallel_loop3A_319 = arith.constant 1 : i32
      %parallel_loop3A_320 = arith.constant 1 : i32
      %parallel_loop3A_321 = arith.constant 1 : i32
      scf.for %parallel_loop3A_529 = %parallel_loop3A_317 to %parallel_loop3A_318 step %parallel_loop3A_319  : i32 {
        %parallel_loop3A_530 = vector.broadcast %parallel_loop3A_529 : i32 to vector<16xi32>
        %parallel_loop3A_531 = arith.constant 0 : i32
        %parallel_loop3A_532 = arith.constant 0 : i32
        %parallel_loop3A_533 = tpu.memref_slice %arg8[%parallel_loop3A_320, %parallel_loop3A_531, %parallel_loop3A_532] : memref<4x128x64xf32, #tpu.memory_space<vmem>> -> memref<1x128x64xf32, #tpu.memory_space<vmem>>
        %parallel_loop3A_534 = tpu.memref_squeeze %parallel_loop3A_533 : memref<1x128x64xf32, #tpu.memory_space<vmem>> -> memref<128x64xf32, #tpu.memory_space<vmem>>
        %parallel_loop3A_535 = arith.index_cast %parallel_loop3A_529 : i32 to index
        %parallel_loop3A_536 = arith.constant 0 : index
        %parallel_loop3A_537 = tpu.vector_load %parallel_loop3A_534[%parallel_loop3A_535, %parallel_loop3A_536] {strides = array<i32>} : memref<128x64xf32, #tpu.memory_space<vmem>>, vector<16xf32>,
        %parallel_loop3A_538 = arith.addf %parallel_loop3A_537, %get3A_295 : vector<16xf32>
        %parallel_loop3A_539 = arith.constant 0 : i32
        %parallel_loop3A_540 = arith.constant 0 : i32
        %parallel_loop3A_541 = arith.constant 0 : i32
        %parallel_loop3A_542 = tpu.memref_slice %arg9[%parallel_loop3A_321, %parallel_loop3A_539, %parallel_loop3A_540, %parallel_loop3A_541] : memref<4x8x8x145xf32, #tpu.memory_space<vmem>> -> memref<1x8x8x145xf32, #tpu.memory_space<vmem>>
        %parallel_loop3A_543 = tpu.memref_squeeze %parallel_loop3A_542 : memref<1x8x8x145xf32, #tpu.memory_space<vmem>> -> memref<8x8x145xf32, #tpu.memory_space<vmem>>
        tpu.vector_store_idx %parallel_loop3A_543[%add3A_307, %select_n3A_43, %parallel_loop3A_530], %parallel_loop3A_538 : memref<8x8x145xf32, #tpu.memory_space<vmem>>[vector<16xi32>, vector<16xi32>, vector<16xi32>], vector<16xf32>,
        %parallel_loop3A_544 = arith.constant 0 : i32
        %parallel_loop3A_545 = arith.constant 0 : i32
        %parallel_loop3A_546 = tpu.memref_slice %arg8[%parallel_loop3A_320, %parallel_loop3A_544, %parallel_loop3A_545] : memref<4x128x64xf32, #tpu.memory_space<vmem>> -> memref<1x128x64xf32, #tpu.memory_space<vmem>>
        %parallel_loop3A_547 = tpu.memref_squeeze %parallel_loop3A_546 : memref<1x128x64xf32, #tpu.memory_space<vmem>> -> memref<128x64xf32, #tpu.memory_space<vmem>>
        %parallel_loop3A_548 = arith.index_cast %parallel_loop3A_529 : i32 to index
        %parallel_loop3A_549 = arith.constant 16 : index
        %parallel_loop3A_550 = tpu.vector_load %parallel_loop3A_547[%parallel_loop3A_548, %parallel_loop3A_549] {strides = array<i32>} : memref<128x64xf32, #tpu.memory_space<vmem>>, vector<16xf32>,
        %parallel_loop3A_551 = arith.addf %parallel_loop3A_550, %get3A_298 : vector<16xf32>
        %parallel_loop3A_552 = arith.constant 0 : i32
        %parallel_loop3A_553 = arith.constant 0 : i32
        %parallel_loop3A_554 = arith.constant 0 : i32
        %parallel_loop3A_555 = tpu.memref_slice %arg9[%parallel_loop3A_321, %parallel_loop3A_552, %parallel_loop3A_553, %parallel_loop3A_554] : memref<4x8x8x145xf32, #tpu.memory_space<vmem>> -> memref<1x8x8x145xf32, #tpu.memory_space<vmem>>
        %parallel_loop3A_556 = tpu.memref_squeeze %parallel_loop3A_555 : memref<1x8x8x145xf32, #tpu.memory_space<vmem>> -> memref<8x8x145xf32, #tpu.memory_space<vmem>>
        tpu.vector_store_idx %parallel_loop3A_556[%add3A_310, %select_n3A_43, %parallel_loop3A_530], %parallel_loop3A_551 : memref<8x8x145xf32, #tpu.memory_space<vmem>>[vector<16xi32>, vector<16xi32>, vector<16xi32>], vector<16xf32>,
        %parallel_loop3A_557 = arith.constant 0 : i32
        %parallel_loop3A_558 = arith.constant 0 : i32
        %parallel_loop3A_559 = tpu.memref_slice %arg8[%parallel_loop3A_320, %parallel_loop3A_557, %parallel_loop3A_558] : memref<4x128x64xf32, #tpu.memory_space<vmem>> -> memref<1x128x64xf32, #tpu.memory_space<vmem>>
        %parallel_loop3A_560 = tpu.memref_squeeze %parallel_loop3A_559 : memref<1x128x64xf32, #tpu.memory_space<vmem>> -> memref<128x64xf32, #tpu.memory_space<vmem>>
        %parallel_loop3A_561 = arith.index_cast %parallel_loop3A_529 : i32 to index
        %parallel_loop3A_562 = arith.constant 32 : index
        %parallel_loop3A_563 = tpu.vector_load %parallel_loop3A_560[%parallel_loop3A_561, %parallel_loop3A_562] {strides = array<i32>} : memref<128x64xf32, #tpu.memory_space<vmem>>, vector<16xf32>,
        %parallel_loop3A_564 = arith.addf %parallel_loop3A_563, %get3A_301 : vector<16xf32>
        %parallel_loop3A_565 = arith.constant 0 : i32
        %parallel_loop3A_566 = arith.constant 0 : i32
        %parallel_loop3A_567 = arith.constant 0 : i32
        %parallel_loop3A_568 = tpu.memref_slice %arg9[%parallel_loop3A_321, %parallel_loop3A_565, %parallel_loop3A_566, %parallel_loop3A_567] : memref<4x8x8x145xf32, #tpu.memory_space<vmem>> -> memref<1x8x8x145xf32, #tpu.memory_space<vmem>>
        %parallel_loop3A_569 = tpu.memref_squeeze %parallel_loop3A_568 : memref<1x8x8x145xf32, #tpu.memory_space<vmem>> -> memref<8x8x145xf32, #tpu.memory_space<vmem>>
        tpu.vector_store_idx %parallel_loop3A_569[%add3A_313, %select_n3A_43, %parallel_loop3A_530], %parallel_loop3A_564 : memref<8x8x145xf32, #tpu.memory_space<vmem>>[vector<16xi32>, vector<16xi32>, vector<16xi32>], vector<16xf32>,
        %parallel_loop3A_570 = arith.constant 0 : i32
        %parallel_loop3A_571 = arith.constant 0 : i32
        %parallel_loop3A_572 = tpu.memref_slice %arg8[%parallel_loop3A_320, %parallel_loop3A_570, %parallel_loop3A_571] : memref<4x128x64xf32, #tpu.memory_space<vmem>> -> memref<1x128x64xf32, #tpu.memory_space<vmem>>
        %parallel_loop3A_573 = tpu.memref_squeeze %parallel_loop3A_572 : memref<1x128x64xf32, #tpu.memory_space<vmem>> -> memref<128x64xf32, #tpu.memory_space<vmem>>
        %parallel_loop3A_574 = arith.index_cast %parallel_loop3A_529 : i32 to index
        %parallel_loop3A_575 = arith.constant 48 : index
        %parallel_loop3A_576 = tpu.vector_load %parallel_loop3A_573[%parallel_loop3A_574, %parallel_loop3A_575] {strides = array<i32>} : memref<128x64xf32, #tpu.memory_space<vmem>>, vector<16xf32>,
        %parallel_loop3A_577 = arith.addf %parallel_loop3A_576, %get3A_304 : vector<16xf32>
        %parallel_loop3A_578 = arith.constant 0 : i32
        %parallel_loop3A_579 = arith.constant 0 : i32
        %parallel_loop3A_580 = arith.constant 0 : i32
        %parallel_loop3A_581 = tpu.memref_slice %arg9[%parallel_loop3A_321, %parallel_loop3A_578, %parallel_loop3A_579, %parallel_loop3A_580] : memref<4x8x8x145xf32, #tpu.memory_space<vmem>> -> memref<1x8x8x145xf32, #tpu.memory_space<vmem>>
        %parallel_loop3A_582 = tpu.memref_squeeze %parallel_loop3A_581 : memref<1x8x8x145xf32, #tpu.memory_space<vmem>> -> memref<8x8x145xf32, #tpu.memory_space<vmem>>
        tpu.vector_store_idx %parallel_loop3A_582[%add3A_316, %select_n3A_43, %parallel_loop3A_530], %parallel_loop3A_577 : memref<8x8x145xf32, #tpu.memory_space<vmem>>[vector<16xi32>, vector<16xi32>, vector<16xi32>], vector<16xf32>,
      } {sc.loop_unroll_factor = 8 : i64, sc.parallel_access}
      %dma_start3A_322 = arith.constant 1 : i32
      %dma_start3A_323 = arith.constant 0 : i32
      %dma_start3A_324 = arith.constant 0 : i32
      %dma_start3A_325 = arith.constant 0 : i32
      %dma_start3A_326 = tpu.memref_slice %arg9[%dma_start3A_322, %dma_start3A_323, %dma_start3A_324, %dma_start3A_325] : memref<4x8x8x145xf32, #tpu.memory_space<vmem>> -> memref<1x8x8x145xf32, #tpu.memory_space<vmem>>
      %dma_start3A_327 = tpu.memref_squeeze %dma_start3A_326 : memref<1x8x8x145xf32, #tpu.memory_space<vmem>> -> memref<8x8x145xf32, #tpu.memory_space<vmem>>
      %dma_start3A_328 = arith.constant 0 : i32
      %dma_start3A_329 = arith.constant 0 : i32
      %dma_start3A_330 = arith.constant 0 : i32
      %dma_start3A_331 = tpu.memref_slice %dma_start3A_327[%dma_start3A_328, %dma_start3A_329, %dma_start3A_330] : memref<8x8x145xf32, #tpu.memory_space<vmem>> -> memref<8x8x128xf32, #tpu.memory_space<vmem>>
      %dma_start3A_332 = arith.constant 0 : i32
      %dma_start3A_333 = arith.constant 0 : i32
      %dma_start3A_334 = arith.constant 0 : i32
      %dma_start3A_335 = tpu.memref_slice %arg5[%add3A_263, %dma_start3A_332, %add3A, %dma_start3A_333, %dma_start3A_334] : memref<200x8x32x8x128xf32, #tpu.memory_space<hbm>> -> memref<1x8x1x8x128xf32, #tpu.memory_space<hbm>>
      %dma_start3A_336 = tpu.memref_squeeze %dma_start3A_335 : memref<1x8x1x8x128xf32, #tpu.memory_space<hbm>> -> memref<8x8x128xf32, #tpu.memory_space<hbm>>
      %dma_start3A_337 = arith.constant 0 : i32
      %dma_start3A_338 = arith.constant 0 : i32
      %dma_start3A_339 = arith.constant 0 : i32
      %dma_start3A_340 = tpu.memref_slice %arg5[%add3A_263, %dma_start3A_337, %add3A, %dma_start3A_338, %dma_start3A_339] : memref<200x8x32x8x128xf32, #tpu.memory_space<hbm>> -> memref<1x8x1x8x128xf32, #tpu.memory_space<hbm>>
      %dma_start3A_341 = tpu.memref_squeeze %dma_start3A_340 : memref<1x8x1x8x128xf32, #tpu.memory_space<hbm>> -> memref<8x8x128xf32, #tpu.memory_space<hbm>>
      %dma_start3A_342 = arith.constant 0 : i32
      %dma_start3A_343 = arith.constant 0 : i32
      %dma_start3A_344 = arith.constant 0 : i32
      %dma_start3A_345 = tpu.memref_slice %arg9[%dma_start3A_322, %dma_start3A_342, %dma_start3A_343, %dma_start3A_344] : memref<4x8x8x145xf32, #tpu.memory_space<vmem>> -> memref<1x8x8x145xf32, #tpu.memory_space<vmem>>
      %dma_start3A_346 = tpu.memref_squeeze %dma_start3A_345 : memref<1x8x8x145xf32, #tpu.memory_space<vmem>> -> memref<8x8x145xf32, #tpu.memory_space<vmem>>
      %dma_start3A_347 = arith.constant 0 : i32
      %dma_start3A_348 = arith.constant 0 : i32
      %dma_start3A_349 = arith.constant 0 : i32
      %dma_start3A_350 = tpu.memref_slice %dma_start3A_346[%dma_start3A_347, %dma_start3A_348, %dma_start3A_349] : memref<8x8x145xf32, #tpu.memory_space<vmem>> -> memref<8x8x128xf32, #tpu.memory_space<vmem>>
      tpu.enqueue_dma source(%dma_start3A_350 : memref<8x8x128xf32, #tpu.memory_space<vmem>>) target(%dma_start3A_341 : memref<8x8x128xf32, #tpu.memory_space<hbm>>) target_semaphore(%arg11 : memref<!tpu.dma_semaphore, #tpu.memory_space<semaphore_mem>>)
      %add3A_351 = arith.constant 2 : i32
      %add3A_352 = arith.addi %add3A_177, %add3A_351 : i32
      %ge3A_353 = arith.constant 4 : i32
      %ge3A_354 = arith.cmpi sge, %add3A_352, %ge3A_353 : i32
      %convert_element_type3A_355 = arith.extui %ge3A_354 : i1 to i32
      %cond3A_356 = arith.constant 0 : i32
      %cond3A_357 = arith.cmpi ne, %convert_element_type3A_355, %cond3A_356 : i32
      scf.if %cond3A_357 {
        %dma_wait3A_529 = arith.constant 2 : i32
        %dma_wait3A_530 = arith.constant 0 : i32
        %dma_wait3A_531 = arith.constant 0 : i32
        %dma_wait3A_532 = arith.constant 0 : i32
        %dma_wait3A_533 = arith.constant 0 : i32
        %dma_wait3A_534 = tpu.memref_slice %arg9[%dma_wait3A_529, %dma_wait3A_531, %dma_wait3A_532, %dma_wait3A_533] : memref<4x8x8x145xf32, #tpu.memory_space<vmem>> -> memref<1x8x8x128xf32, #tpu.memory_space<vmem>>
        %dma_wait3A_535 = tpu.memref_squeeze %dma_wait3A_534 : memref<1x8x8x128xf32, #tpu.memory_space<vmem>> -> memref<8x8x128xf32, #tpu.memory_space<vmem>>
        %dma_wait3A_536 = arith.constant 0 : i32
        %dma_wait3A_537 = arith.constant 0 : i32
        %dma_wait3A_538 = arith.constant 0 : i32
        %dma_wait3A_539 = tpu.memref_slice %arg5[%dma_wait3A_530, %dma_wait3A_536, %add3A, %dma_wait3A_537, %dma_wait3A_538] : memref<200x8x32x8x128xf32, #tpu.memory_space<hbm>> -> memref<1x8x1x8x128xf32, #tpu.memory_space<hbm>>
        %dma_wait3A_540 = tpu.memref_squeeze %dma_wait3A_539 : memref<1x8x1x8x128xf32, #tpu.memory_space<hbm>> -> memref<8x8x128xf32, #tpu.memory_space<hbm>>
        %dma_wait3A_541 = arith.constant 0 : i32
        %dma_wait3A_542 = arith.constant 0 : i32
        %dma_wait3A_543 = arith.constant 0 : i32
        %dma_wait3A_544 = tpu.memref_slice %arg5[%dma_wait3A_530, %dma_wait3A_541, %add3A, %dma_wait3A_542, %dma_wait3A_543] : memref<200x8x32x8x128xf32, #tpu.memory_space<hbm>> -> memref<1x8x1x8x128xf32, #tpu.memory_space<hbm>>
        %dma_wait3A_545 = tpu.memref_squeeze %dma_wait3A_544 : memref<1x8x1x8x128xf32, #tpu.memory_space<hbm>> -> memref<8x8x128xf32, #tpu.memory_space<hbm>>
        %dma_wait3A_546 = arith.constant 0 : i32
        %dma_wait3A_547 = arith.constant 0 : i32
        %dma_wait3A_548 = arith.constant 0 : i32
        %dma_wait3A_549 = tpu.memref_slice %arg9[%dma_wait3A_529, %dma_wait3A_546, %dma_wait3A_547, %dma_wait3A_548] : memref<4x8x8x145xf32, #tpu.memory_space<vmem>> -> memref<1x8x8x128xf32, #tpu.memory_space<vmem>>
        %dma_wait3A_550 = tpu.memref_squeeze %dma_wait3A_549 : memref<1x8x8x128xf32, #tpu.memory_space<vmem>> -> memref<8x8x128xf32, #tpu.memory_space<vmem>>
        tpu.wait_dma2 semaphore(%arg11 : memref<!tpu.dma_semaphore, #tpu.memory_space<semaphore_mem>>) src(%dma_wait3A_550 : memref<8x8x128xf32, #tpu.memory_space<vmem>>) dst(%dma_wait3A_545 : memref<8x8x128xf32, #tpu.memory_space<hbm>>)
      } else {
      }
      %add3A_358 = arith.constant 4 : i32
      %add3A_359 = arith.addi %add3A_352, %add3A_358 : i32
      %sub3A_360 = arith.constant 1 : i32
      %sub3A_361 = arith.subi %add3A_359, %sub3A_360 : i32
      %lt3A_362 = arith.constant 200 : i32
      %lt3A_363 = arith.cmpi slt, %sub3A_361, %lt3A_362 : i32
      %convert_element_type3A_364 = arith.extui %lt3A_363 : i1 to i32
      %cond3A_365 = arith.constant 0 : i32
      %cond3A_366 = arith.cmpi ne, %convert_element_type3A_364, %cond3A_365 : i32
      scf.if %cond3A_366 {
        %add3A_529 = arith.constant 4 : i32
        %add3A_530 = arith.addi %add3A_352, %add3A_529 : i32
        %sub3A_531 = arith.constant 1 : i32
        %sub3A_532 = arith.subi %add3A_530, %sub3A_531 : i32
        %jit3A_533 = arith.constant 8 : i32
        %div3A_534 = arith.divsi %sub3A_532, %jit3A_533 : i32
        %sign3A_535 = arith.constant 0 : i32
        %sign3A_536 = arith.cmpi sgt, %sub3A_532, %sign3A_535 : i32
        %sign3A_537 = arith.extui %sign3A_536 : i1 to i32
        %sign3A_538 = arith.constant 0 : i32
        %sign3A_539 = arith.cmpi slt, %sub3A_532, %sign3A_538 : i32
        %sign3A_540 = arith.extui %sign3A_539 : i1 to i32
        %sign3A_541 = arith.subi %sign3A_537, %sign3A_540 : i32
        %sign3A_542 = arith.constant 0 : i32
        %sign3A_543 = arith.cmpi sgt, %jit3A_533, %sign3A_542 : i32
        %sign3A_544 = arith.extui %sign3A_543 : i1 to i32
        %sign3A_545 = arith.constant 0 : i32
        %sign3A_546 = arith.cmpi slt, %jit3A_533, %sign3A_545 : i32
        %sign3A_547 = arith.extui %sign3A_546 : i1 to i32
        %sign3A_548 = arith.subi %sign3A_544, %sign3A_547 : i32
        %ne3A_549 = arith.cmpi ne, %sign3A_541, %sign3A_548 : i32
        %rem3A_550 = arith.remsi %sub3A_532, %jit3A_533 : i32
        %ne3A_551 = arith.constant 0 : i32
        %ne3A_552 = arith.cmpi ne, %rem3A_550, %ne3A_551 : i32
        %and3A_553 = arith.andi %ne3A_549, %ne3A_552 : i1
        %sub3A_554 = arith.constant 1 : i32
        %sub3A_555 = arith.subi %div3A_534, %sub3A_554 : i32
        %select_n3A_556 = arith.select %and3A_553, %sub3A_555, %div3A_534 : i32
        %jit3A_557 = arith.constant 8 : i32
        %eq3A_558 = arith.constant 0 : i32
        %eq3A_559 = arith.cmpi eq, %jit3A_557, %eq3A_558 : i32
        %jit3A_560 = arith.constant 1 : i32
        %select_n3A_561 = arith.select %eq3A_559, %jit3A_560, %jit3A_557 : i32
        %rem3A_562 = arith.remsi %sub3A_532, %select_n3A_561 : i32
        %ne3A_563 = arith.constant 0 : i32
        %ne3A_564 = arith.cmpi ne, %rem3A_562, %ne3A_563 : i32
        %lt3A_565 = arith.constant 0 : i32
        %lt3A_566 = arith.cmpi slt, %rem3A_562, %lt3A_565 : i32
        %lt3A_567 = arith.constant 0 : i32
        %lt3A_568 = arith.cmpi slt, %select_n3A_561, %lt3A_567 : i32
        %ne3A_569 = arith.xori %lt3A_566, %lt3A_568 : i1
        %and3A_570 = arith.andi %ne3A_569, %ne3A_564 : i1
        %add3A_571 = arith.addi %rem3A_562, %select_n3A_561 : i32
        %select_n3A_572 = arith.select %and3A_570, %add3A_571, %rem3A_562 : i32
        %dma_start3A_573 = arith.constant 1 : i32
        %dma_start3A_574 = arith.constant 0 : i32
        %dma_start3A_575 = arith.constant 0 : i32
        %dma_start3A_576 = tpu.memref_slice %arg8[%dma_start3A_573, %dma_start3A_574, %dma_start3A_575] : memref<4x128x64xf32, #tpu.memory_space<vmem>> -> memref<1x128x64xf32, #tpu.memory_space<vmem>>
        %dma_start3A_577 = tpu.memref_squeeze %dma_start3A_576 : memref<1x128x64xf32, #tpu.memory_space<vmem>> -> memref<128x64xf32, #tpu.memory_space<vmem>>
        %dma_start3A_578 = arith.constant 0 : i32
        %dma_start3A_579 = tpu.memref_slice %arg6[%select_n3A_556, %select_n3A_572, %dma_start3A_578] : memref<25x8x128xi32, #tpu.memory_space<vmem>> -> memref<1x1x128xi32, #tpu.memory_space<vmem>>
        %dma_start3A_580 = tpu.memref_squeeze %dma_start3A_579 : memref<1x1x128xi32, #tpu.memory_space<vmem>> -> memref<128xi32, #tpu.memory_space<vmem>>
        %dma_start3A_581 = arith.constant 0 : i32
        %dma_start3A_582 = arith.constant 0 : i32
        %dma_start3A_583 = tpu.memref_slice %arg3[%dma_start3A_581, %dma_start3A_582] : memref<100000x64xf32, #tpu.memory_space<hbm>> -> memref<100000x64xf32, #tpu.memory_space<hbm>>
        tpu.enqueue_indirect_dma source(%dma_start3A_583 : memref<100000x64xf32, #tpu.memory_space<hbm>>) target(%dma_start3A_577 : memref<128x64xf32, #tpu.memory_space<vmem>>) offsets(%dma_start3A_580 : memref<128xi32, #tpu.memory_space<vmem>>) semaphore(%arg10 : memref<!tpu.dma_semaphore, #tpu.memory_space<semaphore_mem>>)
      } else {
      }
      %dma_wait3A_367 = arith.constant 2 : i32
      %dma_wait3A_368 = arith.constant 0 : i32
      %dma_wait3A_369 = arith.constant 0 : i32
      %dma_wait3A_370 = tpu.memref_slice %arg8[%dma_wait3A_367, %dma_wait3A_368, %dma_wait3A_369] : memref<4x128x64xf32, #tpu.memory_space<vmem>> -> memref<1x128x64xf32, #tpu.memory_space<vmem>>
      %dma_wait3A_371 = tpu.memref_squeeze %dma_wait3A_370 : memref<1x128x64xf32, #tpu.memory_space<vmem>> -> memref<128x64xf32, #tpu.memory_space<vmem>>
      %dma_wait3A_372 = arith.constant 0 : i32
      %dma_wait3A_373 = arith.constant 0 : i32
      %dma_wait3A_374 = tpu.memref_slice %arg3[%dma_wait3A_372, %dma_wait3A_373] : memref<100000x64xf32, #tpu.memory_space<hbm>> -> memref<128x64xf32, #tpu.memory_space<hbm>>
      %dma_wait3A_375 = arith.constant 0 : i32
      %dma_wait3A_376 = arith.constant 0 : i32
      %dma_wait3A_377 = tpu.memref_slice %arg8[%dma_wait3A_367, %dma_wait3A_375, %dma_wait3A_376] : memref<4x128x64xf32, #tpu.memory_space<vmem>> -> memref<1x128x64xf32, #tpu.memory_space<vmem>>
      %dma_wait3A_378 = tpu.memref_squeeze %dma_wait3A_377 : memref<1x128x64xf32, #tpu.memory_space<vmem>> -> memref<128x64xf32, #tpu.memory_space<vmem>>
      %dma_wait3A_379 = arith.constant 0 : i32
      %dma_wait3A_380 = arith.constant 0 : i32
      %dma_wait3A_381 = tpu.memref_slice %arg3[%dma_wait3A_379, %dma_wait3A_380] : memref<100000x64xf32, #tpu.memory_space<hbm>> -> memref<128x64xf32, #tpu.memory_space<hbm>>
      tpu.wait_dma2 semaphore(%arg10 : memref<!tpu.dma_semaphore, #tpu.memory_space<semaphore_mem>>) src(%dma_wait3A_381 : memref<128x64xf32, #tpu.memory_space<hbm>>) dst(%dma_wait3A_378 : memref<128x64xf32, #tpu.memory_space<vmem>>)
      %get3A_382 = arith.index_cast %add3A_352 : i32 to index
      %get3A_383 = arith.constant 0 : index
      %get3A_384 = tpu.vector_load %arg7[%get3A_382, %get3A_383] {strides = array<i32>} : memref<200x64xf32, #tpu.memory_space<vmem>>, vector<16xf32>,
      %get3A_385 = arith.index_cast %add3A_352 : i32 to index
      %get3A_386 = arith.constant 16 : index
      %get3A_387 = tpu.vector_load %arg7[%get3A_385, %get3A_386] {strides = array<i32>} : memref<200x64xf32, #tpu.memory_space<vmem>>, vector<16xf32>,
      %get3A_388 = arith.index_cast %add3A_352 : i32 to index
      %get3A_389 = arith.constant 32 : index
      %get3A_390 = tpu.vector_load %arg7[%get3A_388, %get3A_389] {strides = array<i32>} : memref<200x64xf32, #tpu.memory_space<vmem>>, vector<16xf32>,
      %get3A_391 = arith.index_cast %add3A_352 : i32 to index
      %get3A_392 = arith.constant 48 : index
      %get3A_393 = tpu.vector_load %arg7[%get3A_391, %get3A_392] {strides = array<i32>} : memref<200x64xf32, #tpu.memory_space<vmem>>, vector<16xf32>,
      %add3A_394 = arith.constant 0 : i32
      %add3A_395 = vector.broadcast %add3A_394 : i32 to vector<16xi32>
      %add3A_396 = arith.addi %add3A_395, %select_n3A : vector<16xi32>
      %add3A_397 = arith.constant 2 : i32
      %add3A_398 = vector.broadcast %add3A_397 : i32 to vector<16xi32>
      %add3A_399 = arith.addi %add3A_398, %select_n3A : vector<16xi32>
      %add3A_400 = arith.constant 4 : i32
      %add3A_401 = vector.broadcast %add3A_400 : i32 to vector<16xi32>
      %add3A_402 = arith.addi %add3A_401, %select_n3A : vector<16xi32>
      %add3A_403 = arith.constant 6 : i32
      %add3A_404 = vector.broadcast %add3A_403 : i32 to vector<16xi32>
      %add3A_405 = arith.addi %add3A_404, %select_n3A : vector<16xi32>
      %parallel_loop3A_406 = arith.constant 0 : i32
      %parallel_loop3A_407 = arith.constant 128 : i32
      %parallel_loop3A_408 = arith.constant 1 : i32
      %parallel_loop3A_409 = arith.constant 2 : i32
      %parallel_loop3A_410 = arith.constant 2 : i32
      scf.for %parallel_loop3A_529 = %parallel_loop3A_406 to %parallel_loop3A_407 step %parallel_loop3A_408  : i32 {
        %parallel_loop3A_530 = vector.broadcast %parallel_loop3A_529 : i32 to vector<16xi32>
        %parallel_loop3A_531 = arith.constant 0 : i32
        %parallel_loop3A_532 = arith.constant 0 : i32
        %parallel_loop3A_533 = tpu.memref_slice %arg8[%parallel_loop3A_409, %parallel_loop3A_531, %parallel_loop3A_532] : memref<4x128x64xf32, #tpu.memory_space<vmem>> -> memref<1x128x64xf32, #tpu.memory_space<vmem>>
        %parallel_loop3A_534 = tpu.memref_squeeze %parallel_loop3A_533 : memref<1x128x64xf32, #tpu.memory_space<vmem>> -> memref<128x64xf32, #tpu.memory_space<vmem>>
        %parallel_loop3A_535 = arith.index_cast %parallel_loop3A_529 : i32 to index
        %parallel_loop3A_536 = arith.constant 0 : index
        %parallel_loop3A_537 = tpu.vector_load %parallel_loop3A_534[%parallel_loop3A_535, %parallel_loop3A_536] {strides = array<i32>} : memref<128x64xf32, #tpu.memory_space<vmem>>, vector<16xf32>,
        %parallel_loop3A_538 = arith.addf %parallel_loop3A_537, %get3A_384 : vector<16xf32>
        %parallel_loop3A_539 = arith.constant 0 : i32
        %parallel_loop3A_540 = arith.constant 0 : i32
        %parallel_loop3A_541 = arith.constant 0 : i32
        %parallel_loop3A_542 = tpu.memref_slice %arg9[%parallel_loop3A_410, %parallel_loop3A_539, %parallel_loop3A_540, %parallel_loop3A_541] : memref<4x8x8x145xf32, #tpu.memory_space<vmem>> -> memref<1x8x8x145xf32, #tpu.memory_space<vmem>>
        %parallel_loop3A_543 = tpu.memref_squeeze %parallel_loop3A_542 : memref<1x8x8x145xf32, #tpu.memory_space<vmem>> -> memref<8x8x145xf32, #tpu.memory_space<vmem>>
        tpu.vector_store_idx %parallel_loop3A_543[%add3A_396, %select_n3A_43, %parallel_loop3A_530], %parallel_loop3A_538 : memref<8x8x145xf32, #tpu.memory_space<vmem>>[vector<16xi32>, vector<16xi32>, vector<16xi32>], vector<16xf32>,
        %parallel_loop3A_544 = arith.constant 0 : i32
        %parallel_loop3A_545 = arith.constant 0 : i32
        %parallel_loop3A_546 = tpu.memref_slice %arg8[%parallel_loop3A_409, %parallel_loop3A_544, %parallel_loop3A_545] : memref<4x128x64xf32, #tpu.memory_space<vmem>> -> memref<1x128x64xf32, #tpu.memory_space<vmem>>
        %parallel_loop3A_547 = tpu.memref_squeeze %parallel_loop3A_546 : memref<1x128x64xf32, #tpu.memory_space<vmem>> -> memref<128x64xf32, #tpu.memory_space<vmem>>
        %parallel_loop3A_548 = arith.index_cast %parallel_loop3A_529 : i32 to index
        %parallel_loop3A_549 = arith.constant 16 : index
        %parallel_loop3A_550 = tpu.vector_load %parallel_loop3A_547[%parallel_loop3A_548, %parallel_loop3A_549] {strides = array<i32>} : memref<128x64xf32, #tpu.memory_space<vmem>>, vector<16xf32>,
        %parallel_loop3A_551 = arith.addf %parallel_loop3A_550, %get3A_387 : vector<16xf32>
        %parallel_loop3A_552 = arith.constant 0 : i32
        %parallel_loop3A_553 = arith.constant 0 : i32
        %parallel_loop3A_554 = arith.constant 0 : i32
        %parallel_loop3A_555 = tpu.memref_slice %arg9[%parallel_loop3A_410, %parallel_loop3A_552, %parallel_loop3A_553, %parallel_loop3A_554] : memref<4x8x8x145xf32, #tpu.memory_space<vmem>> -> memref<1x8x8x145xf32, #tpu.memory_space<vmem>>
        %parallel_loop3A_556 = tpu.memref_squeeze %parallel_loop3A_555 : memref<1x8x8x145xf32, #tpu.memory_space<vmem>> -> memref<8x8x145xf32, #tpu.memory_space<vmem>>
        tpu.vector_store_idx %parallel_loop3A_556[%add3A_399, %select_n3A_43, %parallel_loop3A_530], %parallel_loop3A_551 : memref<8x8x145xf32, #tpu.memory_space<vmem>>[vector<16xi32>, vector<16xi32>, vector<16xi32>], vector<16xf32>,
        %parallel_loop3A_557 = arith.constant 0 : i32
        %parallel_loop3A_558 = arith.constant 0 : i32
        %parallel_loop3A_559 = tpu.memref_slice %arg8[%parallel_loop3A_409, %parallel_loop3A_557, %parallel_loop3A_558] : memref<4x128x64xf32, #tpu.memory_space<vmem>> -> memref<1x128x64xf32, #tpu.memory_space<vmem>>
        %parallel_loop3A_560 = tpu.memref_squeeze %parallel_loop3A_559 : memref<1x128x64xf32, #tpu.memory_space<vmem>> -> memref<128x64xf32, #tpu.memory_space<vmem>>
        %parallel_loop3A_561 = arith.index_cast %parallel_loop3A_529 : i32 to index
        %parallel_loop3A_562 = arith.constant 32 : index
        %parallel_loop3A_563 = tpu.vector_load %parallel_loop3A_560[%parallel_loop3A_561, %parallel_loop3A_562] {strides = array<i32>} : memref<128x64xf32, #tpu.memory_space<vmem>>, vector<16xf32>,
        %parallel_loop3A_564 = arith.addf %parallel_loop3A_563, %get3A_390 : vector<16xf32>
        %parallel_loop3A_565 = arith.constant 0 : i32
        %parallel_loop3A_566 = arith.constant 0 : i32
        %parallel_loop3A_567 = arith.constant 0 : i32
        %parallel_loop3A_568 = tpu.memref_slice %arg9[%parallel_loop3A_410, %parallel_loop3A_565, %parallel_loop3A_566, %parallel_loop3A_567] : memref<4x8x8x145xf32, #tpu.memory_space<vmem>> -> memref<1x8x8x145xf32, #tpu.memory_space<vmem>>
        %parallel_loop3A_569 = tpu.memref_squeeze %parallel_loop3A_568 : memref<1x8x8x145xf32, #tpu.memory_space<vmem>> -> memref<8x8x145xf32, #tpu.memory_space<vmem>>
        tpu.vector_store_idx %parallel_loop3A_569[%add3A_402, %select_n3A_43, %parallel_loop3A_530], %parallel_loop3A_564 : memref<8x8x145xf32, #tpu.memory_space<vmem>>[vector<16xi32>, vector<16xi32>, vector<16xi32>], vector<16xf32>,
        %parallel_loop3A_570 = arith.constant 0 : i32
        %parallel_loop3A_571 = arith.constant 0 : i32
        %parallel_loop3A_572 = tpu.memref_slice %arg8[%parallel_loop3A_409, %parallel_loop3A_570, %parallel_loop3A_571] : memref<4x128x64xf32, #tpu.memory_space<vmem>> -> memref<1x128x64xf32, #tpu.memory_space<vmem>>
        %parallel_loop3A_573 = tpu.memref_squeeze %parallel_loop3A_572 : memref<1x128x64xf32, #tpu.memory_space<vmem>> -> memref<128x64xf32, #tpu.memory_space<vmem>>
        %parallel_loop3A_574 = arith.index_cast %parallel_loop3A_529 : i32 to index
        %parallel_loop3A_575 = arith.constant 48 : index
        %parallel_loop3A_576 = tpu.vector_load %parallel_loop3A_573[%parallel_loop3A_574, %parallel_loop3A_575] {strides = array<i32>} : memref<128x64xf32, #tpu.memory_space<vmem>>, vector<16xf32>,
        %parallel_loop3A_577 = arith.addf %parallel_loop3A_576, %get3A_393 : vector<16xf32>
        %parallel_loop3A_578 = arith.constant 0 : i32
        %parallel_loop3A_579 = arith.constant 0 : i32
        %parallel_loop3A_580 = arith.constant 0 : i32
        %parallel_loop3A_581 = tpu.memref_slice %arg9[%parallel_loop3A_410, %parallel_loop3A_578, %parallel_loop3A_579, %parallel_loop3A_580] : memref<4x8x8x145xf32, #tpu.memory_space<vmem>> -> memref<1x8x8x145xf32, #tpu.memory_space<vmem>>
        %parallel_loop3A_582 = tpu.memref_squeeze %parallel_loop3A_581 : memref<1x8x8x145xf32, #tpu.memory_space<vmem>> -> memref<8x8x145xf32, #tpu.memory_space<vmem>>
        tpu.vector_store_idx %parallel_loop3A_582[%add3A_405, %select_n3A_43, %parallel_loop3A_530], %parallel_loop3A_577 : memref<8x8x145xf32, #tpu.memory_space<vmem>>[vector<16xi32>, vector<16xi32>, vector<16xi32>], vector<16xf32>,
      } {sc.loop_unroll_factor = 8 : i64, sc.parallel_access}
      %dma_start3A_411 = arith.constant 2 : i32
      %dma_start3A_412 = arith.constant 0 : i32
      %dma_start3A_413 = arith.constant 0 : i32
      %dma_start3A_414 = arith.constant 0 : i32
      %dma_start3A_415 = tpu.memref_slice %arg9[%dma_start3A_411, %dma_start3A_412, %dma_start3A_413, %dma_start3A_414] : memref<4x8x8x145xf32, #tpu.memory_space<vmem>> -> memref<1x8x8x145xf32, #tpu.memory_space<vmem>>
      %dma_start3A_416 = tpu.memref_squeeze %dma_start3A_415 : memref<1x8x8x145xf32, #tpu.memory_space<vmem>> -> memref<8x8x145xf32, #tpu.memory_space<vmem>>
      %dma_start3A_417 = arith.constant 0 : i32
      %dma_start3A_418 = arith.constant 0 : i32
      %dma_start3A_419 = arith.constant 0 : i32
      %dma_start3A_420 = tpu.memref_slice %dma_start3A_416[%dma_start3A_417, %dma_start3A_418, %dma_start3A_419] : memref<8x8x145xf32, #tpu.memory_space<vmem>> -> memref<8x8x128xf32, #tpu.memory_space<vmem>>
      %dma_start3A_421 = arith.constant 0 : i32
      %dma_start3A_422 = arith.constant 0 : i32
      %dma_start3A_423 = arith.constant 0 : i32
      %dma_start3A_424 = tpu.memref_slice %arg5[%add3A_352, %dma_start3A_421, %add3A, %dma_start3A_422, %dma_start3A_423] : memref<200x8x32x8x128xf32, #tpu.memory_space<hbm>> -> memref<1x8x1x8x128xf32, #tpu.memory_space<hbm>>
      %dma_start3A_425 = tpu.memref_squeeze %dma_start3A_424 : memref<1x8x1x8x128xf32, #tpu.memory_space<hbm>> -> memref<8x8x128xf32, #tpu.memory_space<hbm>>
      %dma_start3A_426 = arith.constant 0 : i32
      %dma_start3A_427 = arith.constant 0 : i32
      %dma_start3A_428 = arith.constant 0 : i32
      %dma_start3A_429 = tpu.memref_slice %arg5[%add3A_352, %dma_start3A_426, %add3A, %dma_start3A_427, %dma_start3A_428] : memref<200x8x32x8x128xf32, #tpu.memory_space<hbm>> -> memref<1x8x1x8x128xf32, #tpu.memory_space<hbm>>
      %dma_start3A_430 = tpu.memref_squeeze %dma_start3A_429 : memref<1x8x1x8x128xf32, #tpu.memory_space<hbm>> -> memref<8x8x128xf32, #tpu.memory_space<hbm>>
      %dma_start3A_431 = arith.constant 0 : i32
      %dma_start3A_432 = arith.constant 0 : i32
      %dma_start3A_433 = arith.constant 0 : i32
      %dma_start3A_434 = tpu.memref_slice %arg9[%dma_start3A_411, %dma_start3A_431, %dma_start3A_432, %dma_start3A_433] : memref<4x8x8x145xf32, #tpu.memory_space<vmem>> -> memref<1x8x8x145xf32, #tpu.memory_space<vmem>>
      %dma_start3A_435 = tpu.memref_squeeze %dma_start3A_434 : memref<1x8x8x145xf32, #tpu.memory_space<vmem>> -> memref<8x8x145xf32, #tpu.memory_space<vmem>>
      %dma_start3A_436 = arith.constant 0 : i32
      %dma_start3A_437 = arith.constant 0 : i32
      %dma_start3A_438 = arith.constant 0 : i32
      %dma_start3A_439 = tpu.memref_slice %dma_start3A_435[%dma_start3A_436, %dma_start3A_437, %dma_start3A_438] : memref<8x8x145xf32, #tpu.memory_space<vmem>> -> memref<8x8x128xf32, #tpu.memory_space<vmem>>
      tpu.enqueue_dma source(%dma_start3A_439 : memref<8x8x128xf32, #tpu.memory_space<vmem>>) target(%dma_start3A_430 : memref<8x8x128xf32, #tpu.memory_space<hbm>>) target_semaphore(%arg11 : memref<!tpu.dma_semaphore, #tpu.memory_space<semaphore_mem>>)
      %add3A_440 = arith.constant 3 : i32
      %add3A_441 = arith.addi %add3A_177, %add3A_440 : i32
      %ge3A_442 = arith.constant 4 : i32
      %ge3A_443 = arith.cmpi sge, %add3A_441, %ge3A_442 : i32
      %convert_element_type3A_444 = arith.extui %ge3A_443 : i1 to i32
      %cond3A_445 = arith.constant 0 : i32
      %cond3A_446 = arith.cmpi ne, %convert_element_type3A_444, %cond3A_445 : i32
      scf.if %cond3A_446 {
        %dma_wait3A_529 = arith.constant 3 : i32
        %dma_wait3A_530 = arith.constant 0 : i32
        %dma_wait3A_531 = arith.constant 0 : i32
        %dma_wait3A_532 = arith.constant 0 : i32
        %dma_wait3A_533 = arith.constant 0 : i32
        %dma_wait3A_534 = tpu.memref_slice %arg9[%dma_wait3A_529, %dma_wait3A_531, %dma_wait3A_532, %dma_wait3A_533] : memref<4x8x8x145xf32, #tpu.memory_space<vmem>> -> memref<1x8x8x128xf32, #tpu.memory_space<vmem>>
        %dma_wait3A_535 = tpu.memref_squeeze %dma_wait3A_534 : memref<1x8x8x128xf32, #tpu.memory_space<vmem>> -> memref<8x8x128xf32, #tpu.memory_space<vmem>>
        %dma_wait3A_536 = arith.constant 0 : i32
        %dma_wait3A_537 = arith.constant 0 : i32
        %dma_wait3A_538 = arith.constant 0 : i32
        %dma_wait3A_539 = tpu.memref_slice %arg5[%dma_wait3A_530, %dma_wait3A_536, %add3A, %dma_wait3A_537, %dma_wait3A_538] : memref<200x8x32x8x128xf32, #tpu.memory_space<hbm>> -> memref<1x8x1x8x128xf32, #tpu.memory_space<hbm>>
        %dma_wait3A_540 = tpu.memref_squeeze %dma_wait3A_539 : memref<1x8x1x8x128xf32, #tpu.memory_space<hbm>> -> memref<8x8x128xf32, #tpu.memory_space<hbm>>
        %dma_wait3A_541 = arith.constant 0 : i32
        %dma_wait3A_542 = arith.constant 0 : i32
        %dma_wait3A_543 = arith.constant 0 : i32
        %dma_wait3A_544 = tpu.memref_slice %arg5[%dma_wait3A_530, %dma_wait3A_541, %add3A, %dma_wait3A_542, %dma_wait3A_543] : memref<200x8x32x8x128xf32, #tpu.memory_space<hbm>> -> memref<1x8x1x8x128xf32, #tpu.memory_space<hbm>>
        %dma_wait3A_545 = tpu.memref_squeeze %dma_wait3A_544 : memref<1x8x1x8x128xf32, #tpu.memory_space<hbm>> -> memref<8x8x128xf32, #tpu.memory_space<hbm>>
        %dma_wait3A_546 = arith.constant 0 : i32
        %dma_wait3A_547 = arith.constant 0 : i32
        %dma_wait3A_548 = arith.constant 0 : i32
        %dma_wait3A_549 = tpu.memref_slice %arg9[%dma_wait3A_529, %dma_wait3A_546, %dma_wait3A_547, %dma_wait3A_548] : memref<4x8x8x145xf32, #tpu.memory_space<vmem>> -> memref<1x8x8x128xf32, #tpu.memory_space<vmem>>
        %dma_wait3A_550 = tpu.memref_squeeze %dma_wait3A_549 : memref<1x8x8x128xf32, #tpu.memory_space<vmem>> -> memref<8x8x128xf32, #tpu.memory_space<vmem>>
        tpu.wait_dma2 semaphore(%arg11 : memref<!tpu.dma_semaphore, #tpu.memory_space<semaphore_mem>>) src(%dma_wait3A_550 : memref<8x8x128xf32, #tpu.memory_space<vmem>>) dst(%dma_wait3A_545 : memref<8x8x128xf32, #tpu.memory_space<hbm>>)
      } else {
      }
      %add3A_447 = arith.constant 4 : i32
      %add3A_448 = arith.addi %add3A_441, %add3A_447 : i32
      %sub3A_449 = arith.constant 1 : i32
      %sub3A_450 = arith.subi %add3A_448, %sub3A_449 : i32
      %lt3A_451 = arith.constant 200 : i32
      %lt3A_452 = arith.cmpi slt, %sub3A_450, %lt3A_451 : i32
      %convert_element_type3A_453 = arith.extui %lt3A_452 : i1 to i32
      %cond3A_454 = arith.constant 0 : i32
      %cond3A_455 = arith.cmpi ne, %convert_element_type3A_453, %cond3A_454 : i32
      scf.if %cond3A_455 {
        %add3A_529 = arith.constant 4 : i32
        %add3A_530 = arith.addi %add3A_441, %add3A_529 : i32
        %sub3A_531 = arith.constant 1 : i32
        %sub3A_532 = arith.subi %add3A_530, %sub3A_531 : i32
        %jit3A_533 = arith.constant 8 : i32
        %div3A_534 = arith.divsi %sub3A_532, %jit3A_533 : i32
        %sign3A_535 = arith.constant 0 : i32
        %sign3A_536 = arith.cmpi sgt, %sub3A_532, %sign3A_535 : i32
        %sign3A_537 = arith.extui %sign3A_536 : i1 to i32
        %sign3A_538 = arith.constant 0 : i32
        %sign3A_539 = arith.cmpi slt, %sub3A_532, %sign3A_538 : i32
        %sign3A_540 = arith.extui %sign3A_539 : i1 to i32
        %sign3A_541 = arith.subi %sign3A_537, %sign3A_540 : i32
        %sign3A_542 = arith.constant 0 : i32
        %sign3A_543 = arith.cmpi sgt, %jit3A_533, %sign3A_542 : i32
        %sign3A_544 = arith.extui %sign3A_543 : i1 to i32
        %sign3A_545 = arith.constant 0 : i32
        %sign3A_546 = arith.cmpi slt, %jit3A_533, %sign3A_545 : i32
        %sign3A_547 = arith.extui %sign3A_546 : i1 to i32
        %sign3A_548 = arith.subi %sign3A_544, %sign3A_547 : i32
        %ne3A_549 = arith.cmpi ne, %sign3A_541, %sign3A_548 : i32
        %rem3A_550 = arith.remsi %sub3A_532, %jit3A_533 : i32
        %ne3A_551 = arith.constant 0 : i32
        %ne3A_552 = arith.cmpi ne, %rem3A_550, %ne3A_551 : i32
        %and3A_553 = arith.andi %ne3A_549, %ne3A_552 : i1
        %sub3A_554 = arith.constant 1 : i32
        %sub3A_555 = arith.subi %div3A_534, %sub3A_554 : i32
        %select_n3A_556 = arith.select %and3A_553, %sub3A_555, %div3A_534 : i32
        %jit3A_557 = arith.constant 8 : i32
        %eq3A_558 = arith.constant 0 : i32
        %eq3A_559 = arith.cmpi eq, %jit3A_557, %eq3A_558 : i32
        %jit3A_560 = arith.constant 1 : i32
        %select_n3A_561 = arith.select %eq3A_559, %jit3A_560, %jit3A_557 : i32
        %rem3A_562 = arith.remsi %sub3A_532, %select_n3A_561 : i32
        %ne3A_563 = arith.constant 0 : i32
        %ne3A_564 = arith.cmpi ne, %rem3A_562, %ne3A_563 : i32
        %lt3A_565 = arith.constant 0 : i32
        %lt3A_566 = arith.cmpi slt, %rem3A_562, %lt3A_565 : i32
        %lt3A_567 = arith.constant 0 : i32
        %lt3A_568 = arith.cmpi slt, %select_n3A_561, %lt3A_567 : i32
        %ne3A_569 = arith.xori %lt3A_566, %lt3A_568 : i1
        %and3A_570 = arith.andi %ne3A_569, %ne3A_564 : i1
        %add3A_571 = arith.addi %rem3A_562, %select_n3A_561 : i32
        %select_n3A_572 = arith.select %and3A_570, %add3A_571, %rem3A_562 : i32
        %dma_start3A_573 = arith.constant 2 : i32
        %dma_start3A_574 = arith.constant 0 : i32
        %dma_start3A_575 = arith.constant 0 : i32
        %dma_start3A_576 = tpu.memref_slice %arg8[%dma_start3A_573, %dma_start3A_574, %dma_start3A_575] : memref<4x128x64xf32, #tpu.memory_space<vmem>> -> memref<1x128x64xf32, #tpu.memory_space<vmem>>
        %dma_start3A_577 = tpu.memref_squeeze %dma_start3A_576 : memref<1x128x64xf32, #tpu.memory_space<vmem>> -> memref<128x64xf32, #tpu.memory_space<vmem>>
        %dma_start3A_578 = arith.constant 0 : i32
        %dma_start3A_579 = tpu.memref_slice %arg6[%select_n3A_556, %select_n3A_572, %dma_start3A_578] : memref<25x8x128xi32, #tpu.memory_space<vmem>> -> memref<1x1x128xi32, #tpu.memory_space<vmem>>
        %dma_start3A_580 = tpu.memref_squeeze %dma_start3A_579 : memref<1x1x128xi32, #tpu.memory_space<vmem>> -> memref<128xi32, #tpu.memory_space<vmem>>
        %dma_start3A_581 = arith.constant 0 : i32
        %dma_start3A_582 = arith.constant 0 : i32
        %dma_start3A_583 = tpu.memref_slice %arg3[%dma_start3A_581, %dma_start3A_582] : memref<100000x64xf32, #tpu.memory_space<hbm>> -> memref<100000x64xf32, #tpu.memory_space<hbm>>
        tpu.enqueue_indirect_dma source(%dma_start3A_583 : memref<100000x64xf32, #tpu.memory_space<hbm>>) target(%dma_start3A_577 : memref<128x64xf32, #tpu.memory_space<vmem>>) offsets(%dma_start3A_580 : memref<128xi32, #tpu.memory_space<vmem>>) semaphore(%arg10 : memref<!tpu.dma_semaphore, #tpu.memory_space<semaphore_mem>>)
      } else {
      }
      %dma_wait3A_456 = arith.constant 3 : i32
      %dma_wait3A_457 = arith.constant 0 : i32
      %dma_wait3A_458 = arith.constant 0 : i32
      %dma_wait3A_459 = tpu.memref_slice %arg8[%dma_wait3A_456, %dma_wait3A_457, %dma_wait3A_458] : memref<4x128x64xf32, #tpu.memory_space<vmem>> -> memref<1x128x64xf32, #tpu.memory_space<vmem>>
      %dma_wait3A_460 = tpu.memref_squeeze %dma_wait3A_459 : memref<1x128x64xf32, #tpu.memory_space<vmem>> -> memref<128x64xf32, #tpu.memory_space<vmem>>
      %dma_wait3A_461 = arith.constant 0 : i32
      %dma_wait3A_462 = arith.constant 0 : i32
      %dma_wait3A_463 = tpu.memref_slice %arg3[%dma_wait3A_461, %dma_wait3A_462] : memref<100000x64xf32, #tpu.memory_space<hbm>> -> memref<128x64xf32, #tpu.memory_space<hbm>>
      %dma_wait3A_464 = arith.constant 0 : i32
      %dma_wait3A_465 = arith.constant 0 : i32
      %dma_wait3A_466 = tpu.memref_slice %arg8[%dma_wait3A_456, %dma_wait3A_464, %dma_wait3A_465] : memref<4x128x64xf32, #tpu.memory_space<vmem>> -> memref<1x128x64xf32, #tpu.memory_space<vmem>>
      %dma_wait3A_467 = tpu.memref_squeeze %dma_wait3A_466 : memref<1x128x64xf32, #tpu.memory_space<vmem>> -> memref<128x64xf32, #tpu.memory_space<vmem>>
      %dma_wait3A_468 = arith.constant 0 : i32
      %dma_wait3A_469 = arith.constant 0 : i32
      %dma_wait3A_470 = tpu.memref_slice %arg3[%dma_wait3A_468, %dma_wait3A_469] : memref<100000x64xf32, #tpu.memory_space<hbm>> -> memref<128x64xf32, #tpu.memory_space<hbm>>
      tpu.wait_dma2 semaphore(%arg10 : memref<!tpu.dma_semaphore, #tpu.memory_space<semaphore_mem>>) src(%dma_wait3A_470 : memref<128x64xf32, #tpu.memory_space<hbm>>) dst(%dma_wait3A_467 : memref<128x64xf32, #tpu.memory_space<vmem>>)
      %get3A_471 = arith.index_cast %add3A_441 : i32 to index
      %get3A_472 = arith.constant 0 : index
      %get3A_473 = tpu.vector_load %arg7[%get3A_471, %get3A_472] {strides = array<i32>} : memref<200x64xf32, #tpu.memory_space<vmem>>, vector<16xf32>,
      %get3A_474 = arith.index_cast %add3A_441 : i32 to index
      %get3A_475 = arith.constant 16 : index
      %get3A_476 = tpu.vector_load %arg7[%get3A_474, %get3A_475] {strides = array<i32>} : memref<200x64xf32, #tpu.memory_space<vmem>>, vector<16xf32>,
      %get3A_477 = arith.index_cast %add3A_441 : i32 to index
      %get3A_478 = arith.constant 32 : index
      %get3A_479 = tpu.vector_load %arg7[%get3A_477, %get3A_478] {strides = array<i32>} : memref<200x64xf32, #tpu.memory_space<vmem>>, vector<16xf32>,
      %get3A_480 = arith.index_cast %add3A_441 : i32 to index
      %get3A_481 = arith.constant 48 : index
      %get3A_482 = tpu.vector_load %arg7[%get3A_480, %get3A_481] {strides = array<i32>} : memref<200x64xf32, #tpu.memory_space<vmem>>, vector<16xf32>,
      %add3A_483 = arith.constant 0 : i32
      %add3A_484 = vector.broadcast %add3A_483 : i32 to vector<16xi32>
      %add3A_485 = arith.addi %add3A_484, %select_n3A : vector<16xi32>
      %add3A_486 = arith.constant 2 : i32
      %add3A_487 = vector.broadcast %add3A_486 : i32 to vector<16xi32>
      %add3A_488 = arith.addi %add3A_487, %select_n3A : vector<16xi32>
      %add3A_489 = arith.constant 4 : i32
      %add3A_490 = vector.broadcast %add3A_489 : i32 to vector<16xi32>
      %add3A_491 = arith.addi %add3A_490, %select_n3A : vector<16xi32>
      %add3A_492 = arith.constant 6 : i32
      %add3A_493 = vector.broadcast %add3A_492 : i32 to vector<16xi32>
      %add3A_494 = arith.addi %add3A_493, %select_n3A : vector<16xi32>
      %parallel_loop3A_495 = arith.constant 0 : i32
      %parallel_loop3A_496 = arith.constant 128 : i32
      %parallel_loop3A_497 = arith.constant 1 : i32
      %parallel_loop3A_498 = arith.constant 3 : i32
      %parallel_loop3A_499 = arith.constant 3 : i32
      scf.for %parallel_loop3A_529 = %parallel_loop3A_495 to %parallel_loop3A_496 step %parallel_loop3A_497  : i32 {
        %parallel_loop3A_530 = vector.broadcast %parallel_loop3A_529 : i32 to vector<16xi32>
        %parallel_loop3A_531 = arith.constant 0 : i32
        %parallel_loop3A_532 = arith.constant 0 : i32
        %parallel_loop3A_533 = tpu.memref_slice %arg8[%parallel_loop3A_498, %parallel_loop3A_531, %parallel_loop3A_532] : memref<4x128x64xf32, #tpu.memory_space<vmem>> -> memref<1x128x64xf32, #tpu.memory_space<vmem>>
        %parallel_loop3A_534 = tpu.memref_squeeze %parallel_loop3A_533 : memref<1x128x64xf32, #tpu.memory_space<vmem>> -> memref<128x64xf32, #tpu.memory_space<vmem>>
        %parallel_loop3A_535 = arith.index_cast %parallel_loop3A_529 : i32 to index
        %parallel_loop3A_536 = arith.constant 0 : index
        %parallel_loop3A_537 = tpu.vector_load %parallel_loop3A_534[%parallel_loop3A_535, %parallel_loop3A_536] {strides = array<i32>} : memref<128x64xf32, #tpu.memory_space<vmem>>, vector<16xf32>,
        %parallel_loop3A_538 = arith.addf %parallel_loop3A_537, %get3A_473 : vector<16xf32>
        %parallel_loop3A_539 = arith.constant 0 : i32
        %parallel_loop3A_540 = arith.constant 0 : i32
        %parallel_loop3A_541 = arith.constant 0 : i32
        %parallel_loop3A_542 = tpu.memref_slice %arg9[%parallel_loop3A_499, %parallel_loop3A_539, %parallel_loop3A_540, %parallel_loop3A_541] : memref<4x8x8x145xf32, #tpu.memory_space<vmem>> -> memref<1x8x8x145xf32, #tpu.memory_space<vmem>>
        %parallel_loop3A_543 = tpu.memref_squeeze %parallel_loop3A_542 : memref<1x8x8x145xf32, #tpu.memory_space<vmem>> -> memref<8x8x145xf32, #tpu.memory_space<vmem>>
        tpu.vector_store_idx %parallel_loop3A_543[%add3A_485, %select_n3A_43, %parallel_loop3A_530], %parallel_loop3A_538 : memref<8x8x145xf32, #tpu.memory_space<vmem>>[vector<16xi32>, vector<16xi32>, vector<16xi32>], vector<16xf32>,
        %parallel_loop3A_544 = arith.constant 0 : i32
        %parallel_loop3A_545 = arith.constant 0 : i32
        %parallel_loop3A_546 = tpu.memref_slice %arg8[%parallel_loop3A_498, %parallel_loop3A_544, %parallel_loop3A_545] : memref<4x128x64xf32, #tpu.memory_space<vmem>> -> memref<1x128x64xf32, #tpu.memory_space<vmem>>
        %parallel_loop3A_547 = tpu.memref_squeeze %parallel_loop3A_546 : memref<1x128x64xf32, #tpu.memory_space<vmem>> -> memref<128x64xf32, #tpu.memory_space<vmem>>
        %parallel_loop3A_548 = arith.index_cast %parallel_loop3A_529 : i32 to index
        %parallel_loop3A_549 = arith.constant 16 : index
        %parallel_loop3A_550 = tpu.vector_load %parallel_loop3A_547[%parallel_loop3A_548, %parallel_loop3A_549] {strides = array<i32>} : memref<128x64xf32, #tpu.memory_space<vmem>>, vector<16xf32>,
        %parallel_loop3A_551 = arith.addf %parallel_loop3A_550, %get3A_476 : vector<16xf32>
        %parallel_loop3A_552 = arith.constant 0 : i32
        %parallel_loop3A_553 = arith.constant 0 : i32
        %parallel_loop3A_554 = arith.constant 0 : i32
        %parallel_loop3A_555 = tpu.memref_slice %arg9[%parallel_loop3A_499, %parallel_loop3A_552, %parallel_loop3A_553, %parallel_loop3A_554] : memref<4x8x8x145xf32, #tpu.memory_space<vmem>> -> memref<1x8x8x145xf32, #tpu.memory_space<vmem>>
        %parallel_loop3A_556 = tpu.memref_squeeze %parallel_loop3A_555 : memref<1x8x8x145xf32, #tpu.memory_space<vmem>> -> memref<8x8x145xf32, #tpu.memory_space<vmem>>
        tpu.vector_store_idx %parallel_loop3A_556[%add3A_488, %select_n3A_43, %parallel_loop3A_530], %parallel_loop3A_551 : memref<8x8x145xf32, #tpu.memory_space<vmem>>[vector<16xi32>, vector<16xi32>, vector<16xi32>], vector<16xf32>,
        %parallel_loop3A_557 = arith.constant 0 : i32
        %parallel_loop3A_558 = arith.constant 0 : i32
        %parallel_loop3A_559 = tpu.memref_slice %arg8[%parallel_loop3A_498, %parallel_loop3A_557, %parallel_loop3A_558] : memref<4x128x64xf32, #tpu.memory_space<vmem>> -> memref<1x128x64xf32, #tpu.memory_space<vmem>>
        %parallel_loop3A_560 = tpu.memref_squeeze %parallel_loop3A_559 : memref<1x128x64xf32, #tpu.memory_space<vmem>> -> memref<128x64xf32, #tpu.memory_space<vmem>>
        %parallel_loop3A_561 = arith.index_cast %parallel_loop3A_529 : i32 to index
        %parallel_loop3A_562 = arith.constant 32 : index
        %parallel_loop3A_563 = tpu.vector_load %parallel_loop3A_560[%parallel_loop3A_561, %parallel_loop3A_562] {strides = array<i32>} : memref<128x64xf32, #tpu.memory_space<vmem>>, vector<16xf32>,
        %parallel_loop3A_564 = arith.addf %parallel_loop3A_563, %get3A_479 : vector<16xf32>
        %parallel_loop3A_565 = arith.constant 0 : i32
        %parallel_loop3A_566 = arith.constant 0 : i32
        %parallel_loop3A_567 = arith.constant 0 : i32
        %parallel_loop3A_568 = tpu.memref_slice %arg9[%parallel_loop3A_499, %parallel_loop3A_565, %parallel_loop3A_566, %parallel_loop3A_567] : memref<4x8x8x145xf32, #tpu.memory_space<vmem>> -> memref<1x8x8x145xf32, #tpu.memory_space<vmem>>
        %parallel_loop3A_569 = tpu.memref_squeeze %parallel_loop3A_568 : memref<1x8x8x145xf32, #tpu.memory_space<vmem>> -> memref<8x8x145xf32, #tpu.memory_space<vmem>>
        tpu.vector_store_idx %parallel_loop3A_569[%add3A_491, %select_n3A_43, %parallel_loop3A_530], %parallel_loop3A_564 : memref<8x8x145xf32, #tpu.memory_space<vmem>>[vector<16xi32>, vector<16xi32>, vector<16xi32>], vector<16xf32>,
        %parallel_loop3A_570 = arith.constant 0 : i32
        %parallel_loop3A_571 = arith.constant 0 : i32
        %parallel_loop3A_572 = tpu.memref_slice %arg8[%parallel_loop3A_498, %parallel_loop3A_570, %parallel_loop3A_571] : memref<4x128x64xf32, #tpu.memory_space<vmem>> -> memref<1x128x64xf32, #tpu.memory_space<vmem>>
        %parallel_loop3A_573 = tpu.memref_squeeze %parallel_loop3A_572 : memref<1x128x64xf32, #tpu.memory_space<vmem>> -> memref<128x64xf32, #tpu.memory_space<vmem>>
        %parallel_loop3A_574 = arith.index_cast %parallel_loop3A_529 : i32 to index
        %parallel_loop3A_575 = arith.constant 48 : index
        %parallel_loop3A_576 = tpu.vector_load %parallel_loop3A_573[%parallel_loop3A_574, %parallel_loop3A_575] {strides = array<i32>} : memref<128x64xf32, #tpu.memory_space<vmem>>, vector<16xf32>,
        %parallel_loop3A_577 = arith.addf %parallel_loop3A_576, %get3A_482 : vector<16xf32>
        %parallel_loop3A_578 = arith.constant 0 : i32
        %parallel_loop3A_579 = arith.constant 0 : i32
        %parallel_loop3A_580 = arith.constant 0 : i32
        %parallel_loop3A_581 = tpu.memref_slice %arg9[%parallel_loop3A_499, %parallel_loop3A_578, %parallel_loop3A_579, %parallel_loop3A_580] : memref<4x8x8x145xf32, #tpu.memory_space<vmem>> -> memref<1x8x8x145xf32, #tpu.memory_space<vmem>>
        %parallel_loop3A_582 = tpu.memref_squeeze %parallel_loop3A_581 : memref<1x8x8x145xf32, #tpu.memory_space<vmem>> -> memref<8x8x145xf32, #tpu.memory_space<vmem>>
        tpu.vector_store_idx %parallel_loop3A_582[%add3A_494, %select_n3A_43, %parallel_loop3A_530], %parallel_loop3A_577 : memref<8x8x145xf32, #tpu.memory_space<vmem>>[vector<16xi32>, vector<16xi32>, vector<16xi32>], vector<16xf32>,
      } {sc.loop_unroll_factor = 8 : i64, sc.parallel_access}
      %dma_start3A_500 = arith.constant 3 : i32
      %dma_start3A_501 = arith.constant 0 : i32
      %dma_start3A_502 = arith.constant 0 : i32
      %dma_start3A_503 = arith.constant 0 : i32
      %dma_start3A_504 = tpu.memref_slice %arg9[%dma_start3A_500, %dma_start3A_501, %dma_start3A_502, %dma_start3A_503] : memref<4x8x8x145xf32, #tpu.memory_space<vmem>> -> memref<1x8x8x145xf32, #tpu.memory_space<vmem>>
      %dma_start3A_505 = tpu.memref_squeeze %dma_start3A_504 : memref<1x8x8x145xf32, #tpu.memory_space<vmem>> -> memref<8x8x145xf32, #tpu.memory_space<vmem>>
      %dma_start3A_506 = arith.constant 0 : i32
      %dma_start3A_507 = arith.constant 0 : i32
      %dma_start3A_508 = arith.constant 0 : i32
      %dma_start3A_509 = tpu.memref_slice %dma_start3A_505[%dma_start3A_506, %dma_start3A_507, %dma_start3A_508] : memref<8x8x145xf32, #tpu.memory_space<vmem>> -> memref<8x8x128xf32, #tpu.memory_space<vmem>>
      %dma_start3A_510 = arith.constant 0 : i32
      %dma_start3A_511 = arith.constant 0 : i32
      %dma_start3A_512 = arith.constant 0 : i32
      %dma_start3A_513 = tpu.memref_slice %arg5[%add3A_441, %dma_start3A_510, %add3A, %dma_start3A_511, %dma_start3A_512] : memref<200x8x32x8x128xf32, #tpu.memory_space<hbm>> -> memref<1x8x1x8x128xf32, #tpu.memory_space<hbm>>
      %dma_start3A_514 = tpu.memref_squeeze %dma_start3A_513 : memref<1x8x1x8x128xf32, #tpu.memory_space<hbm>> -> memref<8x8x128xf32, #tpu.memory_space<hbm>>
      %dma_start3A_515 = arith.constant 0 : i32
      %dma_start3A_516 = arith.constant 0 : i32
      %dma_start3A_517 = arith.constant 0 : i32
      %dma_start3A_518 = tpu.memref_slice %arg5[%add3A_441, %dma_start3A_515, %add3A, %dma_start3A_516, %dma_start3A_517] : memref<200x8x32x8x128xf32, #tpu.memory_space<hbm>> -> memref<1x8x1x8x128xf32, #tpu.memory_space<hbm>>
      %dma_start3A_519 = tpu.memref_squeeze %dma_start3A_518 : memref<1x8x1x8x128xf32, #tpu.memory_space<hbm>> -> memref<8x8x128xf32, #tpu.memory_space<hbm>>
      %dma_start3A_520 = arith.constant 0 : i32
      %dma_start3A_521 = arith.constant 0 : i32
      %dma_start3A_522 = arith.constant 0 : i32
      %dma_start3A_523 = tpu.memref_slice %arg9[%dma_start3A_500, %dma_start3A_520, %dma_start3A_521, %dma_start3A_522] : memref<4x8x8x145xf32, #tpu.memory_space<vmem>> -> memref<1x8x8x145xf32, #tpu.memory_space<vmem>>
      %dma_start3A_524 = tpu.memref_squeeze %dma_start3A_523 : memref<1x8x8x145xf32, #tpu.memory_space<vmem>> -> memref<8x8x145xf32, #tpu.memory_space<vmem>>
      %dma_start3A_525 = arith.constant 0 : i32
      %dma_start3A_526 = arith.constant 0 : i32
      %dma_start3A_527 = arith.constant 0 : i32
      %dma_start3A_528 = tpu.memref_slice %dma_start3A_524[%dma_start3A_525, %dma_start3A_526, %dma_start3A_527] : memref<8x8x145xf32, #tpu.memory_space<vmem>> -> memref<8x8x128xf32, #tpu.memory_space<vmem>>
      tpu.enqueue_dma source(%dma_start3A_528 : memref<8x8x128xf32, #tpu.memory_space<vmem>>) target(%dma_start3A_519 : memref<8x8x128xf32, #tpu.memory_space<hbm>>) target_semaphore(%arg11 : memref<!tpu.dma_semaphore, #tpu.memory_space<semaphore_mem>>)
    }
    %scan3A_85 = arith.constant 50 : i32
    %dma_wait3A = arith.constant 0 : i32
    %dma_wait3A_86 = arith.constant 0 : i32
    %dma_wait3A_87 = arith.constant 0 : i32
    %dma_wait3A_88 = arith.constant 0 : i32
    %dma_wait3A_89 = arith.constant 0 : i32
    %dma_wait3A_90 = tpu.memref_slice %arg9[%dma_wait3A, %dma_wait3A_87, %dma_wait3A_88, %dma_wait3A_89] : memref<4x8x8x145xf32, #tpu.memory_space<vmem>> -> memref<1x8x8x128xf32, #tpu.memory_space<vmem>>
    %dma_wait3A_91 = tpu.memref_squeeze %dma_wait3A_90 : memref<1x8x8x128xf32, #tpu.memory_space<vmem>> -> memref<8x8x128xf32, #tpu.memory_space<vmem>>
    %dma_wait3A_92 = arith.constant 0 : i32
    %dma_wait3A_93 = arith.constant 0 : i32
    %dma_wait3A_94 = arith.constant 0 : i32
    %dma_wait3A_95 = tpu.memref_slice %arg5[%dma_wait3A_86, %dma_wait3A_92, %add3A, %dma_wait3A_93, %dma_wait3A_94] : memref<200x8x32x8x128xf32, #tpu.memory_space<hbm>> -> memref<1x8x1x8x128xf32, #tpu.memory_space<hbm>>
    %dma_wait3A_96 = tpu.memref_squeeze %dma_wait3A_95 : memref<1x8x1x8x128xf32, #tpu.memory_space<hbm>> -> memref<8x8x128xf32, #tpu.memory_space<hbm>>
    %dma_wait3A_97 = arith.constant 0 : i32
    %dma_wait3A_98 = arith.constant 0 : i32
    %dma_wait3A_99 = arith.constant 0 : i32
    %dma_wait3A_100 = tpu.memref_slice %arg5[%dma_wait3A_86, %dma_wait3A_97, %add3A, %dma_wait3A_98, %dma_wait3A_99] : memref<200x8x32x8x128xf32, #tpu.memory_space<hbm>> -> memref<1x8x1x8x128xf32, #tpu.memory_space<hbm>>
    %dma_wait3A_101 = tpu.memref_squeeze %dma_wait3A_100 : memref<1x8x1x8x128xf32, #tpu.memory_space<hbm>> -> memref<8x8x128xf32, #tpu.memory_space<hbm>>
    %dma_wait3A_102 = arith.constant 0 : i32
    %dma_wait3A_103 = arith.constant 0 : i32
    %dma_wait3A_104 = arith.constant 0 : i32
    %dma_wait3A_105 = tpu.memref_slice %arg9[%dma_wait3A, %dma_wait3A_102, %dma_wait3A_103, %dma_wait3A_104] : memref<4x8x8x145xf32, #tpu.memory_space<vmem>> -> memref<1x8x8x128xf32, #tpu.memory_space<vmem>>
    %dma_wait3A_106 = tpu.memref_squeeze %dma_wait3A_105 : memref<1x8x8x128xf32, #tpu.memory_space<vmem>> -> memref<8x8x128xf32, #tpu.memory_space<vmem>>
    tpu.wait_dma2 semaphore(%arg11 : memref<!tpu.dma_semaphore, #tpu.memory_space<semaphore_mem>>) src(%dma_wait3A_106 : memref<8x8x128xf32, #tpu.memory_space<vmem>>) dst(%dma_wait3A_101 : memref<8x8x128xf32, #tpu.memory_space<hbm>>)
    %dma_wait3A_107 = arith.constant 1 : i32
    %dma_wait3A_108 = arith.constant 0 : i32
    %dma_wait3A_109 = arith.constant 0 : i32
    %dma_wait3A_110 = arith.constant 0 : i32
    %dma_wait3A_111 = arith.constant 0 : i32
    %dma_wait3A_112 = tpu.memref_slice %arg9[%dma_wait3A_107, %dma_wait3A_109, %dma_wait3A_110, %dma_wait3A_111] : memref<4x8x8x145xf32, #tpu.memory_space<vmem>> -> memref<1x8x8x128xf32, #tpu.memory_space<vmem>>
    %dma_wait3A_113 = tpu.memref_squeeze %dma_wait3A_112 : memref<1x8x8x128xf32, #tpu.memory_space<vmem>> -> memref<8x8x128xf32, #tpu.memory_space<vmem>>
    %dma_wait3A_114 = arith.constant 0 : i32
    %dma_wait3A_115 = arith.constant 0 : i32
    %dma_wait3A_116 = arith.constant 0 : i32
    %dma_wait3A_117 = tpu.memref_slice %arg5[%dma_wait3A_108, %dma_wait3A_114, %add3A, %dma_wait3A_115, %dma_wait3A_116] : memref<200x8x32x8x128xf32, #tpu.memory_space<hbm>> -> memref<1x8x1x8x128xf32, #tpu.memory_space<hbm>>
    %dma_wait3A_118 = tpu.memref_squeeze %dma_wait3A_117 : memref<1x8x1x8x128xf32, #tpu.memory_space<hbm>> -> memref<8x8x128xf32, #tpu.memory_space<hbm>>
    %dma_wait3A_119 = arith.constant 0 : i32
    %dma_wait3A_120 = arith.constant 0 : i32
    %dma_wait3A_121 = arith.constant 0 : i32
    %dma_wait3A_122 = tpu.memref_slice %arg5[%dma_wait3A_108, %dma_wait3A_119, %add3A, %dma_wait3A_120, %dma_wait3A_121] : memref<200x8x32x8x128xf32, #tpu.memory_space<hbm>> -> memref<1x8x1x8x128xf32, #tpu.memory_space<hbm>>
    %dma_wait3A_123 = tpu.memref_squeeze %dma_wait3A_122 : memref<1x8x1x8x128xf32, #tpu.memory_space<hbm>> -> memref<8x8x128xf32, #tpu.memory_space<hbm>>
    %dma_wait3A_124 = arith.constant 0 : i32
    %dma_wait3A_125 = arith.constant 0 : i32
    %dma_wait3A_126 = arith.constant 0 : i32
    %dma_wait3A_127 = tpu.memref_slice %arg9[%dma_wait3A_107, %dma_wait3A_124, %dma_wait3A_125, %dma_wait3A_126] : memref<4x8x8x145xf32, #tpu.memory_space<vmem>> -> memref<1x8x8x128xf32, #tpu.memory_space<vmem>>
    %dma_wait3A_128 = tpu.memref_squeeze %dma_wait3A_127 : memref<1x8x8x128xf32, #tpu.memory_space<vmem>> -> memref<8x8x128xf32, #tpu.memory_space<vmem>>
    tpu.wait_dma2 semaphore(%arg11 : memref<!tpu.dma_semaphore, #tpu.memory_space<semaphore_mem>>) src(%dma_wait3A_128 : memref<8x8x128xf32, #tpu.memory_space<vmem>>) dst(%dma_wait3A_123 : memref<8x8x128xf32, #tpu.memory_space<hbm>>)
    %dma_wait3A_129 = arith.constant 2 : i32
    %dma_wait3A_130 = arith.constant 0 : i32
    %dma_wait3A_131 = arith.constant 0 : i32
    %dma_wait3A_132 = arith.constant 0 : i32
    %dma_wait3A_133 = arith.constant 0 : i32
    %dma_wait3A_134 = tpu.memref_slice %arg9[%dma_wait3A_129, %dma_wait3A_131, %dma_wait3A_132, %dma_wait3A_133] : memref<4x8x8x145xf32, #tpu.memory_space<vmem>> -> memref<1x8x8x128xf32, #tpu.memory_space<vmem>>
    %dma_wait3A_135 = tpu.memref_squeeze %dma_wait3A_134 : memref<1x8x8x128xf32, #tpu.memory_space<vmem>> -> memref<8x8x128xf32, #tpu.memory_space<vmem>>
    %dma_wait3A_136 = arith.constant 0 : i32
    %dma_wait3A_137 = arith.constant 0 : i32
    %dma_wait3A_138 = arith.constant 0 : i32
    %dma_wait3A_139 = tpu.memref_slice %arg5[%dma_wait3A_130, %dma_wait3A_136, %add3A, %dma_wait3A_137, %dma_wait3A_138] : memref<200x8x32x8x128xf32, #tpu.memory_space<hbm>> -> memref<1x8x1x8x128xf32, #tpu.memory_space<hbm>>
    %dma_wait3A_140 = tpu.memref_squeeze %dma_wait3A_139 : memref<1x8x1x8x128xf32, #tpu.memory_space<hbm>> -> memref<8x8x128xf32, #tpu.memory_space<hbm>>
    %dma_wait3A_141 = arith.constant 0 : i32
    %dma_wait3A_142 = arith.constant 0 : i32
    %dma_wait3A_143 = arith.constant 0 : i32
    %dma_wait3A_144 = tpu.memref_slice %arg5[%dma_wait3A_130, %dma_wait3A_141, %add3A, %dma_wait3A_142, %dma_wait3A_143] : memref<200x8x32x8x128xf32, #tpu.memory_space<hbm>> -> memref<1x8x1x8x128xf32, #tpu.memory_space<hbm>>
    %dma_wait3A_145 = tpu.memref_squeeze %dma_wait3A_144 : memref<1x8x1x8x128xf32, #tpu.memory_space<hbm>> -> memref<8x8x128xf32, #tpu.memory_space<hbm>>
    %dma_wait3A_146 = arith.constant 0 : i32
    %dma_wait3A_147 = arith.constant 0 : i32
    %dma_wait3A_148 = arith.constant 0 : i32
    %dma_wait3A_149 = tpu.memref_slice %arg9[%dma_wait3A_129, %dma_wait3A_146, %dma_wait3A_147, %dma_wait3A_148] : memref<4x8x8x145xf32, #tpu.memory_space<vmem>> -> memref<1x8x8x128xf32, #tpu.memory_space<vmem>>
    %dma_wait3A_150 = tpu.memref_squeeze %dma_wait3A_149 : memref<1x8x8x128xf32, #tpu.memory_space<vmem>> -> memref<8x8x128xf32, #tpu.memory_space<vmem>>
    tpu.wait_dma2 semaphore(%arg11 : memref<!tpu.dma_semaphore, #tpu.memory_space<semaphore_mem>>) src(%dma_wait3A_150 : memref<8x8x128xf32, #tpu.memory_space<vmem>>) dst(%dma_wait3A_145 : memref<8x8x128xf32, #tpu.memory_space<hbm>>)
    %dma_wait3A_151 = arith.constant 3 : i32
    %dma_wait3A_152 = arith.constant 0 : i32
    %dma_wait3A_153 = arith.constant 0 : i32
    %dma_wait3A_154 = arith.constant 0 : i32
    %dma_wait3A_155 = arith.constant 0 : i32
    %dma_wait3A_156 = tpu.memref_slice %arg9[%dma_wait3A_151, %dma_wait3A_153, %dma_wait3A_154, %dma_wait3A_155] : memref<4x8x8x145xf32, #tpu.memory_space<vmem>> -> memref<1x8x8x128xf32, #tpu.memory_space<vmem>>
    %dma_wait3A_157 = tpu.memref_squeeze %dma_wait3A_156 : memref<1x8x8x128xf32, #tpu.memory_space<vmem>> -> memref<8x8x128xf32, #tpu.memory_space<vmem>>
    %dma_wait3A_158 = arith.constant 0 : i32
    %dma_wait3A_159 = arith.constant 0 : i32
    %dma_wait3A_160 = arith.constant 0 : i32
    %dma_wait3A_161 = tpu.memref_slice %arg5[%dma_wait3A_152, %dma_wait3A_158, %add3A, %dma_wait3A_159, %dma_wait3A_160] : memref<200x8x32x8x128xf32, #tpu.memory_space<hbm>> -> memref<1x8x1x8x128xf32, #tpu.memory_space<hbm>>
    %dma_wait3A_162 = tpu.memref_squeeze %dma_wait3A_161 : memref<1x8x1x8x128xf32, #tpu.memory_space<hbm>> -> memref<8x8x128xf32, #tpu.memory_space<hbm>>
    %dma_wait3A_163 = arith.constant 0 : i32
    %dma_wait3A_164 = arith.constant 0 : i32
    %dma_wait3A_165 = arith.constant 0 : i32
    %dma_wait3A_166 = tpu.memref_slice %arg5[%dma_wait3A_152, %dma_wait3A_163, %add3A, %dma_wait3A_164, %dma_wait3A_165] : memref<200x8x32x8x128xf32, #tpu.memory_space<hbm>> -> memref<1x8x1x8x128xf32, #tpu.memory_space<hbm>>
    %dma_wait3A_167 = tpu.memref_squeeze %dma_wait3A_166 : memref<1x8x1x8x128xf32, #tpu.memory_space<hbm>> -> memref<8x8x128xf32, #tpu.memory_space<hbm>>
    %dma_wait3A_168 = arith.constant 0 : i32
    %dma_wait3A_169 = arith.constant 0 : i32
    %dma_wait3A_170 = arith.constant 0 : i32
    %dma_wait3A_171 = tpu.memref_slice %arg9[%dma_wait3A_151, %dma_wait3A_168, %dma_wait3A_169, %dma_wait3A_170] : memref<4x8x8x145xf32, #tpu.memory_space<vmem>> -> memref<1x8x8x128xf32, #tpu.memory_space<vmem>>
    %dma_wait3A_172 = tpu.memref_squeeze %dma_wait3A_171 : memref<1x8x8x128xf32, #tpu.memory_space<vmem>> -> memref<8x8x128xf32, #tpu.memory_space<vmem>>
    tpu.wait_dma2 semaphore(%arg11 : memref<!tpu.dma_semaphore, #tpu.memory_space<semaphore_mem>>) src(%dma_wait3A_172 : memref<8x8x128xf32, #tpu.memory_space<vmem>>) dst(%dma_wait3A_167 : memref<8x8x128xf32, #tpu.memory_space<hbm>>)
    return
  }
}

</mosaic_0001>

<sc_bundles>
// kernel: kernel.3.cloned.1.call-start
scs
__scs_entry_jumppad:
0x0: {  	(pc) =	sbr.rel $0x88, $3  }
0x1: {  	(tag) =	ssettag $0x0;
	lr =	simm.s32 $0x1  }
0x2: {  	[smem:$0x3F9E] =	sst lr;
	_ =	strace $0xD0000000  }
0x3: {  	_ = 	snop  }
0x4: {  	_ = 	snop  }
0x5: {  	_ = 	snop  }
0x6: {  	_ = 	snop  }
0x7: {  	_ = 	snop  }
__scs_overlays_trampoline_lowered:
0x8: {  	[smem:$0x3FAD] =	sst s0  }
0x9: {  	[smem:$0x3FAE] =	sst s1  }
0xa: {  	[smem:$0x3FAF] =	sst s2  }
0xb: {  	[smem:$0x3FB0] =	sst s3  }
0xc: {  	[smem:$0x3FB1] =	sst s4  }
0xd: {  	[smem:$0x3FB2] =	sst s5  }
0xe: {  	[smem:$0x3FB3] =	sst s6  }
0xf: {  	[smem:$0x3FB4] =	sst s7  }
0x10: {  	[smem:$0x3FB5] =	sst s8  }
0x11: {  	[smem:$0x3FB6] =	sst s9;
	s0 =	simm.s32 @!p0 $0x0  }
0x12: {  	s1 =	sld [smem:$0x3F9C];
	s0 =	simm.s32 @p0 $0x1  }
0x13: {  	[smem:$0x3FB7] =	sst s0;
	s0 =	simm.s32 @!p1 $0x0  }
0x14: {  	s2 =	sld [smem:$0x3F9B];
	s0 =	simm.s32 @p1 $0x1  }
0x15: {  	[smem:$0x3FB8] =	sst s0;
	s0 =	simm.s32 @!p2 $0x0  }
0x16: {  	s3 =	sld [smem:$0x3FDB];
	s0 =	simm.s32 @p2 $0x1  }
0x17: {  	s4 =	simm.s32 $0x1BF5;
	[smem:$0x3FBA] =	sst s0  }
0x18: {  	s0 =	sld [smem:$0x3F9D];
	_ =	swait.ge [sflag:s4], $0x0  }
0x19: {  	s7 =	sld [smem:$0x3F9E]  }
0x1a: {  	s8 =	sadd.s32 $0xFFFFE003, lr  }
0x1b: {  	s9 =	sadd.s32 $0xFFFFFEF7, lr;
	s5 =	simm.s32 $0xFFFFFFFF;
	p2 =	slt.u32 s8, $0xFFFFF086  }
0x1c: {  	p1 =	slt.u32 s9, $0xF7A;
	s5 =	simm.s32 @!p2 $0x0  }
0x1d: {  	s5 =	simm.s32 @p1 $0x1;
	p0 =	seq.s32 s7, s2  }
0x1e: {  	s7 =	smul.u32 @!p0 $0xF7A, s2;
	p2 =	seq.s32 @!p0 s5, $0x0  }
0x1f: {  	s9 =	smul.u32 $0xF7A, s1;
	s8 =	simm.s32 @!p0 $0x1BF5;
	p2 =	por !p2, p0  }
0x20: {  	[sflag:s8] =	ssyncset.s32 @!p0 $0xFFFFF086;
	s6 =	sadd.s32 @!p0 s3, s7;
	s7 =	simm.s32 @!p0 $0x108  }
0x21: {  	s3 =	sadd.s32 s3, s9;
	s6 =	sadd.s32 @!p0 $0x88, s6;
	s7 =	simm.s32 @p2 $0x1082  }
0x22: {  	[simem:s7], [sflag:s8] =	dma.local @!p0 [hbm:s6], $0xF7A  }
0x23: {  	s9 =	sor.u32 $0xD0000000, s2;
	s6 =	simm.s32 $0x108;
	_ =	swait.ge @!p0 [sflag:s8], $0x0  }
0x24: {  	s3 =	sadd.s32 $0x88, s3;
	s6 =	simm.s32 @!p1 $0x1082;
	[sflag:s4] =	ssyncset.s32 $0xFFFFF086  }
0x25: {  	[simem:s6], [sflag:s4] =	dma.local [hbm:s3], $0xF7A  }
0x26: {  	[smem:$0x3F9E] =	sst s1;
	(tag) =	ssettag s2;
	_ =	strace s9  }
0x27: {  	s1 =	sld [smem:$0x3FAE]  }
0x28: {  	s2 =	sld [smem:$0x3FAF]  }
0x29: {  	s4 =	sld [smem:$0x3FB1]  }
0x2a: {  	p0 =	seq.s32 s5, $0x0;
	s5 =	sld [smem:$0x3FB2]  }
0x2b: {  	s6 =	sld [smem:$0x3FB3]  }
0x2c: {  	s7 =	sld [smem:$0x3FB4]  }
0x2d: {  	s3 =	simm.s32 $0x108;
	s8 =	sld [smem:$0x3FB5]  }
0x2e: {  	s3 =	simm.s32 @!p0 $0x1082;
	s9 =	sld [smem:$0x3FB6]  }
0x2f: {  	lr =	sadd.s32 s0, s3;
	s0 =	sld [smem:$0x3FAD]  }
0x30: {  	s3 =	sld [smem:$0x3FB0]  }
0x31: {  	[smem:$0x3FB9] =	sst s10  }
0x32: {  	s10 =	sld [smem:$0x3FB7];
	_ =	sdelay $0x3  }
0x33: {  	p0 =	seq.s32 s10, $0x1;
	s10 =	sld [smem:$0x3FB9];
	_ =	sdelay $0x3  }
0x34: {  	[smem:$0x3FB9] =	sst s10  }
0x35: {  	s10 =	sld [smem:$0x3FB8];
	_ =	sdelay $0x3  }
0x36: {  	p1 =	seq.s32 s10, $0x1;
	s10 =	sld [smem:$0x3FB9];
	_ =	sdelay $0x3  }
0x37: {  	[smem:$0x3FB9] =	sst s10  }
0x38: {  	s10 =	sld [smem:$0x3FBA]  }
0x39: {  	_ = 	snop;
	(pc) =	sbr.ind lr, $3  }
0x3a: {  	_ = 	snop  }
0x3b: {  	_ = 	snop  }
0x3c: {  	p2 =	seq.s32 s10, $0x1;
	s10 =	sld [smem:$0x3FB9]  }
0x3d: {  	_ =	shalt  }
0x3e: {  	_ =	shalt  }
0x3f: {  	_ =	shalt  }
0x40: {  	_ =	shalt  }
0x41: {  	_ =	shalt  }
0x42: {  	_ =	shalt  }
0x43: {  	_ =	shalt  }
0x44: {  	_ =	shalt  }
0x45: {  	_ =	shalt  }
0x46: {  	_ =	shalt  }
0x47: {  	_ =	shalt  }
0x48: {  	_ =	shalt  }
0x49: {  	_ =	shalt  }
0x4a: {  	_ =	shalt  }
0x4b: {  	_ =	shalt  }
0x4c: {  	_ =	shalt  }
0x4d: {  	_ =	shalt  }
0x4e: {  	_ =	shalt  }
0x4f: {  	_ =	shalt  }
0x50: {  	_ =	shalt  }
0x51: {  	_ =	shalt  }
0x52: {  	_ =	shalt  }
0x53: {  	_ =	shalt  }
0x54: {  	_ =	shalt  }
0x55: {  	_ =	shalt  }
0x56: {  	_ =	shalt  }
0x57: {  	_ =	shalt  }
0x58: {  	_ =	shalt  }
0x59: {  	_ =	shalt  }
0x5a: {  	_ =	shalt  }
0x5b: {  	_ =	shalt  }
0x5c: {  	_ =	shalt  }
0x5d: {  	_ =	shalt  }
0x5e: {  	_ =	shalt  }
0x5f: {  	_ =	shalt  }
0x60: {  	_ =	shalt  }
0x61: {  	_ =	shalt  }
0x62: {  	_ =	shalt  }
0x63: {  	_ =	shalt  }
0x64: {  	_ =	shalt  }
0x65: {  	_ =	shalt  }
0x66: {  	_ =	shalt  }
0x67: {  	_ =	shalt  }
0x68: {  	_ =	shalt  }
0x69: {  	_ =	shalt  }
0x6a: {  	_ =	shalt  }
0x6b: {  	_ =	shalt  }
0x6c: {  	_ =	shalt  }
0x6d: {  	_ =	shalt  }
0x6e: {  	_ =	shalt  }
0x6f: {  	_ =	shalt  }
0x70: {  	_ =	shalt  }
0x71: {  	_ =	shalt  }
0x72: {  	_ =	shalt  }
0x73: {  	_ =	shalt  }
0x74: {  	_ =	shalt  }
0x75: {  	_ =	shalt  }
0x76: {  	_ =	shalt  }
0x77: {  	_ =	shalt  }
0x78: {  	_ =	shalt  }
0x79: {  	_ =	shalt  }
0x7a: {  	_ =	shalt  }
0x7b: {  	_ =	shalt  }
0x7c: {  	_ =	shalt  }
0x7d: {  	_ =	shalt  }
0x7e: {  	_ =	shalt  }
0x7f: {  	_ =	shalt  }
0x80: {  	_ =	shalt  }
0x81: {  	_ =	shalt  }
0x82: {  	_ =	shalt  }
0x83: {  	_ =	shalt  }
0x84: {  	_ =	shalt  }
0x85: {  	_ =	shalt  }
0x86: {  	_ =	shalt  }
0x87: {  	_ =	shalt  }
.Lfunc_end0:
.L_simem_size_0:
called_computation_lowered:
.L_overlay_start_0:
0x88: {  	s2 =	sld [smem:$0x3FD9]  }
0x89: {  	s3 =	sld [smem:$0x3FFE];
	_ =	sdelay $0x1  }
0x8a: {  	s1 =	srdreg.scid  }
0x8b: {  	s0 =	sand.u32 $0x1, s1  }
0x8c: {  	s17 =	sshll.u32 s0, $0xA;
	s2 =	sadd.s32 s3, s2  }
0x8d: {  	s2 =	sadd.s32 s2, s17  }
0x8e: {  	[smem:$0x3FC5] =	sst s2  }
0x8f: {  	_ = 	snop  }
0x90: {  	s2 =	sld [smem:$0x3FC9]  }
0x91: {  	s18 =	sld [smem:$0x3FD0];
	(tm) =	ssettm $0x1  }
0x92: {  	s4 =	sld [smem:$0x3FFB];
	_ =	sdelay $0x3  }
0x93: {  	_ =	strace s4  }
0x94: {  	s4 =	sld [smem:$0x3FFC];
	_ =	sdelay $0x3  }
0x95: {  	_ =	strace s4  }
0x96: {  	s4 =	sld [smem:$0x3FFD];
	_ =	sdelay $0x3  }
0x97: {  	_ =	strace s4  }
0x98: {  	_ =	strace $0x8FFFFFFF  }
0x99: {  	s19 =	sld [smem:$0x3FDB];
	_ =	sdelay $0x1  }
0x9a: {  	s5 =	simm.s32 $_scs_section_size  }
0x9b: {  	s6 =	simm.s32 $_size__tile_overlayer_lowered;
	s7 =	simm.s32 $_tile_overlayer_lowered  }
0x9c: {  	s22 =	simm.s32 $0x1BFF;
	s21 =	sshll.u32 s7, $0x1;
	s4 =	sadd.s32 s5, s19  }
0x9d: {  	s8 =	simm.s32 $0x0;
	s20 =	sshll.u32 s6, $0x1;
	s6 =	sadd.s32 s21, s4  }
0x9e: {  	[timem:s8], [sflag:s22] =	dma.local [hbm:s6], s20  }
0x9f: {  	_ =	swait.ge [sflag:s22], s20  }
0xa0: {  	s5 =	ssub.s32 $0x0, s20;
	[sflag:s22] =	ssyncset.done $0x0  }
0xa1: {  	[sflag:s22] =	ssyncadd.s32 s5;
	_ =	sdelay $0x1  }
0xa2: {  	s23 =	simm.s32 $0x1B8B  }
0xa3: {  	_ =	swait.ge [sflag:s23], $0x1  }
0xa4: {  	[sflag:s23] =	ssyncset.done $0x0  }
0xa5: {  	s25 =	simm.s32 $0x1B8E;
	s24 =	sld [smem:$0x3FFE];
	[sflag:s23] =	ssyncadd.s32 $0xFFFFFFFF  }
0xa6: {  	s26 =	simm.s32 $execute0_lowered;
	[smem:$0x3FD2] =	sst s25  }
0xa7: {  	s6 =	sshll.u32 s26, $0x1;
	_ =	strace $0x80000046;
	[dreg:$0x1] =	wrdreg $0xFFFFFFFF  }
0xa8: {  	s28 =	simm.s32 $_size_execute0_lowered;
	s4 =	sadd.s32 s4, s6;
	[dreg:$0x0] =	wrdreg $0x0  }
0xa9: {  	s6 =	sshll.u32 s28, $0x1;
	[dreg:$0x2] =	wrdreg s4  }
0xaa: {  	[dreg:$0x3] =	wrdreg s6  }
0xab: {  	[dreg:$0x4] =	wrdreg $0xC0  }
0xac: {  	_ =	task [dreg:s8], $0x5FFFF  }
0xad: {  	[dreg:$0x1] =	wrdreg $0xFFFFFFFF  }
0xae: {  	[dreg:$0x0] =	wrdreg $0x60  }
0xaf: {  	[dreg:$0x2] =	wrdreg s2  }
0xb0: {  	[dreg:$0x3] =	wrdreg s24  }
0xb1: {  	[dreg:$0x4] =	wrdreg s18  }
0xb2: {  	[dreg:$0x5] =	wrdreg $0x9  }
0xb3: {  	_ =	task.clear_ibuf [dreg:s8], $0x6FFFF;
	_ =	strace $0x90000046  }
0xb4: {  	s29 =	simm.s32 $0x9;
	_ =	strace $0x80000048  }
0xb5: {  	_ =	swait.ge [sflag:s29], $0x1  }
0xb6: {  	[sflag:s29] =	ssyncadd.s32 $0xFFFFFFFF  }
0xb7: {  	_ =	strace $0x90000048  }
0xb8: {  	_ =	sfence  }
0xb9: {  	s30 =	sld [smem:$0x0];
	_ =	sdelay $0x2  }
0xba: {  	s31 =	sshll.u32 s1, $0xD;
	s1 =	sshrl.u32 s1, $0x2  }
0xbb: {  	s3 =	sand.u32 $0x4000, s31;
	s1 =	sadd.s32 s1, s30  }
0xbc: {  	s0 =	sor.u32 s3, s0;
	s1 =	sshll.u32 s1, $0x11  }
0xbd: {  	s0 =	sor.u32 s1, s0  }
0xbe: {  	s0 =	sadd.s32 $0x8F2B, s0  }
0xbf: {  	[sflag:s0] =	ssyncadd.remote.s32 $0x1  }
0xc0: {  	_ =	sfence.sel $0xFFFF  }
0xc1: {  	[dreg:$0x0] =	wrdreg $0xFFFFFFFF;
	(pc) =	sbr.abs _section_cstart, $3  }
0xc2: {  	[dreg:$0x1] =	wrdreg $0xFFFFFFFF  }
0xc3: {  	_ =	task.clear_ibuf [dreg:s8], $0x2FFFF;
	_ =	strace $0x9FFFFFFF  }
0xc4: {  	(tm) =	ssettm $0x7FFFFFFF  }
0xc5: {  	_ =	shalt  }
tec
execute0_lowered:
.L_overlay_start_1:
0x0: {  	(tag) =	ssettag $0x1  }
0x1: {  	s0 =	rddreg [dreg:$0x0];
	v0 =	vlaneseq.u32  }
0x2: {  	s2 =	rddreg [dreg:$0x1];
	s3 =	simm.s32 $0x0;
	v2 =	vmul.u32 $0x98, v0  }
0x3: {  	vm0 =	vcmask $0x300;
	v0 =	vimm.s32 $0x0;
	[smem:$0x7FF] =	sst s3  }
0x4: {  	s1 =	rddreg [dreg:$0x2];
	v1 =	vsel vm0, $0x3, v0;
	_ =	strace $0x80000047;
	v0 =	vadd.s32 $0x982, v2;
	[tilespmem:$0x1FE70] =	vst v2  }
0x5: {  	v53 =	vadd.s32 $0x1300, v2;
	[tilespmem:$0x1FE00] =	vst v0  }
0x6: {  	v3 =	vadd.s32 $0x1C80, v2;
	[tilespmem:$0x1FE90] =	vst v53  }
0x7: {  	v57 =	vor.u32 $0x1, v2;
	[tilespmem:$0x1FEA0] =	vst v3  }
0x8: {  	v51 =	vadd.s32 $0x981, v2;
	[tilespmem:$0x1FEB0] =	vst v57  }
0x9: {  	v59 =	vadd.s32 $0x1301, v2;
	[tilespmem:$0x1FEC0] =	vst v51  }
0xa: {  	v18 =	vadd.s32 $0x980, v2;
	[tilespmem:$0x1FED0] =	vst v59  }
0xb: {  	v63 =	vadd.s32 $0x1C81, v2;
	[tilespmem:$0x1FEE0] =	vst v18  }
0xc: {  	v30 =	vor.u32 $0x2, v2;
	[tilespmem:$0x1FEF0] =	vst v63  }
0xd: {  	v19 =	vadd.s32 $0x1302, v2;
	[tilespmem:$0x1FF00] =	vst v30  }
0xe: {  	v21 =	vadd.s32 $0x1C82, v2;
	[tilespmem:$0x1FF10] =	vst v19  }
0xf: {  	v32 =	vor.u32 $0x3, v2;
	[tilespmem:$0x1FF20] =	vst v21  }
0x10: {  	v22 =	vadd.s32 $0x983, v2;
	[tilespmem:$0x1FF30] =	vst v32  }
0x11: {  	v20 =	vadd.s32 $0x1303, v2;
	[tilespmem:$0x1FF40] =	vst v22  }
0x12: {  	v29 =	vor.u32 $0x4, v2;
	[tilespmem:$0x1FF50] =	vst v20  }
0x13: {  	v28 =	vadd.s32 $0x984, v2;
	[tilespmem:$0x1FF60] =	vst v29  }
0x14: {  	v23 =	vor.u32 $0x5, v2;
	[tilespmem:$0x1FF70] =	vst v28  }
0x15: {  	v24 =	vadd.s32 $0x985, v2;
	[tilespmem:$0x1FF80] =	vst v23  }
0x16: {  	v26 =	vadd.s32 $0x1305, v2;
	[tilespmem:$0x1FF90] =	vst v24  }
0x17: {  	v27 =	vor.u32 $0x6, v2;
	[tilespmem:$0x1FFA0] =	vst v26  }
0x18: {  	v31 =	vadd.s32 $0x986, v2;
	[tilespmem:$0x1FFB0] =	vst v27  }
0x19: {  	v50 =	vadd.s32 $0x1306, v2;
	[tilespmem:$0x1FFC0] =	vst v31  }
0x1a: {  	s4 =	srdreg.scid;
	s5 =	stileid.u32;
	v49 =	vadd.s32 $0x1307, v2;
	[tilespmem:$0x1FFD0] =	vst v50  }
0x1b: {  	s11 =	simm.s32 $0x3;
	s13 =	simm.s32 $0x80;
	s14 =	simm.s32 $0x9600;
	v40 =	vadd.s32 $0x1304, v2;
	[tilespmem:$0x1FFE0] =	vst v49  }
0x1c: {  	s15 =	simm.s32 $0xB600;
	s17 =	simm.s32 $0xD600;
	s18 =	simm.s32 $0xF600;
	v0 =	vadd.s32 $0x1C83, v2;
	[tilespmem:$0x1FFF0] =	vst v40  }
0x1d: {  	s19 =	simm.s32 $0x1;
	s20 =	simm.s32 $0x11600;
	s21 =	simm.s32 $0x13C00;
	[tilespmem:$0x1FE10] =	vst v0;
	v0 =	vadd.s32 $0x1C84, v2  }
0x1e: {  	s22 =	simm.s32 $0x16200;
	s23 =	simm.s32 $0x18800;
	s4 =	sand.u32 $0x1, s4;
	[tilespmem:$0x1FE20] =	vst v0;
	v0 =	vadd.s32 $0x1C85, v2  }
0x1f: {  	s24 =	simm.s32 $0x2;
	s5 =	sshll.u32 s5, $0xB;
	s6 =	sshll.u32 s4, $0xA;
	[tilespmem:$0x1FE30] =	vst v0;
	v0 =	vadd.s32 $0x1C86, v2  }
0x20: {  	s7 =	ssub.s32 $0x2, s4;
	s4 =	sor.u32 s6, s5;
	s5 =	sadd.s32 $0x4400, s2;
	[tilespmem:$0x1FE40] =	vst v0;
	v0 =	vor.u32 $0x7, v2  }
0x21: {  	s8 =	sshrl.u32 s7, $0x1;
	s2 =	sadd.s32 $0x400, s2;
	s9 =	sshrl.u32 s4, $0x3;
	[tilespmem:$0x1FE50] =	vst v0;
	v0 =	vadd.s32 $0x987, v2  }
0x22: {  	[dreg:$0x4] =	wrdreg s2;
	s31 =	ssub.s32 s7, s8;
	s0 =	sadd.s32 s0, s9;
	[tilespmem:$0x1FE60] =	vst v0;
	v0 =	vadd.s32 $0x1C87, v2  }
0x23: {  	s25 =	simm.s32 $0x0;
	s8 =	smax.u32 s31, $0x1;
	[dreg:$0x5] =	wrdreg s0;
	[tilespmem:$0x1FE80] =	vst v0  }
.LBB2_1:
0x24: {  	s0 =	rddreg [dreg:$0x5];
	s2 =	simm.s32 $0x400;
	s6 =	simm.s32 $0x8000  }
0x25: {  	[tilespmem:s3], [sflag:$0x3] =	stream.strided.gather [hbm4b:s0+s2], $0x6400, s6, s2, $0x38;
	[tilespmem:$0x1AE00] =	vst v63  }
0x26: {  	_ =	swait.ge [sflag:s11], $0x6400  }
0x27: {  	[sflag:s11] =	ssyncset.done $0x0  }
0x28: {  	s30 =	simm.s32 $0x6400;
	s29 =	rddreg [dreg:$0x4];
	[sflag:s11] =	ssyncadd.s32 $0xFFFF9C00  }
0x29: {  	[tilespmem:s30], [sflag:$0x3] =	stream.linear.gather [hbm4b:s29+s3], $0x3200, $0x38;
	[tilespmem:$0x1AE00] =	vst v63  }
0x2a: {  	_ =	swait.ge [sflag:s11], $0x3200  }
0x2b: {  	[sflag:s11] =	ssyncset.done $0x0  }
0x2c: {  	[sflag:s11] =	ssyncadd.s32 $0xFFFFCE00  }
0x2d: {  	[tilespmem:s14], [sflag:$0x1] =	stream.indirect.gather [hbm4b:s5+s13], $0x40, s3, s13, $0xb8;
	[tilespmem:$0x1AE00] =	vst v63  }
0x2e: {  	_ = 	snop  }
0x2f: {  	[tilespmem:s15], [sflag:$0x1] =	stream.indirect.gather [hbm4b:s5+s13], $0x40, s13, s13, $0xb8;
	[tilespmem:$0x1AE00] =	vst v63  }
0x30: {  	s31 =	simm.s32 $0x100;
	s26 =	simm.s32 $0x0  }
0x31: {  	[tilespmem:s17], [sflag:$0x1] =	stream.indirect.gather [hbm4b:s5+s13], $0x40, s31, s13, $0xb8;
	[tilespmem:$0x1AE00] =	vst v63  }
.LBB2_2:
0x32: {  	s29 =	sshll.u32 s26, $0x2;
	p0 =	seq.s32 s26, $0x0  }
0x33: {  	s0 =	simm.s32 @!p0 $0x2;
	s28 =	sor.u32 $0x3, s29  }
0x34: {  	s9 =	sshll.u32 s26, $0x9;
	_ =	swait.ge @!p0 [sflag:s0], $0x2000;
	s2 =	sshll.u32 s28, $0x7  }
0x35: {  	s9 =	sand.u32 $0x7C00, s9;
	[sflag:s0] =	ssyncset.done @!p0 $0x0;
	s2 =	sand.u32 $0x380, s2  }
0x36: {  	s6 =	simm.s32 $0x1;
	[sflag:s0] =	ssyncadd.s32 @!p0 $0xFFFFE000;
	s7 =	sor.u32 s2, s9  }
0x37: {  	[tilespmem:s18], [sflag:$0x1] =	stream.indirect.gather [hbm4b:s5+s13], $0x40, s7, s13, $0xb8;
	[tilespmem:$0x1AE00] =	vst v63  }
0x38: {  	s16 =	simm.s32 $0x4;
	v5 =	vmov s6;
	_ =	swait.ge [sflag:s19], $0x2000  }
0x39: {  	v3 =	vmov s16;
	v5 =	vshrl.u32 v5, $0x3;
	s9 =	sshll.u32 s26, $0x8;
	[sflag:s19] =	ssyncset.done $0x0  }
0x3a: {  	s31 =	simm.s32 $0x2;
	v3 =	vshrl.u32 v3, $0x3;
	v5 =	vshll.u32 v5, v1;
	s0 =	sand.u32 $0x3FFFFF00, s9;
	[sflag:s19] =	ssyncadd.s32 $0xFFFFE000  }
0x3b: {  	v6 =	vmov s31;
	s31 =	simm.s32 $0x9700;
	v3 =	vshll.u32 v3, v1;
	v5 =	vbroadcast v5, $0x0;
	s7 =	simm.s32 $0x3;
	v36 =	vld [tilespmem:s0+$0x6400]  }
0x3c: {  	v6 =	vshrl.u32 v6, $0x3;
	v44 =	vbroadcast v3, $0x0;
	v3 =	vmov s7;
	v7 =	vld [tilespmem:s31+$0x0]  }
0x3d: {  	v6 =	vshll.u32 v6, v1;
	v11 =	vadd.s32 v63, v5;
	v3 =	vshrl.u32 v3, $0x3;
	v8 =	vld [tilespmem:s31+$0xFFFFFF40]  }
0x3e: {  	v37 =	vbroadcast v6, $0x0;
	v6 =	vadd.s32 v29, v44;
	v3 =	vshll.u32 v3, v1;
	v9 =	vld [tilespmem:s31+$0xFFFFFF80];
	[tilespmem:$0x1FDA0] =	vst v11  }
0x3f: {  	s10 =	simm.s32 $0x0;
	v10 =	vadd.s32 v57, v5;
	v56 =	vbroadcast v3, $0x0;
	v11 =	vld [tilespmem:s31+$0xFFFFFFC0]  }
0x40: {  	v0 =	vmov s10;
	v12 =	vadd.s32 v30, v37;
	v35 =	vld [tilespmem:s0+$0x6410]  }
0x41: {  	v0 =	vshrl.u32 v0, $0x3;
	v34 =	vld [tilespmem:s0+$0x6420];
	v15 =	vadd.s32 v32, v56;
	v7 =	vadd.f32 v7, v36  }
0x42: {  	v17 =	vshll.u32 v0, v1;
	v33 =	vld [tilespmem:s0+$0x6430];
	v0 =	vadd.f32 v8, v36  }
0x43: {  	v3 =	vld [tilespmem:s31+$0xFFFFFF00];
	v9 =	vadd.f32 v9, v36;
	[tilespmem:v6+s20+$0x0] =	vst.idx.msk $0xffff, v7  }
0x44: {  	s30 =	simm.s32 $0x5;
	s9 =	simm.s32 $0x6;
	v13 =	vld [tilespmem:s31+$0xC0];
	[tilespmem:v10+s20+$0x0] =	vst.idx.msk $0xffff, v0;
	v7 =	vadd.f32 v11, v36  }
0x45: {  	v4 =	vmov s30;
	v14 =	vmov s9;
	v16 =	vld [tilespmem:s31+$0x80];
	[tilespmem:v12+s20+$0x0] =	vst.idx.msk $0xffff, v9  }
0x46: {  	s12 =	simm.s32 $0x7;
	v4 =	vshrl.u32 v4, $0x3;
	v8 =	vshrl.u32 v14, $0x3;
	v14 =	vld [tilespmem:s31+$0x40];
	[tilespmem:v15+s20+$0x0] =	vst.idx.msk $0xffff, v7  }
0x47: {  	v2 =	vmov s12;
	v4 =	vshll.u32 v4, v1;
	v0 =	vadd.s32 v20, v56;
	v20 =	vld [tilespmem:$0x1FE00]  }
0x48: {  	v2 =	vshrl.u32 v2, $0x3;
	v55 =	vbroadcast v4, $0x0;
	v54 =	vbroadcast v17, $0x0;
	v6 =	vld [tilespmem:s31+$0x10]  }
0x49: {  	v2 =	vshll.u32 v2, v1;
	v4 =	vld [tilespmem:s31+$0xFFFFFF50]  }
0x4a: {  	v61 =	vadd.s32 v24, v55;
	v46 =	vadd.s32 v18, v54;
	v8 =	vshll.u32 v8, v1;
	v10 =	vld [tilespmem:s31+$0xFFFFFF90]  }
0x4b: {  	v39 =	vadd.s32 v23, v55;
	v52 =	vbroadcast v8, $0x0;
	v8 =	vadd.f32 v13, v36;
	v13 =	vld [tilespmem:s31+$0xFFFFFFD0]  }
0x4c: {  	v45 =	vadd.s32 v59, v5;
	v47 =	vadd.s32 v19, v37;
	v58 =	vld [tilespmem:$0x1FE50];
	v17 =	vadd.s32 v20, v37  }
0x4d: {  	v43 =	vadd.s32 v22, v56;
	v3 =	vadd.f32 v3, v36;
	v12 =	vbroadcast v2, $0x0;
	v25 =	vld [tilespmem:$0x1FE70]  }
0x4e: {  	v16 =	vadd.f32 v16, v36;
	v7 =	vadd.s32 v27, v52;
	[tilespmem:$0x1FDC0] =	vst v0;
	v22 =	vld [tilespmem:$0x1FE60];
	v0 =	vadd.s32 v26, v55  }
0x4f: {  	[tilespmem:$0x1FDE0] =	vst v0;
	v0 =	vadd.s32 v49, v12;
	v38 =	vadd.f32 v4, v35;
	v4 =	vadd.f32 v10, v35  }
0x50: {  	v9 =	vadd.s32 v51, v5;
	v11 =	vadd.s32 v28, v44;
	v42 =	vadd.s32 v31, v52;
	[tilespmem:$0x1FDB0] =	vst v0  }
0x51: {  	s30 =	simm.s32 $0x9900;
	s10 =	simm.s32 $0x8;
	v14 =	vadd.f32 v14, v36;
	v0 =	vadd.s32 v50, v52;
	[tilespmem:v17+s20+$0x0] =	vst.idx.msk $0xffff, v4  }
0x52: {  	v23 =	vmovc v49;
	v49 =	vmov s10;
	v6 =	vadd.f32 v6, v35;
	v48 =	vld [tilespmem:s30+$0xFFFFFF40];
	[tilespmem:$0x1FDD0] =	vst v0;
	v0 =	vadd.s32 v53, v54  }
0x53: {  	s16 =	simm.s32 $0x9;
	s7 =	simm.s32 $0xA;
	v15 =	vadd.s32 v58, v12;
	v41 =	vadd.s32 v25, v54;
	v10 =	vadd.s32 v22, v12;
	[tilespmem:$0x1FDF0] =	vst v0  }
0x54: {  	v17 =	vadd.s32 v40, v44;
	v4 =	vmovc v24;
	v24 =	vmovc v51;
	v51 =	vmov s16;
	v40 =	vld [tilespmem:s31+$0xFFFFFFA0];
	[tilespmem:v7+s20+$0x0] =	vst.idx.msk $0xffff, v16;
	v16 =	vmov s7  }
0x55: {  	s6 =	simm.s32 $0xC;
	v31 =	vmovc v59;
	v13 =	vadd.f32 v13, v35;
	v59 =	vshrl.u32 v51, $0x3;
	[tilespmem:v9+s20+$0x0] =	vst.idx.msk $0xffff, v38;
	v16 =	vshrl.u32 v16, $0x3;
	v21 =	vld [tilespmem:s31+$0x90]  }
0x56: {  	s12 =	simm.s32 $0xF;
	v62 =	vshll.u32 v59, v1;
	v7 =	vmov s6;
	[tilespmem:v39+s20+$0x0] =	vst.idx.msk $0xffff, v14;
	v14 =	vshll.u32 v16, v1;
	v16 =	vld [tilespmem:s31+$0xFFFFFF60]  }
0x57: {  	v53 =	vmov s12;
	s12 =	simm.s32 $0xB;
	v60 =	vld [tilespmem:s30+$0xFFFFFF80];
	v51 =	vbroadcast v62, $0x0;
	[tilespmem:v11+s20+$0x0] =	vst.idx.msk $0xffff, v6;
	v7 =	vshrl.u32 v7, $0x3  }
0x58: {  	[tilespmem:v43+s20+$0x0] =	vst.idx.msk $0xffff, v13;
	v13 =	vshrl.u32 v49, $0x3;
	v49 =	vmov s12;
	v6 =	vld [tilespmem:s31+$0x50];
	v7 =	vshll.u32 v7, v1  }
0x59: {  	[tilespmem:v15+s20+$0x0] =	vst.idx.msk $0xffff, v8;
	v39 =	vbroadcast v14, $0x0;
	v11 =	vadd.f32 v40, v34;
	v40 =	vbroadcast v7, $0x0;
	v7 =	vld [tilespmem:s30+$0xFFFFFF00]  }
0x5a: {  	v62 =	vld [tilespmem:s30+$0x0];
	[tilespmem:v41+s20+$0x0] =	vst.idx.msk $0xffff, v3;
	v14 =	vshrl.u32 v53, $0x3;
	v53 =	vadd.s32 v57, v51;
	v15 =	vadd.f32 v21, v35  }
0x5b: {  	s16 =	simm.s32 $0xE;
	v0 =	vadd.f32 v48, v36;
	v43 =	vshrl.u32 v49, $0x3;
	[tilespmem:v47+s20+$0x0] =	vst.idx.msk $0xffff, v11;
	v16 =	vadd.f32 v16, v34  }
0x5c: {  	v38 =	vadd.s32 v63, v51;
	v63 =	vadd.s32 v30, v39;
	[tilespmem:v42+s20+$0x0] =	vst.idx.msk $0xffff, v15;
	v15 =	vmov s16;
	v42 =	vld [tilespmem:s31+$0xD0]  }
0x5d: {  	v6 =	vadd.f32 v6, v35;
	v21 =	vld [tilespmem:s31+$0xFFFFFF10];
	v8 =	vadd.s32 v29, v40;
	[tilespmem:v45+s20+$0x0] =	vst.idx.msk $0xffff, v16;
	v15 =	vshrl.u32 v15, $0x3  }
0x5e: {  	v16 =	vld [tilespmem:s31+$0x20];
	v48 =	vadd.f32 v7, v36;
	v7 =	vshll.u32 v15, v1;
	v15 =	vshll.u32 v43, v1  }
0x5f: {  	v59 =	vadd.f32 v62, v36;
	v62 =	vld [tilespmem:s30+$0xFFFFFFC0];
	v3 =	vadd.f32 v60, v36;
	[tilespmem:v53+s20+$0x0] =	vst.idx.msk $0xffff, v0;
	v43 =	vbroadcast v15, $0x0  }
0x60: {  	[tilespmem:v61+s20+$0x0] =	vst.idx.msk $0xffff, v6  }
0x61: {  	s10 =	simm.s32 $0xD;
	v57 =	vld [tilespmem:s30+$0xC0];
	[tilespmem:v63+s20+$0x0] =	vst.idx.msk $0xffff, v3;
	v3 =	vadd.f32 v42, v35;
	v0 =	vadd.s32 v32, v43  }
0x62: {  	v9 =	vmov s10;
	[tilespmem:v8+s20+$0x0] =	vst.idx.msk $0xffff, v59;
	v8 =	vadd.f32 v21, v35  }
0x63: {  	v9 =	vshrl.u32 v9, $0x3;
	[tilespmem:v10+s20+$0x0] =	vst.idx.msk $0xffff, v3;
	v3 =	vadd.f32 v16, v34  }
0x64: {  	v9 =	vshll.u32 v9, v1;
	v10 =	vadd.f32 v62, v36;
	v16 =	vld [tilespmem:$0x1FE20];
	[tilespmem:v46+s20+$0x0] =	vst.idx.msk $0xffff, v8  }
0x65: {  	v42 =	vbroadcast v9, $0x0;
	[tilespmem:v17+s20+$0x0] =	vst.idx.msk $0xffff, v3  }
0x66: {  	v49 =	vadd.f32 v57, v36;
	v57 =	vadd.s32 v24, v51;
	v3 =	vld [tilespmem:$0x1FF50];
	[tilespmem:v0+s20+$0x0] =	vst.idx.msk $0xffff, v10  }
0x67: {  	v26 =	vmovc v28;
	v24 =	vmovc v50;
	v50 =	vadd.s32 v28, v40;
	v28 =	vmov v4;
	v47 =	vadd.s32 v4, v42;
	v4 =	vld [tilespmem:$0x1FE30];
	_ =	sdelay $0x4  }
0x68: {  	v60 =	vadd.s32 v4, v55;
	v4 =	vld [tilespmem:$0x1FDA0]  }
0x69: {  	v41 =	vbroadcast v7, $0x0;
	v7 =	vld [tilespmem:s31+$0xFFFFFF70];
	_ =	sdelay $0x2  }
0x6a: {  	v5 =	vld [tilespmem:s30+$0x80];
	_ =	sdelay $0x1  }
0x6b: {  	v7 =	vadd.f32 v7, v33;
	_ =	sdelay $0x1  }
0x6c: {  	[tilespmem:v4+s20+$0x0] =	vst.idx.msk $0xffff, v7  }
0x6d: {  	v8 =	vadd.f32 v5, v36;
	v5 =	vld [tilespmem:$0x1FDB0]  }
0x6e: {  	v6 =	vld [tilespmem:s31+$0xE0];
	_ =	sdelay $0x4  }
0x6f: {  	v6 =	vadd.f32 v6, v34;
	_ =	sdelay $0x1  }
0x70: {  	v2 =	vld [tilespmem:s31+$0xFFFFFFB0];
	[tilespmem:v5+s20+$0x0] =	vst.idx.msk $0xffff, v6  }
0x71: {  	v14 =	vshll.u32 v14, v1;
	v6 =	vld [tilespmem:$0x1FDC0]  }
0x72: {  	v45 =	vbroadcast v14, $0x0;
	v14 =	vld [tilespmem:s31+$0xFFFFFFE0];
	_ =	sdelay $0x4  }
0x73: {  	v61 =	vadd.f32 v2, v33;
	v2 =	vadd.f32 v14, v34  }
0x74: {  	v11 =	vld [tilespmem:s30+$0x40]  }
0x75: {  	v9 =	vld [tilespmem:s31+$0xA0];
	[tilespmem:v6+s20+$0x0] =	vst.idx.msk $0xffff, v2  }
0x76: {  	v2 =	vld [tilespmem:$0x1FE10];
	_ =	sdelay $0x4  }
0x77: {  	v62 =	vadd.f32 v11, v36;
	v11 =	vadd.f32 v9, v34;
	v9 =	vadd.s32 v2, v56;
	v2 =	vld [tilespmem:$0x1FF40];
	_ =	sdelay $0x4  }
0x78: {  	v63 =	vadd.s32 v2, v43;
	v2 =	vld [tilespmem:$0x1FDD0];
	_ =	sdelay $0x7  }
0x79: {  	v30 =	vld [tilespmem:$0x1FFC0];
	[tilespmem:v2+s20+$0x0] =	vst.idx.msk $0xffff, v11  }
0x7a: {  	v6 =	vld [tilespmem:$0x1FE80];
	_ =	sdelay $0x4  }
0x7b: {  	v11 =	vadd.s32 v6, v12;
	v6 =	vld [tilespmem:$0x1FDE0]  }
0x7c: {  	v0 =	vld [tilespmem:s31+$0x60];
	_ =	sdelay $0x3  }
0x7d: {  	v17 =	vld [tilespmem:s30+$0xFFFFFF50]  }
0x7e: {  	v15 =	vld [tilespmem:s30+$0x10];
	v0 =	vadd.f32 v0, v34  }
0x7f: {  	v10 =	vld [tilespmem:s31+$0x30]  }
0x80: {  	v7 =	vld [tilespmem:s30+$0xFFFFFF90];
	[tilespmem:v6+s20+$0x0] =	vst.idx.msk $0xffff, v0  }
0x81: {  	v16 =	vadd.s32 v16, v44;
	v0 =	vld [tilespmem:$0x1FE40]  }
0x82: {  	v4 =	vadd.f32 v17, v35;
	v17 =	vld [tilespmem:s31+$0xFFFFFF20]  }
0x83: {  	v13 =	vshll.u32 v13, v1;
	v2 =	vld [tilespmem:s31+$0xF0]  }
0x84: {  	v44 =	vbroadcast v13, $0x0;
	v13 =	vadd.f32 v15, v35;
	v15 =	vadd.f32 v10, v33;
	_ =	sdelay $0x1  }
0x85: {  	v46 =	vadd.s32 v3, v43;
	v10 =	vadd.s32 v0, v52;
	v0 =	vld [tilespmem:$0x1FEA0];
	[tilespmem:v16+s20+$0x0] =	vst.idx.msk $0xffff, v15  }
0x86: {  	v3 =	vadd.s32 v20, v39;
	v14 =	vadd.f32 v7, v35;
	v20 =	vld [tilespmem:$0x1FF80];
	[tilespmem:v50+s20+$0x0] =	vst.idx.msk $0xffff, v13  }
0x87: {  	v7 =	vadd.f32 v17, v34;
	v17 =	vadd.f32 v2, v33;
	v2 =	vld [tilespmem:$0x1FDF0]  }
0x88: {  	v5 =	vld [tilespmem:s30+$0xFFFFFFD0];
	_ =	sdelay $0x2  }
0x89: {  	v53 =	vadd.s32 v58, v45;
	v59 =	vadd.s32 v27, v41;
	v32 =	vld [tilespmem:$0x1FFA0]  }
0x8a: {  	v55 =	vadd.s32 v25, v44;
	v58 =	vadd.s32 v30, v41;
	v56 =	vadd.s32 v22, v45  }
0x8b: {  	v12 =	vld [tilespmem:s31+$0xB0];
	v6 =	vadd.f32 v5, v35;
	v52 =	vadd.s32 v23, v45;
	[tilespmem:v57+s20+$0x0] =	vst.idx.msk $0xffff, v4  }
0x8c: {  	v15 =	vld [tilespmem:s31+$0xFFFFFFF0];
	v4 =	vadd.s32 v19, v39;
	v5 =	vadd.s32 v0, v54;
	v54 =	vadd.s32 v18, v44  }
0x8d: {  	v0 =	vadd.s32 v31, v51;
	v51 =	vadd.s32 v24, v41;
	[tilespmem:v2+s20+$0x0] =	vst.idx.msk $0xffff, v7;
	v2 =	vld [tilespmem:s31+$0x70]  }
0x8e: {  	s2 =	simm.s32 $0x9B00;
	s0 =	simm.s32 $0x10;
	v31 =	vmovc v29;
	v16 =	vadd.s32 v20, v42;
	v29 =	vmov v20;
	v50 =	vadd.s32 v32, v42;
	v13 =	vld [tilespmem:s31+$0xFFFFFF30]  }
.LBB2_3:
0x8f: {  	v21 =	vld [tilespmem:$0x1FF20];
	_ =	sdelay $0x1  }
0x90: {  	v18 =	vld [tilespmem:s2+$0xFFFFFF40]  }
0x91: {  	v7 =	vld [tilespmem:$0x1FE90]  }
0x92: {  	v25 =	vld [tilespmem:$0x1FE50];
	[tilespmem:v59+s20+$0x0] =	vst.idx.msk $0xffff, v8  }
0x93: {  	s10 =	smov.u32 s0;
	[tilespmem:v3+s20+$0x0] =	vst.idx.msk $0xffff, v14;
	v8 =	vld [tilespmem:s2+$0x80];
	v21 =	vadd.s32 v21, v37  }
0x94: {  	[tilespmem:v16+s20+$0x0] =	vst.idx.msk $0xffff, v62;
	s6 =	sadd.s32 $0x2, s10;
	v20 =	vld [tilespmem:s30+$0xFFFFFFA0]  }
0x95: {  	[tilespmem:v11+s20+$0x0] =	vst.idx.msk $0xffff, v17;
	v17 =	vmov s6;
	v22 =	vld [tilespmem:s2+$0xFFFFFF80];
	v3 =	vadd.f32 v15, v33  }
0x96: {  	v16 =	vshrl.u32 v17, $0x3;
	v17 =	vld [tilespmem:s30+$0x50]  }
0x97: {  	v12 =	vadd.f32 v12, v33;
	[tilespmem:v9+s20+$0x0] =	vst.idx.msk $0xffff, v3;
	v9 =	vshll.u32 v16, v1;
	v16 =	vld [tilespmem:s30+$0x90]  }
0x98: {  	[tilespmem:v21+s20+$0x0] =	vst.idx.msk $0xffff, v61;
	v21 =	vld [tilespmem:$0x1FF00]  }
0x99: {  	s12 =	sadd.s32 $0x4, s10;
	v13 =	vadd.f32 v13, v33;
	[tilespmem:v10+s20+$0x0] =	vst.idx.msk $0xffff, v12;
	v12 =	vld [tilespmem:s30+$0xFFFFFF60]  }
0x9a: {  	v14 =	vmov s12;
	v57 =	vadd.s32 v7, v44;
	v7 =	vld [tilespmem:$0x1FFF0];
	v3 =	vadd.f32 v2, v33  }
0x9b: {  	s7 =	sadd.s32 $0x1, s10;
	v37 =	vmov v39;
	v10 =	vshrl.u32 v14, $0x3;
	v14 =	vld [tilespmem:$0x1FEB0];
	[tilespmem:v5+s20+$0x0] =	vst.idx.msk $0xffff, v13;
	v39 =	vbroadcast v9, $0x0  }
0x9c: {  	v11 =	vmov s7;
	v5 =	vld [tilespmem:s2+$0xFFFFFF00];
	[tilespmem:v60+s20+$0x0] =	vst.idx.msk $0xffff, v3  }
0x9d: {  	v3 =	vshll.u32 v10, v1;
	v10 =	vadd.f32 v20, v34;
	v20 =	vld [tilespmem:s2+$0x0];
	v21 =	vadd.s32 v21, v39  }
0x9e: {  	s31 =	sadd.s32 $0x7, s0;
	v11 =	vshrl.u32 v11, $0x3;
	[tilespmem:v55+s20+$0x0] =	vst.idx.msk $0xffff, v48;
	v60 =	vld [tilespmem:s30+$0x20];
	v12 =	vadd.f32 v12, v34  }
0x9f: {  	v19 =	vmov s31;
	v2 =	vshll.u32 v11, v1;
	[tilespmem:v63+s20+$0x0] =	vst.idx.msk $0xffff, v6;
	v55 =	vld [tilespmem:s30+$0xFFFFFF10];
	v3 =	vbroadcast v3, $0x0  }
0xa0: {  	v11 =	vshrl.u32 v19, $0x3;
	v2 =	vbroadcast v2, $0x0;
	v9 =	vld [tilespmem:s2+$0x40];
	[tilespmem:v0+s20+$0x0] =	vst.idx.msk $0xffff, v12;
	v12 =	vadd.f32 v22, v36  }
0xa1: {  	v11 =	vshll.u32 v11, v1;
	v61 =	vld [tilespmem:s2+$0xC0];
	v6 =	vadd.s32 v31, v3;
	[tilespmem:v4+s20+$0x0] =	vst.idx.msk $0xffff, v10  }
0xa2: {  	v14 =	vadd.s32 v14, v2;
	v0 =	vld [tilespmem:s30+$0xFFFFFFB0];
	[tilespmem:v21+s20+$0x0] =	vst.idx.msk $0xffff, v12;
	v21 =	vbroadcast v11, $0x0  }
0xa3: {  	s16 =	sadd.s32 $0x5, s10;
	v16 =	vadd.f32 v16, v35;
	v10 =	vld [tilespmem:s2+$0xFFFFFFC0]  }
0xa4: {  	v15 =	vmov s16;
	[tilespmem:v53+s20+$0x0] =	vst.idx.msk $0xffff, v49;
	v20 =	vadd.f32 v20, v36;
	v53 =	vadd.s32 v25, v21;
	v25 =	vld [tilespmem:$0x1FE30]  }
0xa5: {  	v15 =	vshrl.u32 v15, $0x3;
	v4 =	vadd.f32 v18, v36;
	[tilespmem:v58+s20+$0x0] =	vst.idx.msk $0xffff, v16;
	v16 =	vld [tilespmem:s30+$0xD0]  }
0xa6: {  	v15 =	vshll.u32 v15, v1;
	v7 =	vadd.s32 v7, v40;
	v22 =	vld [tilespmem:s30+$0xFFFFFF70];
	[tilespmem:v6+s20+$0x0] =	vst.idx.msk $0xffff, v20  }
0xa7: {  	v59 =	vmov s10;
	v6 =	vbroadcast v15, $0x0;
	[tilespmem:v14+s20+$0x0] =	vst.idx.msk $0xffff, v4;
	v14 =	vld [tilespmem:$0x1FE20]  }
0xa8: {  	v13 =	vshrl.u32 v59, $0x3;
	v17 =	vadd.f32 v17, v35;
	v15 =	vld [tilespmem:s30+$0xA0]  }
0xa9: {  	v58 =	vadd.f32 v60, v34;
	v11 =	vadd.s32 v28, v6;
	v60 =	vadd.s32 v25, v42;
	v42 =	vmovc v6;
	v6 =	vld [tilespmem:$0x1FE70]  }
0xaa: {  	s9 =	sadd.s32 $0x6, s10;
	s10 =	sadd.s32 $0x3, s10;
	v13 =	vshll.u32 v13, v1;
	[tilespmem:v47+s20+$0x0] =	vst.idx.msk $0xffff, v17;
	v12 =	vld [tilespmem:s2+$0x10]  }
0xab: {  	v59 =	vmov s10;
	v13 =	vbroadcast v13, $0x0;
	[tilespmem:v7+s20+$0x0] =	vst.idx.msk $0xffff, v58;
	v7 =	vld [tilespmem:s30+$0x60]  }
0xac: {  	v62 =	vadd.f32 v9, v36;
	v49 =	vadd.f32 v61, v36;
	v24 =	vadd.s32 v14, v40;
	v14 =	vld [tilespmem:s2+$0xFFFFFF50]  }
0xad: {  	v23 =	vadd.s32 v26, v3;
	v61 =	vadd.f32 v0, v33;
	v40 =	vmovc v3;
	v3 =	vld [tilespmem:$0x1FF30];
	v0 =	vadd.f32 v15, v34  }
0xae: {  	v9 =	vadd.f32 v55, v35;
	v47 =	vmovc v11;
	v11 =	vld [tilespmem:s30+$0x30];
	v55 =	vadd.s32 v6, v13;
	v6 =	vadd.f32 v22, v33  }
0xaf: {  	v59 =	vshrl.u32 v59, $0x3;
	v5 =	vadd.f32 v5, v36;
	[tilespmem:v51+s20+$0x0] =	vst.idx.msk $0xffff, v0;
	v0 =	vld [tilespmem:$0x1FE80]  }
0xb0: {  	v63 =	vshll.u32 v59, v1;
	[tilespmem:v38+s20+$0x0] =	vst.idx.msk $0xffff, v6;
	v6 =	vadd.f32 v7, v34;
	v7 =	vld [tilespmem:$0x1FE10]  }
0xb1: {  	v48 =	vmov v5;
	v5 =	vbroadcast v63, $0x0;
	v16 =	vadd.f32 v16, v35;
	_ =	sdelay $0x1  }
0xb2: {  	v4 =	vadd.f32 v10, v36;
	v10 =	vld [tilespmem:s30+$0xFFFFFFE0];
	[tilespmem:v56+s20+$0x0] =	vst.idx.msk $0xffff, v16;
	v16 =	vadd.s32 v3, v5  }
0xb3: {  	[tilespmem:v54+s20+$0x0] =	vst.idx.msk $0xffff, v9;
	v3 =	vld [tilespmem:$0x1FF50]  }
0xb4: {  	v9 =	vadd.s32 v7, v43;
	v7 =	vadd.f32 v11, v33;
	v11 =	vadd.s32 v0, v45;
	v0 =	vld [tilespmem:$0x1FE60];
	_ =	sdelay $0x2  }
0xb5: {  	v17 =	vld [tilespmem:s30+$0xE0];
	v10 =	vadd.f32 v10, v34;
	[tilespmem:v16+s20+$0x0] =	vst.idx.msk $0xffff, v4  }
0xb6: {  	v56 =	vadd.s32 v3, v5;
	v16 =	vld [tilespmem:s2+$0xFFFFFFD0];
	v45 =	vmov v21  }
0xb7: {  	[tilespmem:v46+s20+$0x0] =	vst.idx.msk $0xffff, v10;
	v46 =	vmov v56;
	v56 =	vadd.s32 v0, v45;
	v0 =	vld [tilespmem:$0x1FE40];
	_ =	sdelay $0x2  }
0xb8: {  	v19 =	vld [tilespmem:$0x1FEF0]  }
0xb9: {  	v43 =	vmov v5;
	v5 =	vld [tilespmem:$0x1FF40]  }
0xba: {  	v15 =	vadd.f32 v17, v34;
	v10 =	vadd.s32 v0, v41;
	v0 =	vld [tilespmem:$0x1FEA0]  }
0xbb: {  	v20 =	vld [tilespmem:$0x1FEC0]  }
0xbc: {  	v25 =	vadd.f32 v12, v35;
	v12 =	vld [tilespmem:s2+$0xFFFFFF90];
	[tilespmem:v52+s20+$0x0] =	vst.idx.msk $0xffff, v15  }
0xbd: {  	v17 =	vld [tilespmem:s30+$0xF0]  }
0xbe: {  	v18 =	vmov s9;
	v3 =	vld [tilespmem:$0x1FE00]  }
0xbf: {  	v18 =	vshrl.u32 v18, $0x3;
	v63 =	vadd.s32 v5, v43;
	v5 =	vadd.s32 v0, v44;
	v0 =	vld [tilespmem:$0x1FED0]  }
0xc0: {  	v19 =	vadd.s32 v19, v2;
	v18 =	vshll.u32 v18, v1;
	v20 =	vadd.s32 v20, v2;
	v4 =	vld [tilespmem:s30+$0xFFFFFF20]  }
0xc1: {  	v18 =	vbroadcast v18, $0x0;
	v38 =	vmov v19;
	v19 =	vld [tilespmem:$0x1FF10]  }
0xc2: {  	[tilespmem:v24+s20+$0x0] =	vst.idx.msk $0xffff, v7;
	v7 =	vld [tilespmem:$0x1FFD0]  }
0xc3: {  	v59 =	vadd.s32 v27, v18;
	v58 =	vadd.s32 v30, v18;
	v22 =	vadd.f32 v14, v35;
	v41 =	vmovc v18;
	v18 =	vld [tilespmem:$0x1FEE0]  }
0xc4: {  	p1 =	slt.u32 s0, $0x78;
	v8 =	vadd.f32 v8, v36;
	v0 =	vadd.s32 v0, v2;
	v2 =	vld [tilespmem:$0x1FFE0]  }
.Ltmp0:
0xc5: {  	v14 =	vadd.f32 v12, v35;
	v12 =	vld [tilespmem:s30+$0xB0];
	[tilespmem:v20+s20+$0x0] =	vst.idx.msk $0xffff, v22;
	v4 =	vadd.f32 v4, v34;
	(pc) =	sbr.rel @p1 .LBB2_3-.Ltmp0, $4  }
0xc6: {  	v15 =	vld [tilespmem:s30+$0xFFFFFFF0];
	v17 =	vadd.f32 v17, v33;
	v3 =	vadd.s32 v3, v39;
	[tilespmem:v50+s20+$0x0] =	vst.idx.msk $0xffff, v6  }
0xc7: {  	v50 =	vadd.s32 v32, v42;
	v6 =	vadd.f32 v16, v35;
	[tilespmem:v57+s20+$0x0] =	vst.idx.msk $0xffff, v4;
	v21 =	vld [tilespmem:$0x1FF20]  }
0xc8: {  	v16 =	vadd.s32 v29, v42;
	v4 =	vadd.s32 v19, v39;
	[tilespmem:v23+s20+$0x0] =	vst.idx.msk $0xffff, v25;
	v44 =	vmov v13;
	v13 =	vld [tilespmem:s30+$0xFFFFFF30]  }
0xc9: {  	s0 =	sadd.s32 $0x8, s0;
	v51 =	vadd.s32 v7, v41;
	v54 =	vadd.s32 v18, v44;
	v52 =	vadd.s32 v2, v45;
	v2 =	vld [tilespmem:s30+$0x70];
	s30 =	smov.u32 s2;
	s2 =	sadd.s32 $0x200, s2  }
0xca: {  	_ = 	snop  }
0xcb: {  	v20 =	vld [tilespmem:$0x1FEF0]  }
0xcc: {  	v24 =	vld [tilespmem:$0x1FED0]  }
0xcd: {  	v19 =	vld [tilespmem:$0x1FEC0]  }
0xce: {  	v18 =	vld [tilespmem:$0x1FEB0];
	[tilespmem:v59+s20+$0x0] =	vst.idx.msk $0xffff, v8  }
0xcf: {  	[tilespmem:v3+s20+$0x0] =	vst.idx.msk $0xffff, v14  }
0xd0: {  	[tilespmem:v53+s20+$0x0] =	vst.idx.msk $0xffff, v49  }
0xd1: {  	[tilespmem:v11+s20+$0x0] =	vst.idx.msk $0xffff, v17  }
0xd2: {  	[tilespmem:v16+s20+$0x0] =	vst.idx.msk $0xffff, v62;
	v7 =	vld [tilespmem:s30+$0xD0]  }
0xd3: {  	v57 =	vadd.f32 v12, v33;
	[tilespmem:v55+s20+$0x0] =	vst.idx.msk $0xffff, v48;
	v53 =	vadd.s32 v21, v37  }
0xd4: {  	[tilespmem:v63+s20+$0x0] =	vst.idx.msk $0xffff, v6;
	v3 =	vadd.f32 v15, v33  }
0xd5: {  	v59 =	vld [tilespmem:s30+$0x50];
	[tilespmem:v10+s20+$0x0] =	vst.idx.msk $0xffff, v57;
	v2 =	vadd.f32 v2, v33  }
0xd6: {  	[tilespmem:v9+s20+$0x0] =	vst.idx.msk $0xffff, v3  }
0xd7: {  	[tilespmem:v60+s20+$0x0] =	vst.idx.msk $0xffff, v2;
	v7 =	vadd.f32 v7, v35  }
0xd8: {  	v3 =	vld [tilespmem:s30+$0x90];
	[tilespmem:v53+s20+$0x0] =	vst.idx.msk $0xffff, v61  }
0xd9: {  	[tilespmem:v56+s20+$0x0] =	vst.idx.msk $0xffff, v7  }
0xda: {  	v28 =	vadd.f32 v59, v35;
	v59 =	vld [tilespmem:$0x1FFF0]  }
0xdb: {  	v2 =	vld [tilespmem:s30+$0xFFFFFF10]  }
0xdc: {  	v60 =	vld [tilespmem:s30+$0xFFFFFF60]  }
0xdd: {  	v62 =	vld [tilespmem:s30+$0x20];
	v3 =	vadd.f32 v3, v35  }
0xde: {  	v7 =	vld [tilespmem:s30+$0xE0]  }
0xdf: {  	v30 =	vadd.f32 v13, v33;
	[tilespmem:v58+s20+$0x0] =	vst.idx.msk $0xffff, v3;
	v3 =	vld [tilespmem:s30+$0xFFFFFFE0];
	v29 =	vadd.s32 v59, v40  }
0xe0: {  	[tilespmem:v47+s20+$0x0] =	vst.idx.msk $0xffff, v28;
	v2 =	vadd.f32 v2, v35  }
0xe1: {  	[tilespmem:v5+s20+$0x0] =	vst.idx.msk $0xffff, v30;
	v32 =	vadd.f32 v60, v34  }
0xe2: {  	v8 =	vadd.f32 v62, v34;
	[tilespmem:v54+s20+$0x0] =	vst.idx.msk $0xffff, v2  }
0xe3: {  	v6 =	vld [tilespmem:s30+$0x60];
	[tilespmem:v0+s20+$0x0] =	vst.idx.msk $0xffff, v32;
	v2 =	vadd.f32 v7, v34  }
0xe4: {  	v31 =	vld [tilespmem:s30+$0xA0];
	v3 =	vadd.f32 v3, v34;
	[tilespmem:v29+s20+$0x0] =	vst.idx.msk $0xffff, v8  }
0xe5: {  	v14 =	vld [tilespmem:$0x1FE90];
	[tilespmem:v52+s20+$0x0] =	vst.idx.msk $0xffff, v2  }
0xe6: {  	v35 =	vld [tilespmem:s30+$0xFFFFFFA0];
	[tilespmem:v46+s20+$0x0] =	vst.idx.msk $0xffff, v3  }
0xe7: {  	v48 =	vld [tilespmem:$0x1FE20]  }
0xe8: {  	v0 =	vld [tilespmem:s30+$0xFFFFFF20]  }
0xe9: {  	v5 =	vld [tilespmem:s30+$0xFFFFFF70];
	v37 =	vadd.f32 v31, v34  }
0xea: {  	v8 =	vld [tilespmem:s30+$0x30];
	v2 =	vadd.f32 v6, v34;
	v36 =	vadd.s32 v14, v44  }
0xeb: {  	v47 =	vadd.f32 v35, v34;
	v3 =	vld [tilespmem:s30+$0xF0];
	[tilespmem:v51+s20+$0x0] =	vst.idx.msk $0xffff, v37  }
0xec: {  	v9 =	vld [tilespmem:$0x1FE80];
	[tilespmem:v50+s20+$0x0] =	vst.idx.msk $0xffff, v2;
	v10 =	vadd.s32 v48, v40  }
0xed: {  	v0 =	vadd.f32 v0, v34;
	v49 =	vld [tilespmem:s30+$0xFFFFFFF0];
	[tilespmem:v4+s20+$0x0] =	vst.idx.msk $0xffff, v47  }
0xee: {  	v52 =	vadd.f32 v5, v33;
	v53 =	vld [tilespmem:$0x1FE10]  }
0xef: {  	v56 =	vld [tilespmem:$0x1FE40];
	v8 =	vadd.f32 v8, v33;
	[tilespmem:v36+s20+$0x0] =	vst.idx.msk $0xffff, v0  }
0xf0: {  	v0 =	vld [tilespmem:$0x1FE30];
	[tilespmem:v38+s20+$0x0] =	vst.idx.msk $0xffff, v52  }
0xf1: {  	v55 =	vld [tilespmem:s30+$0xFFFFFFB0];
	[tilespmem:v10+s20+$0x0] =	vst.idx.msk $0xffff, v8  }
0xf2: {  	v9 =	vadd.s32 v9, v45;
	v61 =	vld [tilespmem:$0x1FEA0]  }
0xf3: {  	v60 =	vadd.s32 v21, v39;
	v2 =	vld [tilespmem:s30+$0xB0]  }
0xf4: {  	v54 =	vld [tilespmem:s30+$0x70];
	v5 =	vadd.s32 v53, v43  }
0xf5: {  	v3 =	vadd.f32 v3, v33;
	v13 =	vadd.s32 v56, v41;
	v57 =	vld [tilespmem:s30+$0xFFFFFF30]  }
0xf6: {  	v63 =	vadd.f32 v55, v33;
	v0 =	vadd.s32 v0, v42  }
0xf7: {  	v58 =	vadd.f32 v49, v33;
	[tilespmem:v9+s20+$0x0] =	vst.idx.msk $0xffff, v3;
	v62 =	vadd.s32 v61, v44  }
0xf8: {  	v2 =	vadd.f32 v2, v33;
	[tilespmem:v60+s20+$0x0] =	vst.idx.msk $0xffff, v63  }
0xf9: {  	s0 =	sshll.u32 s26, $0x14;
	v3 =	vadd.f32 v54, v33;
	[tilespmem:v5+s20+$0x0] =	vst.idx.msk $0xffff, v58  }
0xfa: {  	s0 =	sor.u32 s4, s0;
	[tilespmem:v13+s20+$0x0] =	vst.idx.msk $0xffff, v2;
	v2 =	vadd.f32 v57, v33  }
0xfb: {  	s0 =	sshrl.u32 s0, $0x3;
	[tilespmem:v0+s20+$0x0] =	vst.idx.msk $0xffff, v3  }
0xfc: {  	s6 =	simm.s32 $0x11600;
	s2 =	sadd.s32 s1, s0;
	[tilespmem:v62+s20+$0x0] =	vst.idx.msk $0xffff, v2  }
0xfd: {  	[hbm4b:s2+s3] =	stream.linear.scatter [tilespmem:s6], [sflag:$0x2], $0x80, $0x38;
	[tilespmem:$0x1AE00] =	vst v63  }
0xfe: {  	s7 =	simm.s32 $0x11698;
	s6 =	sadd.s32 $0x10, s2  }
0xff: {  	[hbm4b:s6+s3] =	stream.linear.scatter [tilespmem:s7], [sflag:$0x2], $0x80, $0x38;
	[tilespmem:$0x1AE00] =	vst v63  }
0x100: {  	s9 =	simm.s32 $0x11730;
	s12 =	simm.s32 $0x117C8;
	s10 =	sadd.s32 $0x20, s2  }
0x101: {  	[hbm4b:s10+s3] =	stream.linear.scatter [tilespmem:s9], [sflag:$0x2], $0x80, $0x38;
	[tilespmem:$0x1AE00] =	vst v63  }
0x102: {  	s0 =	simm.s32 $0x4C0;
	s16 =	sadd.s32 $0x30, s2;
	s31 =	sadd.s32 $0x70, s2  }
0x103: {  	[hbm4b:s16+s3] =	stream.linear.scatter [tilespmem:s12], [sflag:$0x2], $0x80, $0x38;
	[tilespmem:$0x1AE00] =	vst v63  }
0x104: {  	s30 =	simm.s32 $0x11A28;
	s6 =	simm.s32 $0x11860;
	s7 =	sadd.s32 $0x40, s2  }
0x105: {  	[hbm4b:s7+s3] =	stream.linear.scatter [tilespmem:s6], [sflag:$0x2], $0x80, $0x38;
	[tilespmem:$0x1AE00] =	vst v63  }
0x106: {  	s9 =	simm.s32 $0x118F8;
	s10 =	sadd.s32 $0x50, s2;
	s12 =	simm.s32 $0x11990  }
0x107: {  	[hbm4b:s10+s3] =	stream.linear.scatter [tilespmem:s9], [sflag:$0x2], $0x80, $0x38;
	[tilespmem:$0x1AE00] =	vst v63  }
0x108: {  	s16 =	sadd.s32 $0x60, s2;
	s2 =	sadd.s32 $0x1000, s2;
	s9 =	simm.s32 $0x2600  }
0x109: {  	[hbm4b:s16+s3] =	stream.linear.scatter [tilespmem:s12], [sflag:$0x2], $0x80, $0x38;
	[tilespmem:$0x1AE00] =	vst v63  }
.LBB2_5:
0x10a: {  	[hbm4b:s31+s3] =	stream.linear.scatter [tilespmem:s30], [sflag:$0x2], $0x80, $0x38;
	[tilespmem:$0x1AE00] =	vst v63  }
0x10b: {  	s6 =	smov.u32 s0;
	s0 =	smov.u32 s9  }
0x10c: {  	s10 =	sadd.s32 $0x1300, s9;
	s0 =	sshra.s32 s0, $0x2;
	s12 =	sadd.s32 $0x11600, s6  }
0x10d: {  	[hbm4b:s2+s3] =	stream.linear.scatter [tilespmem:s12], [sflag:$0x2], $0x80, $0x38;
	[tilespmem:$0x1AE00] =	vst v63  }
0x10e: {  	p1 =	sne.s32 s9, $0x8500;
	s9 =	sadd.s32 $0x11698, s6;
	s12 =	sadd.s32 $0x10, s2  }
0x10f: {  	[hbm4b:s12+s3] =	stream.linear.scatter [tilespmem:s9], [sflag:$0x2], $0x80, $0x38;
	[tilespmem:$0x1AE00] =	vst v63  }
0x110: {  	s9 =	sadd.s32 $0x11730, s6;
	s12 =	sadd.s32 $0x20, s2  }
0x111: {  	[hbm4b:s12+s3] =	stream.linear.scatter [tilespmem:s9], [sflag:$0x2], $0x80, $0x38;
	[tilespmem:$0x1AE00] =	vst v63  }
0x112: {  	s9 =	sadd.s32 $0x117C8, s6;
	s12 =	sadd.s32 $0x30, s2  }
0x113: {  	[hbm4b:s12+s3] =	stream.linear.scatter [tilespmem:s9], [sflag:$0x2], $0x80, $0x38;
	[tilespmem:$0x1AE00] =	vst v63  }
0x114: {  	s9 =	sadd.s32 $0x11860, s6;
	s12 =	sadd.s32 $0x40, s2  }
0x115: {  	[hbm4b:s12+s3] =	stream.linear.scatter [tilespmem:s9], [sflag:$0x2], $0x80, $0x38;
	[tilespmem:$0x1AE00] =	vst v63  }
.Ltmp1:
0x116: {  	s9 =	sadd.s32 $0x118F8, s6;
	s12 =	sadd.s32 $0x50, s2;
	(pc) =	sbr.rel @p1 .LBB2_5-.Ltmp1, $4  }
0x117: {  	[hbm4b:s12+s3] =	stream.linear.scatter [tilespmem:s9], [sflag:$0x2], $0x80, $0x38;
	[tilespmem:$0x1AE00] =	vst v63  }
0x118: {  	s31 =	sadd.s32 $0x70, s2;
	s9 =	sadd.s32 $0x11990, s6;
	s12 =	sadd.s32 $0x60, s2  }
0x119: {  	[hbm4b:s12+s3] =	stream.linear.scatter [tilespmem:s9], [sflag:$0x2], $0x80, $0x38;
	[tilespmem:$0x1AE00] =	vst v63  }
0x11a: {  	s30 =	sadd.s32 $0x11A28, s6;
	s2 =	sadd.s32 $0x1000, s2;
	s9 =	smov.u32 s10  }
0x11b: {  	[hbm4b:s31+s3] =	stream.linear.scatter [tilespmem:s30], [sflag:$0x2], $0x80, $0x38;
	[tilespmem:$0x1AE00] =	vst v63  }
0x11c: {  	s6 =	sadd.s32 $0x11600, s0  }
0x11d: {  	[hbm4b:s2+s3] =	stream.linear.scatter [tilespmem:s6], [sflag:$0x2], $0x80, $0x38;
	[tilespmem:$0x1AE00] =	vst v63  }
0x11e: {  	s7 =	sadd.s32 $0x11698, s0;
	s9 =	sadd.s32 $0x10, s2  }
0x11f: {  	[hbm4b:s9+s3] =	stream.linear.scatter [tilespmem:s7], [sflag:$0x2], $0x80, $0x38;
	[tilespmem:$0x1AE00] =	vst v63  }
0x120: {  	s10 =	sadd.s32 $0x11730, s0;
	s12 =	sadd.s32 $0x20, s2  }
0x121: {  	[hbm4b:s12+s3] =	stream.linear.scatter [tilespmem:s10], [sflag:$0x2], $0x80, $0x38;
	[tilespmem:$0x1AE00] =	vst v63  }
0x122: {  	s16 =	sadd.s32 $0x117C8, s0;
	s7 =	sadd.s32 $0x30, s2  }
0x123: {  	[hbm4b:s7+s3] =	stream.linear.scatter [tilespmem:s16], [sflag:$0x2], $0x80, $0x38;
	[tilespmem:$0x1AE00] =	vst v63  }
0x124: {  	s10 =	sadd.s32 $0x11860, s0;
	s12 =	sadd.s32 $0x40, s2  }
0x125: {  	[hbm4b:s12+s3] =	stream.linear.scatter [tilespmem:s10], [sflag:$0x2], $0x80, $0x38;
	[tilespmem:$0x1AE00] =	vst v63  }
0x126: {  	s16 =	sadd.s32 $0x118F8, s0;
	s7 =	sadd.s32 $0x50, s2  }
0x127: {  	[hbm4b:s7+s3] =	stream.linear.scatter [tilespmem:s16], [sflag:$0x2], $0x80, $0x38;
	[tilespmem:$0x1AE00] =	vst v63  }
0x128: {  	s9 =	sadd.s32 $0x11990, s0;
	s10 =	sadd.s32 $0x60, s2  }
0x129: {  	[hbm4b:s10+s3] =	stream.linear.scatter [tilespmem:s9], [sflag:$0x2], $0x80, $0x38;
	[tilespmem:$0x1AE00] =	vst v63  }
0x12a: {  	s12 =	sadd.s32 $0x11A28, s0;
	s0 =	simm.s32 @!p0 $0x2;
	s16 =	sadd.s32 $0x70, s2  }
0x12b: {  	[hbm4b:s16+s3] =	stream.linear.scatter [tilespmem:s12], [sflag:$0x2], $0x80, $0x38;
	[tilespmem:$0x1AE00] =	vst v63  }
0x12c: {  	p1 =	seq.s32 @!p0 s26, $0x31;
	_ =	swait.ge @!p0 [sflag:s0], $0x2000  }
0x12d: {  	p1 =	por p0, !p1;
	[sflag:s0] =	ssyncset.done @!p0 $0x0  }
0x12e: {  	[sflag:s0] =	ssyncadd.s32 @!p0 $0xFFFFE000;
	s0 =	sshll.u32 @p1 s29, $0x7  }
0x12f: {  	v29 =	vld [tilespmem:$0x1FE70];
	s0 =	sadd.s32 @p1 $0x200, s0  }
0x130: {  	v26 =	vld [tilespmem:$0x1FF50];
	s0 =	sand.u32 @p1 $0xFE00, s0  }
0x131: {  	v61 =	vld [tilespmem:$0x1FE50];
	[tilespmem:s14], [sflag:$0x1] =	stream.indirect.gather @p1 [hbm4b:s5+s13], $0x40, s0, s13, $0xb8  }
0x132: {  	v49 =	vld [tilespmem:$0x1FFE0];
	_ =	swait.ge [sflag:s19], $0x2000  }
0x133: {  	s30 =	sor.u32 $0x1, s29;
	v48 =	vld [tilespmem:$0x1FF60]  }
0x134: {  	s2 =	sshll.u32 s30, $0x6;
	[sflag:s19] =	ssyncset.done $0x0;
	v53 =	vld [tilespmem:$0x1FF00]  }
0x135: {  	s16 =	simm.s32 $0x1;
	s0 =	sand.u32 $0x3FFFFFC0, s2;
	v62 =	vld [tilespmem:$0x1FF30];
	[sflag:s19] =	ssyncadd.s32 $0xFFFFE000  }
0x136: {  	s9 =	simm.s32 $0x4;
	v5 =	vmov s16;
	v36 =	vld [tilespmem:s0+$0x6400]  }
0x137: {  	s6 =	simm.s32 $0x0;
	v3 =	vmov s9;
	v5 =	vshrl.u32 v5, $0x3;
	v35 =	vld [tilespmem:s0+$0x6410]  }
0x138: {  	v0 =	vmov s6;
	s10 =	simm.s32 $0x2;
	v3 =	vshrl.u32 v3, $0x3;
	v5 =	vshll.u32 v5, v1;
	v34 =	vld [tilespmem:s0+$0x6420]  }
0x139: {  	s6 =	simm.s32 $0x3;
	v6 =	vmov s10;
	v3 =	vshll.u32 v3, v1;
	v5 =	vbroadcast v5, $0x0;
	v33 =	vld [tilespmem:s0+$0x6430];
	s0 =	simm.s32 $0xB7F0  }
0x13a: {  	v6 =	vshrl.u32 v6, $0x3;
	v44 =	vbroadcast v3, $0x0;
	v3 =	vmov s6;
	v7 =	vld [tilespmem:s0+$0xFFFFFF10]  }
0x13b: {  	v6 =	vshll.u32 v6, v1;
	v3 =	vshrl.u32 v3, $0x3;
	v11 =	vadd.s32 v20, v5;
	v8 =	vld [tilespmem:s0+$0xFFFFFE50]  }
0x13c: {  	v30 =	vmovc v18;
	v37 =	vbroadcast v6, $0x0;
	v3 =	vshll.u32 v3, v1;
	v9 =	vld [tilespmem:s0+$0xFFFFFE90];
	[tilespmem:$0x1FD50] =	vst v11;
	v6 =	vadd.s32 v48, v44  }
0x13d: {  	v0 =	vshrl.u32 v0, $0x3;
	v50 =	vbroadcast v3, $0x0;
	v10 =	vadd.s32 v30, v5;
	v11 =	vld [tilespmem:s0+$0xFFFFFED0]  }
0x13e: {  	v17 =	vshll.u32 v0, v1;
	s7 =	simm.s32 $0x7;
	v3 =	vld [tilespmem:s0+$0xFFFFFE10];
	v12 =	vadd.s32 v53, v37  }
0x13f: {  	v2 =	vmov s7;
	s7 =	simm.s32 $0x6;
	s12 =	simm.s32 $0x5;
	v13 =	vld [tilespmem:s0+$0xFFFFFFD0];
	v15 =	vadd.s32 v62, v50;
	v7 =	vadd.f32 v7, v36  }
0x140: {  	v14 =	vmov s7;
	v4 =	vmov s12;
	v16 =	vld [tilespmem:s0+$0xFFFFFF90];
	v0 =	vadd.f32 v8, v36  }
0x141: {  	v4 =	vshrl.u32 v4, $0x3;
	v8 =	vshrl.u32 v14, $0x3;
	v14 =	vld [tilespmem:s0+$0xFFFFFF50];
	v9 =	vadd.f32 v9, v36;
	[tilespmem:v6+s21+$0x0] =	vst.idx.msk $0xffff, v7  }
0x142: {  	v4 =	vshll.u32 v4, v1;
	[tilespmem:v10+s21+$0x0] =	vst.idx.msk $0xffff, v0;
	v7 =	vadd.f32 v11, v36;
	v6 =	vld [tilespmem:s0+$0xFFFFFF20]  }
0x143: {  	v55 =	vbroadcast v4, $0x0;
	[tilespmem:v12+s21+$0x0] =	vst.idx.msk $0xffff, v9;
	v4 =	vld [tilespmem:s0+$0xFFFFFE60]  }
0x144: {  	v10 =	vld [tilespmem:s0+$0xFFFFFEA0];
	[tilespmem:v15+s21+$0x0] =	vst.idx.msk $0xffff, v7  }
0x145: {  	v63 =	vld [tilespmem:$0x1FFB0]  }
0x146: {  	v57 =	vld [tilespmem:$0x1FE00]  }
0x147: {  	v60 =	vld [tilespmem:$0x1FF70]  }
0x148: {  	v54 =	vbroadcast v17, $0x0;
	v2 =	vshrl.u32 v2, $0x3;
	v51 =	vld [tilespmem:$0x1FEE0]  }
0x149: {  	v32 =	vmovc v24;
	v24 =	vadd.s32 v24, v5;
	v8 =	vshll.u32 v8, v1;
	v9 =	vadd.s32 v19, v5;
	v5 =	vld [tilespmem:$0x1FFA0]  }
0x14a: {  	v2 =	vshll.u32 v2, v1;
	v52 =	vbroadcast v8, $0x0;
	v8 =	vadd.f32 v13, v36;
	v27 =	vld [tilespmem:$0x1FF90]  }
0x14b: {  	v0 =	vbroadcast v2, $0x0;
	v2 =	vadd.s32 v26, v50;
	v13 =	vld [tilespmem:s0+$0xFFFFFEE0];
	v17 =	vadd.s32 v57, v37  }
0x14c: {  	[tilespmem:$0x1FD60] =	vst v2;
	v2 =	vld [tilespmem:$0x1FFC0]  }
0x14d: {  	v31 =	vmov v19;
	v25 =	vld [tilespmem:$0x1FF40];
	v23 =	vadd.s32 v51, v54  }
0x14e: {  	v22 =	vld [tilespmem:$0x1FE60];
	v19 =	vadd.f32 v4, v35;
	v4 =	vadd.f32 v10, v35;
	v5 =	vadd.s32 v5, v55;
	[tilespmem:$0x1FD40] =	vst v23  }
0x14f: {  	v58 =	vld [tilespmem:$0x1FF80];
	[tilespmem:$0x1FD80] =	vst v5  }
0x150: {  	v38 =	vld [tilespmem:$0x1FF10];
	[tilespmem:v17+s21+$0x0] =	vst.idx.msk $0xffff, v4  }
0x151: {  	v4 =	vld [tilespmem:$0x1FFD0];
	_ =	sdelay $0x3  }
0x152: {  	s31 =	simm.s32 $0xB9F0  }
0x153: {  	v42 =	vld [tilespmem:s31+$0xFFFFFE50];
	v4 =	vadd.s32 v4, v52  }
0x154: {  	[tilespmem:$0x1FD70] =	vst v4;
	v4 =	vld [tilespmem:$0x1FE90];
	_ =	sdelay $0x1  }
0x155: {  	v7 =	vadd.s32 v63, v52;
	_ =	sdelay $0x2  }
0x156: {  	v16 =	vadd.f32 v16, v36;
	v23 =	vadd.s32 v58, v55;
	v4 =	vadd.s32 v4, v54  }
0x157: {  	s12 =	simm.s32 $0x9;
	v18 =	vadd.s32 v29, v54;
	[tilespmem:$0x1FD90] =	vst v4  }
0x158: {  	s7 =	simm.s32 $0xA;
	v39 =	vmov s12;
	v3 =	vadd.f32 v3, v36;
	v11 =	vadd.s32 v60, v44;
	[tilespmem:v7+s21+$0x0] =	vst.idx.msk $0xffff, v16  }
0x159: {  	v28 =	vmovc v20;
	v15 =	vadd.s32 v61, v0;
	v14 =	vadd.f32 v14, v36;
	v16 =	vmov s7;
	v46 =	vld [tilespmem:s0+$0xFFFFFFA0]  }
0x15a: {  	v6 =	vadd.f32 v6, v35;
	v21 =	vadd.s32 v25, v50;
	[tilespmem:v9+s21+$0x0] =	vst.idx.msk $0xffff, v19;
	v16 =	vshrl.u32 v16, $0x3  }
0x15b: {  	v39 =	vshrl.u32 v39, $0x3;
	v20 =	vadd.s32 v2, v52;
	[tilespmem:v23+s21+$0x0] =	vst.idx.msk $0xffff, v14;
	v14 =	vshll.u32 v16, v1;
	v16 =	vld [tilespmem:s0+$0xFFFFFE70]  }
0x15c: {  	s16 =	simm.s32 $0xC;
	v12 =	vadd.s32 v27, v55;
	v41 =	vadd.s32 v38, v37;
	v38 =	vld [tilespmem:s0+$0xFFFFFEB0];
	v19 =	vshll.u32 v39, v1  }
0x15d: {  	v13 =	vadd.f32 v13, v35;
	v7 =	vmov s16;
	[tilespmem:v11+s21+$0x0] =	vst.idx.msk $0xffff, v6;
	v19 =	vbroadcast v19, $0x0  }
0x15e: {  	v45 =	vld [tilespmem:s31+$0xFFFFFE90];
	[tilespmem:v15+s21+$0x0] =	vst.idx.msk $0xffff, v8;
	v7 =	vshrl.u32 v7, $0x3;
	v39 =	vbroadcast v14, $0x0;
	v15 =	vadd.f32 v46, v35  }
0x15f: {  	s10 =	simm.s32 $0xF;
	[tilespmem:v21+s21+$0x0] =	vst.idx.msk $0xffff, v13;
	v6 =	vld [tilespmem:s0+$0xFFFFFF60];
	v7 =	vshll.u32 v7, v1;
	v23 =	vadd.s32 v30, v19  }
0x160: {  	v40 =	vmov s10;
	v21 =	vadd.s32 v53, v39;
	v16 =	vadd.f32 v16, v34;
	[tilespmem:v20+s21+$0x0] =	vst.idx.msk $0xffff, v15;
	v20 =	vld [tilespmem:s0+$0xFFFFFFE0]  }
0x161: {  	v47 =	vld [tilespmem:s31+$0xFFFFFF10];
	[tilespmem:v18+s21+$0x0] =	vst.idx.msk $0xffff, v3;
	v14 =	vshrl.u32 v40, $0x3;
	v40 =	vbroadcast v7, $0x0;
	v11 =	vadd.f32 v38, v34  }
0x162: {  	v10 =	vadd.s32 v22, v0;
	v46 =	vadd.f32 v42, v36;
	[tilespmem:v24+s21+$0x0] =	vst.idx.msk $0xffff, v16;
	v16 =	vld [tilespmem:s0+$0xFFFFFF30]  }
0x163: {  	s9 =	simm.s32 $0x8;
	v7 =	vld [tilespmem:s31+$0xFFFFFE10];
	v8 =	vadd.s32 v48, v40;
	v3 =	vadd.f32 v45, v36;
	[tilespmem:v41+s21+$0x0] =	vst.idx.msk $0xffff, v11  }
0x164: {  	v43 =	vmov s9;
	v17 =	vadd.s32 v59, v44;
	v18 =	vld [tilespmem:s0+$0xFFFFFE20];
	v6 =	vadd.f32 v6, v35;
	[tilespmem:v23+s21+$0x0] =	vst.idx.msk $0xffff, v46  }
0x165: {  	v13 =	vshrl.u32 v43, $0x3;
	s16 =	simm.s32 $0xE;
	v43 =	vld [tilespmem:s31+$0xFFFFFFD0];
	[tilespmem:v21+s21+$0x0] =	vst.idx.msk $0xffff, v3;
	v3 =	vadd.f32 v20, v35  }
0x166: {  	s12 =	simm.s32 $0xB;
	v15 =	vmov s16;
	[tilespmem:v12+s21+$0x0] =	vst.idx.msk $0xffff, v6;
	v24 =	vadd.f32 v47, v36  }
0x167: {  	v59 =	vmov s12;
	v15 =	vshrl.u32 v15, $0x3;
	[tilespmem:v10+s21+$0x0] =	vst.idx.msk $0xffff, v3;
	v3 =	vadd.f32 v16, v34  }
0x168: {  	v53 =	vld [tilespmem:s31+$0xFFFFFED0];
	v41 =	vshrl.u32 v59, $0x3;
	v48 =	vadd.f32 v7, v36;
	v7 =	vshll.u32 v15, v1;
	[tilespmem:v8+s21+$0x0] =	vst.idx.msk $0xffff, v24  }
0x169: {  	v15 =	vshll.u32 v41, v1;
	v10 =	vadd.f32 v18, v35;
	v18 =	vld [tilespmem:$0x1FE20];
	[tilespmem:v17+s21+$0x0] =	vst.idx.msk $0xffff, v3  }
0x16a: {  	v5 =	vadd.s32 v49, v0;
	v4 =	vmovc v49;
	v49 =	vadd.f32 v43, v36;
	v43 =	vbroadcast v15, $0x0;
	v3 =	vld [tilespmem:$0x1FD40];
	_ =	sdelay $0x1  }
0x16b: {  	v8 =	vadd.s32 v62, v43;
	_ =	sdelay $0x1  }
0x16c: {  	v15 =	vld [tilespmem:s31+$0xFFFFFF20]  }
0x16d: {  	v12 =	vadd.f32 v53, v36;
	_ =	sdelay $0x1  }
0x16e: {  	[tilespmem:v8+s21+$0x0] =	vst.idx.msk $0xffff, v12  }
0x16f: {  	v13 =	vshll.u32 v13, v1;
	v6 =	vld [tilespmem:s0+$0xFFFFFFF0];
	[tilespmem:v3+s21+$0x0] =	vst.idx.msk $0xffff, v10  }
0x170: {  	v16 =	vadd.s32 v18, v44;
	v44 =	vbroadcast v13, $0x0;
	v13 =	vadd.f32 v15, v35;
	v15 =	vld [tilespmem:$0x1FD50]  }
0x171: {  	v41 =	vbroadcast v7, $0x0;
	v7 =	vld [tilespmem:s0+$0xFFFFFE80];
	_ =	sdelay $0x3  }
0x172: {  	v6 =	vadd.f32 v6, v34  }
0x173: {  	v7 =	vadd.f32 v7, v33  }
0x174: {  	v12 =	vld [tilespmem:$0x1FE30];
	[tilespmem:v5+s21+$0x0] =	vst.idx.msk $0xffff, v6  }
0x175: {  	[tilespmem:v15+s21+$0x0] =	vst.idx.msk $0xffff, v7  }
0x176: {  	v14 =	vshll.u32 v14, v1;
	v5 =	vld [tilespmem:$0x1FD60]  }
0x177: {  	v45 =	vbroadcast v14, $0x0;
	v14 =	vld [tilespmem:s0+$0xFFFFFEF0];
	_ =	sdelay $0x1  }
0x178: {  	s10 =	simm.s32 $0xD  }
0x179: {  	v9 =	vmov s10;
	v58 =	vld [tilespmem:s0+$0xFFFFFEC0]  }
0x17a: {  	v9 =	vshrl.u32 v9, $0x3  }
0x17b: {  	v20 =	vadd.s32 v60, v40;
	v60 =	vadd.s32 v12, v55;
	v12 =	vadd.f32 v14, v34  }
0x17c: {  	v9 =	vshll.u32 v9, v1  }
0x17d: {  	v42 =	vbroadcast v9, $0x0;
	v9 =	vld [tilespmem:s0+$0xFFFFFFB0];
	[tilespmem:v5+s21+$0x0] =	vst.idx.msk $0xffff, v12  }
0x17e: {  	v53 =	vadd.s32 v61, v45;
	v61 =	vadd.f32 v58, v33;
	v58 =	vadd.s32 v2, v41;
	v2 =	vld [tilespmem:$0x1FE10];
	_ =	sdelay $0x4  }
0x17f: {  	v14 =	vadd.f32 v9, v34;
	v9 =	vadd.s32 v2, v50;
	v2 =	vld [tilespmem:$0x1FD70];
	_ =	sdelay $0x2  }
0x180: {  	v11 =	vld [tilespmem:s31+$0xFFFFFF50];
	_ =	sdelay $0x4  }
0x181: {  	v62 =	vadd.f32 v11, v36;
	v11 =	vld [tilespmem:s0+$0xFFFFFF40];
	[tilespmem:v2+s21+$0x0] =	vst.idx.msk $0xffff, v14  }
0x182: {  	v5 =	vld [tilespmem:$0x1FE80];
	_ =	sdelay $0x4  }
0x183: {  	v12 =	vadd.f32 v11, v33;
	v11 =	vadd.s32 v5, v0;
	v0 =	vld [tilespmem:$0x1FD80]  }
0x184: {  	v10 =	vld [tilespmem:s0+$0xFFFFFF70];
	_ =	sdelay $0x4  }
0x185: {  	v10 =	vadd.f32 v10, v34  }
0x186: {  	v17 =	vld [tilespmem:s31+$0xFFFFFE60]  }
0x187: {  	[tilespmem:v0+s21+$0x0] =	vst.idx.msk $0xffff, v10  }
0x188: {  	v0 =	vld [tilespmem:$0x1FE40];
	_ =	sdelay $0x2  }
0x189: {  	v18 =	vadd.f32 v17, v35;
	v17 =	vld [tilespmem:s0+$0xFFFFFE30]  }
0x18a: {  	v7 =	vld [tilespmem:s31+$0xFFFFFEA0]  }
0x18b: {  	v10 =	vadd.s32 v0, v52;
	v0 =	vld [tilespmem:$0x1FEA0]  }
0x18c: {  	v2 =	vld [tilespmem:s0+$0x0];
	_ =	sdelay $0x2  }
0x18d: {  	[tilespmem:v16+s21+$0x0] =	vst.idx.msk $0xffff, v12  }
0x18e: {  	v14 =	vadd.f32 v7, v35;
	v5 =	vadd.s32 v0, v54;
	v0 =	vld [tilespmem:$0x1FF80];
	[tilespmem:v20+s21+$0x0] =	vst.idx.msk $0xffff, v13  }
0x18f: {  	v7 =	vadd.f32 v17, v34;
	v17 =	vadd.f32 v2, v33;
	v2 =	vld [tilespmem:$0x1FFA0];
	_ =	sdelay $0x4  }
0x190: {  	v30 =	vmov v2;
	v50 =	vadd.s32 v2, v42;
	v2 =	vld [tilespmem:$0x1FD90];
	_ =	sdelay $0x1  }
0x191: {  	v24 =	vadd.s32 v31, v19;
	_ =	sdelay $0x4  }
0x192: {  	v56 =	vld [tilespmem:s31+$0xFFFFFF90];
	[tilespmem:v24+s21+$0x0] =	vst.idx.msk $0xffff, v18  }
0x193: {  	v6 =	vld [tilespmem:s31+$0xFFFFFEE0];
	v55 =	vadd.s32 v29, v44;
	v52 =	vadd.s32 v4, v45;
	[tilespmem:v2+s21+$0x0] =	vst.idx.msk $0xffff, v7  }
0x194: {  	v29 =	vmovc v0;
	v16 =	vadd.s32 v0, v42;
	v0 =	vadd.s32 v32, v19;
	v32 =	vmov v4;
	v4 =	vld [tilespmem:$0x1FF10]  }
0x195: {  	v7 =	vld [tilespmem:$0x1FFD0]  }
0x196: {  	v59 =	vadd.s32 v63, v41;
	v15 =	vld [tilespmem:s0+$0xFFFFFF00]  }
0x197: {  	v38 =	vadd.s32 v28, v19;
	v3 =	vadd.s32 v57, v39;
	v12 =	vld [tilespmem:s0+$0xFFFFFFC0]  }
0x198: {  	v47 =	vadd.s32 v27, v42;
	v46 =	vadd.s32 v26, v43;
	v63 =	vadd.s32 v25, v43;
	v13 =	vld [tilespmem:s0+$0xFFFFFE40]  }
0x199: {  	v26 =	vmovc v51;
	v8 =	vadd.f32 v56, v36;
	v56 =	vadd.s32 v22, v45;
	v6 =	vadd.f32 v6, v35;
	v27 =	vld [tilespmem:$0x1FF20]  }
0x19a: {  	s9 =	simm.s32 $0xBBF0;
	s2 =	simm.s32 $0x10;
	v54 =	vadd.s32 v51, v44;
	v2 =	vld [tilespmem:s0+$0xFFFFFF80];
	v4 =	vadd.s32 v4, v39;
	v31 =	vmovc v7;
	v51 =	vadd.s32 v7, v41  }
.LBB2_7:
0x19b: {  	s10 =	smov.u32 s2;
	[tilespmem:v59+s21+$0x0] =	vst.idx.msk $0xffff, v8  }
0x19c: {  	v7 =	vld [tilespmem:$0x1FE90];
	[tilespmem:v3+s21+$0x0] =	vst.idx.msk $0xffff, v14;
	s7 =	sadd.s32 $0x2, s10  }
0x19d: {  	[tilespmem:v11+s21+$0x0] =	vst.idx.msk $0xffff, v17;
	v8 =	vld [tilespmem:s9+$0xFFFFFF90];
	v17 =	vmov s7;
	v3 =	vadd.f32 v15, v33  }
0x19e: {  	v22 =	vadd.s32 v27, v37;
	[tilespmem:v16+s21+$0x0] =	vst.idx.msk $0xffff, v62;
	v21 =	vld [tilespmem:s31+$0xFFFFFEB0];
	v16 =	vshrl.u32 v17, $0x3;
	v13 =	vadd.f32 v13, v33  }
0x19f: {  	v19 =	vmov s10;
	v12 =	vadd.f32 v12, v33;
	[tilespmem:v9+s21+$0x0] =	vst.idx.msk $0xffff, v3;
	v9 =	vshll.u32 v16, v1;
	v16 =	vld [tilespmem:s31+$0xFFFFFFA0]  }
0x1a0: {  	[tilespmem:v5+s21+$0x0] =	vst.idx.msk $0xffff, v13;
	v13 =	vshrl.u32 v19, $0x3;
	v19 =	vld [tilespmem:$0x1FF00]  }
0x1a1: {  	[tilespmem:v10+s21+$0x0] =	vst.idx.msk $0xffff, v12;
	v12 =	vld [tilespmem:s31+$0xFFFFFE70]  }
0x1a2: {  	s12 =	sadd.s32 $0x4, s10;
	v3 =	vadd.f32 v2, v33  }
0x1a3: {  	v37 =	vmov v39;
	v14 =	vmov s12;
	v23 =	vld [tilespmem:s9+$0xFFFFFE90];
	[tilespmem:v22+s21+$0x0] =	vst.idx.msk $0xffff, v61;
	v39 =	vbroadcast v9, $0x0  }
0x1a4: {  	v17 =	vld [tilespmem:s31+$0xFFFFFF60];
	v10 =	vshrl.u32 v14, $0x3;
	[tilespmem:v60+s21+$0x0] =	vst.idx.msk $0xffff, v3  }
0x1a5: {  	v18 =	vld [tilespmem:s9+$0xFFFFFE50];
	v3 =	vshll.u32 v10, v1;
	v10 =	vadd.f32 v21, v34;
	v19 =	vadd.s32 v19, v39  }
0x1a6: {  	v57 =	vadd.s32 v7, v44;
	v7 =	vld [tilespmem:$0x1FFF0];
	[tilespmem:v63+s21+$0x0] =	vst.idx.msk $0xffff, v6;
	v12 =	vadd.f32 v12, v34  }
0x1a7: {  	v6 =	vld [tilespmem:$0x1FF60];
	[tilespmem:v4+s21+$0x0] =	vst.idx.msk $0xffff, v10  }
0x1a8: {  	s6 =	sadd.s32 $0x7, s2;
	v60 =	vld [tilespmem:s9+$0xFFFFFF10];
	[tilespmem:v0+s21+$0x0] =	vst.idx.msk $0xffff, v12;
	v12 =	vadd.f32 v23, v36  }
0x1a9: {  	s0 =	sadd.s32 $0x6, s10;
	v20 =	vmov s6;
	v0 =	vld [tilespmem:s31+$0xFFFFFEC0]  }
0x1aa: {  	s6 =	sadd.s32 $0x1, s10;
	v3 =	vbroadcast v3, $0x0;
	v4 =	vadd.f32 v18, v36;
	v18 =	vmov s0;
	[tilespmem:v19+s21+$0x0] =	vst.idx.msk $0xffff, v12;
	v19 =	vld [tilespmem:$0x1FFB0]  }
0x1ab: {  	v11 =	vmov s6;
	v18 =	vshrl.u32 v18, $0x3  }
0x1ac: {  	v24 =	vld [tilespmem:s31+$0xFFFFFF30];
	v11 =	vshrl.u32 v11, $0x3;
	v6 =	vadd.s32 v6, v3;
	v18 =	vshll.u32 v18, v1  }
0x1ad: {  	v25 =	vld [tilespmem:s9+$0xFFFFFFD0];
	v2 =	vshll.u32 v11, v1;
	v11 =	vshrl.u32 v20, $0x3;
	v18 =	vbroadcast v18, $0x0  }
0x1ae: {  	v14 =	vld [tilespmem:$0x1FEB0];
	v11 =	vshll.u32 v11, v1;
	v7 =	vadd.s32 v7, v40  }
0x1af: {  	v21 =	vadd.f32 v60, v36;
	v59 =	vadd.s32 v19, v18;
	v19 =	vbroadcast v11, $0x0;
	v11 =	vld [tilespmem:$0x1FF70]  }
0x1b0: {  	v62 =	vld [tilespmem:$0x1FEC0]  }
0x1b1: {  	v24 =	vadd.f32 v24, v34;
	v2 =	vbroadcast v2, $0x0;
	v5 =	vld [tilespmem:s9+$0xFFFFFE10];
	[tilespmem:v6+s21+$0x0] =	vst.idx.msk $0xffff, v21  }
0x1b2: {  	[tilespmem:v53+s21+$0x0] =	vst.idx.msk $0xffff, v49;
	v12 =	vld [tilespmem:s9+$0xFFFFFF20]  }
0x1b3: {  	s16 =	sadd.s32 $0x5, s10;
	v14 =	vadd.s32 v14, v2;
	[tilespmem:v7+s21+$0x0] =	vst.idx.msk $0xffff, v24;
	v24 =	vld [tilespmem:$0x1FE30]  }
0x1b4: {  	v15 =	vmov s16;
	[tilespmem:v55+s21+$0x0] =	vst.idx.msk $0xffff, v48;
	v49 =	vadd.f32 v25, v36;
	v25 =	vadd.s32 v11, v3;
	v11 =	vld [tilespmem:$0x1FF90]  }
0x1b5: {  	v15 =	vshrl.u32 v15, $0x3;
	v55 =	vld [tilespmem:s31+$0xFFFFFE20]  }
0x1b6: {  	v15 =	vshll.u32 v15, v1;
	v9 =	vld [tilespmem:s9+$0xFFFFFF50]  }
0x1b7: {  	v16 =	vadd.f32 v16, v35;
	v23 =	vld [tilespmem:s31+$0xFFFFFE80];
	v6 =	vbroadcast v15, $0x0  }
0x1b8: {  	v17 =	vadd.f32 v17, v35;
	[tilespmem:v14+s21+$0x0] =	vst.idx.msk $0xffff, v4;
	v14 =	vld [tilespmem:$0x1FE20]  }
0x1b9: {  	s10 =	sadd.s32 $0x3, s10;
	[tilespmem:v58+s21+$0x0] =	vst.idx.msk $0xffff, v16;
	v60 =	vadd.s32 v24, v42;
	v42 =	vmov v6;
	v11 =	vadd.s32 v11, v6;
	v6 =	vld [tilespmem:$0x1FE70]  }
0x1ba: {  	v61 =	vmov s10;
	[tilespmem:v47+s21+$0x0] =	vst.idx.msk $0xffff, v17;
	v15 =	vld [tilespmem:s31+$0xFFFFFFB0]  }
0x1bb: {  	v22 =	vshrl.u32 v61, $0x3;
	v13 =	vshll.u32 v13, v1;
	v7 =	vld [tilespmem:s31+$0xFFFFFF70]  }
0x1bc: {  	v22 =	vshll.u32 v22, v1;
	v13 =	vbroadcast v13, $0x0  }
0x1bd: {  	v5 =	vadd.f32 v5, v36;
	v21 =	vadd.s32 v62, v2;
	v62 =	vadd.f32 v9, v36  }
0x1be: {  	v10 =	vld [tilespmem:s9+$0xFFFFFED0];
	v9 =	vadd.f32 v55, v35;
	v55 =	vadd.s32 v6, v13;
	v6 =	vadd.f32 v23, v33  }
0x1bf: {  	v48 =	vmovc v5;
	v5 =	vbroadcast v22, $0x0;
	v61 =	vadd.f32 v0, v33;
	v22 =	vadd.s32 v14, v40;
	v14 =	vld [tilespmem:s9+$0xFFFFFE60]  }
0x1c0: {  	v0 =	vadd.f32 v15, v34;
	[tilespmem:v38+s21+$0x0] =	vst.idx.msk $0xffff, v6;
	v6 =	vadd.f32 v7, v34;
	v7 =	vld [tilespmem:$0x1FFC0]  }
0x1c1: {  	v16 =	vld [tilespmem:s31+$0xFFFFFFE0]  }
0x1c2: {  	[tilespmem:v51+s21+$0x0] =	vst.idx.msk $0xffff, v0;
	v0 =	vld [tilespmem:$0x1FE80]  }
0x1c3: {  	v40 =	vmov v3;
	v3 =	vld [tilespmem:$0x1FF30]  }
0x1c4: {  	v47 =	vmov v11;
	v11 =	vld [tilespmem:s31+$0xFFFFFF40]  }
0x1c5: {  	v58 =	vadd.s32 v7, v18;
	v7 =	vld [tilespmem:$0x1FE10]  }
0x1c6: {  	v16 =	vadd.f32 v16, v35;
	_ =	sdelay $0x1  }
0x1c7: {  	v4 =	vadd.f32 v10, v36;
	v10 =	vld [tilespmem:s31+$0xFFFFFEF0];
	[tilespmem:v56+s21+$0x0] =	vst.idx.msk $0xffff, v16;
	v16 =	vadd.s32 v3, v5  }
0x1c8: {  	[tilespmem:v54+s21+$0x0] =	vst.idx.msk $0xffff, v9;
	v3 =	vld [tilespmem:$0x1FF50]  }
0x1c9: {  	v9 =	vadd.s32 v7, v43;
	v7 =	vadd.f32 v11, v33;
	v11 =	vadd.s32 v0, v45;
	v0 =	vld [tilespmem:$0x1FE60];
	_ =	sdelay $0x2  }
0x1ca: {  	v17 =	vld [tilespmem:s31+$0xFFFFFFF0];
	v10 =	vadd.f32 v10, v34;
	[tilespmem:v16+s21+$0x0] =	vst.idx.msk $0xffff, v4  }
0x1cb: {  	v56 =	vadd.s32 v3, v5;
	v16 =	vld [tilespmem:s9+$0xFFFFFEE0];
	v45 =	vmov v19  }
0x1cc: {  	[tilespmem:v46+s21+$0x0] =	vst.idx.msk $0xffff, v10;
	v46 =	vmov v56;
	v56 =	vadd.s32 v0, v45;
	v0 =	vld [tilespmem:$0x1FE40]  }
0x1cd: {  	v4 =	vld [tilespmem:s31+$0xFFFFFE30]  }
0x1ce: {  	v63 =	vld [tilespmem:$0x1FE50]  }
0x1cf: {  	v24 =	vadd.f32 v12, v35;
	v12 =	vld [tilespmem:s9+$0xFFFFFEA0];
	v15 =	vadd.f32 v17, v34  }
0x1d0: {  	v43 =	vmov v5;
	v5 =	vld [tilespmem:$0x1FF40]  }
0x1d1: {  	[tilespmem:v52+s21+$0x0] =	vst.idx.msk $0xffff, v15;
	v10 =	vadd.s32 v0, v41;
	v0 =	vld [tilespmem:$0x1FEA0]  }
0x1d2: {  	v17 =	vld [tilespmem:s31+$0x0];
	v4 =	vadd.f32 v4, v34  }
0x1d3: {  	v3 =	vld [tilespmem:$0x1FE00]  }
0x1d4: {  	v23 =	vadd.f32 v14, v35;
	[tilespmem:v57+s21+$0x0] =	vst.idx.msk $0xffff, v4;
	v4 =	vld [tilespmem:$0x1FF10]  }
0x1d5: {  	v8 =	vadd.f32 v8, v36;
	v20 =	vadd.s32 v28, v2;
	v53 =	vadd.s32 v63, v19  }
0x1d6: {  	p2 =	slt.u32 s2, $0x78;
	[tilespmem:v21+s21+$0x0] =	vst.idx.msk $0xffff, v23;
	v63 =	vadd.s32 v5, v43;
	v5 =	vadd.s32 v0, v44;
	v0 =	vld [tilespmem:$0x1FED0]  }
.Ltmp2:
0x1d7: {  	v17 =	vadd.f32 v17, v33;
	v14 =	vadd.f32 v12, v35;
	[tilespmem:v50+s21+$0x0] =	vst.idx.msk $0xffff, v6;
	(pc) =	sbr.rel @p2 .LBB2_7-.Ltmp2, $4  }
0x1d8: {  	v12 =	vld [tilespmem:s31+$0xFFFFFFC0];
	v50 =	vadd.s32 v30, v42;
	v3 =	vadd.s32 v3, v39;
	v6 =	vadd.f32 v16, v35  }
0x1d9: {  	v15 =	vld [tilespmem:s31+$0xFFFFFF00];
	v16 =	vadd.s32 v29, v42;
	v4 =	vadd.s32 v4, v39;
	[tilespmem:v22+s21+$0x0] =	vst.idx.msk $0xffff, v7  }
0x1da: {  	v52 =	vadd.s32 v32, v45;
	[tilespmem:v25+s21+$0x0] =	vst.idx.msk $0xffff, v24;
	v41 =	vmov v18;
	v44 =	vmov v13;
	v13 =	vld [tilespmem:s31+$0xFFFFFE40]  }
0x1db: {  	s2 =	sadd.s32 $0x8, s2;
	v38 =	vmovc v20;
	v51 =	vadd.s32 v31, v41;
	v54 =	vadd.s32 v26, v44;
	v0 =	vadd.s32 v0, v2;
	v2 =	vld [tilespmem:s31+$0xFFFFFF80];
	s31 =	smov.u32 s9;
	s9 =	sadd.s32 $0x200, s9  }
0x1dc: {  	_ =	sdelay $0x3  }
0x1dd: {  	[tilespmem:v59+s21+$0x0] =	vst.idx.msk $0xffff, v8  }
0x1de: {  	[tilespmem:v3+s21+$0x0] =	vst.idx.msk $0xffff, v14  }
0x1df: {  	[tilespmem:v53+s21+$0x0] =	vst.idx.msk $0xffff, v49  }
0x1e0: {  	[tilespmem:v11+s21+$0x0] =	vst.idx.msk $0xffff, v17  }
0x1e1: {  	v23 =	vadd.s32 v27, v37;
	[tilespmem:v16+s21+$0x0] =	vst.idx.msk $0xffff, v62;
	v7 =	vld [tilespmem:s31+$0xFFFFFFE0]  }
0x1e2: {  	[tilespmem:v55+s21+$0x0] =	vst.idx.msk $0xffff, v48;
	v24 =	vadd.f32 v12, v33  }
0x1e3: {  	[tilespmem:v63+s21+$0x0] =	vst.idx.msk $0xffff, v6;
	v3 =	vadd.f32 v15, v33  }
0x1e4: {  	[tilespmem:v10+s21+$0x0] =	vst.idx.msk $0xffff, v24  }
0x1e5: {  	[tilespmem:v9+s21+$0x0] =	vst.idx.msk $0xffff, v3;
	v2 =	vadd.f32 v2, v33  }
0x1e6: {  	[tilespmem:v23+s21+$0x0] =	vst.idx.msk $0xffff, v61;
	v7 =	vadd.f32 v7, v35  }
0x1e7: {  	v3 =	vld [tilespmem:s31+$0xFFFFFFA0];
	[tilespmem:v60+s21+$0x0] =	vst.idx.msk $0xffff, v2  }
0x1e8: {  	v25 =	vld [tilespmem:s31+$0xFFFFFF60];
	[tilespmem:v56+s21+$0x0] =	vst.idx.msk $0xffff, v7  }
0x1e9: {  	v49 =	vld [tilespmem:$0x1FFF0]  }
0x1ea: {  	v26 =	vld [tilespmem:s31+$0xFFFFFE70]  }
0x1eb: {  	v2 =	vld [tilespmem:s31+$0xFFFFFE20]  }
0x1ec: {  	v28 =	vld [tilespmem:s31+$0xFFFFFF30];
	v3 =	vadd.f32 v3, v35  }
0x1ed: {  	v29 =	vadd.f32 v25, v35;
	v7 =	vld [tilespmem:s31+$0xFFFFFFF0]  }
0x1ee: {  	v31 =	vadd.f32 v13, v33;
	[tilespmem:v58+s21+$0x0] =	vst.idx.msk $0xffff, v3;
	v3 =	vld [tilespmem:s31+$0xFFFFFEF0];
	v30 =	vadd.s32 v49, v40  }
0x1ef: {  	v36 =	vadd.f32 v26, v34;
	[tilespmem:v47+s21+$0x0] =	vst.idx.msk $0xffff, v29  }
0x1f0: {  	[tilespmem:v5+s21+$0x0] =	vst.idx.msk $0xffff, v31;
	v2 =	vadd.f32 v2, v35  }
0x1f1: {  	v8 =	vadd.f32 v28, v34;
	[tilespmem:v0+s21+$0x0] =	vst.idx.msk $0xffff, v36  }
0x1f2: {  	v6 =	vld [tilespmem:s31+$0xFFFFFF70];
	[tilespmem:v54+s21+$0x0] =	vst.idx.msk $0xffff, v2;
	v2 =	vadd.f32 v7, v34  }
0x1f3: {  	v32 =	vld [tilespmem:s31+$0xFFFFFFB0];
	v3 =	vadd.f32 v3, v34;
	[tilespmem:v30+s21+$0x0] =	vst.idx.msk $0xffff, v8  }
0x1f4: {  	v47 =	vld [tilespmem:$0x1FE90];
	[tilespmem:v52+s21+$0x0] =	vst.idx.msk $0xffff, v2  }
0x1f5: {  	v37 =	vld [tilespmem:s31+$0xFFFFFEB0];
	[tilespmem:v46+s21+$0x0] =	vst.idx.msk $0xffff, v3  }
0x1f6: {  	v53 =	vld [tilespmem:$0x1FE20]  }
0x1f7: {  	v0 =	vld [tilespmem:s31+$0xFFFFFE30]  }
0x1f8: {  	v5 =	vld [tilespmem:s31+$0xFFFFFE80];
	v48 =	vadd.f32 v32, v34  }
0x1f9: {  	v8 =	vld [tilespmem:s31+$0xFFFFFF40];
	v2 =	vadd.f32 v6, v34;
	v7 =	vadd.s32 v47, v44  }
0x1fa: {  	v52 =	vadd.f32 v37, v34;
	v3 =	vld [tilespmem:s31+$0x0];
	[tilespmem:v51+s21+$0x0] =	vst.idx.msk $0xffff, v48  }
0x1fb: {  	v9 =	vld [tilespmem:$0x1FE80];
	[tilespmem:v50+s21+$0x0] =	vst.idx.msk $0xffff, v2;
	v10 =	vadd.s32 v53, v40  }
0x1fc: {  	v0 =	vadd.f32 v0, v34;
	v54 =	vld [tilespmem:s31+$0xFFFFFF00];
	[tilespmem:v4+s21+$0x0] =	vst.idx.msk $0xffff, v52  }
0x1fd: {  	v55 =	vadd.f32 v5, v33;
	v56 =	vld [tilespmem:$0x1FE10]  }
0x1fe: {  	v59 =	vld [tilespmem:$0x1FE40];
	v8 =	vadd.f32 v8, v33;
	[tilespmem:v7+s21+$0x0] =	vst.idx.msk $0xffff, v0  }
0x1ff: {  	v0 =	vld [tilespmem:$0x1FE30];
	[tilespmem:v38+s21+$0x0] =	vst.idx.msk $0xffff, v55  }
0x200: {  	v58 =	vld [tilespmem:s31+$0xFFFFFEC0];
	[tilespmem:v10+s21+$0x0] =	vst.idx.msk $0xffff, v8  }
0x201: {  	v9 =	vadd.s32 v9, v45;
	v10 =	vld [tilespmem:$0x1FEA0]  }
0x202: {  	v62 =	vadd.s32 v27, v39;
	v2 =	vld [tilespmem:s31+$0xFFFFFFC0]  }
0x203: {  	v57 =	vld [tilespmem:s31+$0xFFFFFF80];
	v5 =	vadd.s32 v56, v43  }
0x204: {  	v3 =	vadd.f32 v3, v33;
	v13 =	vadd.s32 v59, v41;
	v60 =	vld [tilespmem:s31+$0xFFFFFE40]  }
0x205: {  	v63 =	vadd.f32 v58, v33;
	v0 =	vadd.s32 v0, v42  }
0x206: {  	v61 =	vadd.f32 v54, v33;
	[tilespmem:v9+s21+$0x0] =	vst.idx.msk $0xffff, v3;
	v10 =	vadd.s32 v10, v44  }
0x207: {  	v2 =	vadd.f32 v2, v33;
	[tilespmem:v62+s21+$0x0] =	vst.idx.msk $0xffff, v63  }
0x208: {  	s0 =	sshll.u32 s30, $0x12;
	v3 =	vadd.f32 v57, v33;
	[tilespmem:v5+s21+$0x0] =	vst.idx.msk $0xffff, v61  }
0x209: {  	s0 =	sor.u32 s4, s0;
	[tilespmem:v13+s21+$0x0] =	vst.idx.msk $0xffff, v2;
	v2 =	vadd.f32 v60, v33  }
0x20a: {  	s0 =	sshrl.u32 s0, $0x3;
	[tilespmem:v0+s21+$0x0] =	vst.idx.msk $0xffff, v3  }
0x20b: {  	s6 =	simm.s32 $0x13C00;
	s2 =	sadd.s32 s1, s0;
	[tilespmem:v10+s21+$0x0] =	vst.idx.msk $0xffff, v2  }
0x20c: {  	[hbm4b:s2+s3] =	stream.linear.scatter [tilespmem:s6], [sflag:$0x2], $0x80, $0x38;
	[tilespmem:$0x1AE00] =	vst v63  }
0x20d: {  	s7 =	simm.s32 $0x13C98;
	s6 =	sadd.s32 $0x10, s2  }
0x20e: {  	[hbm4b:s6+s3] =	stream.linear.scatter [tilespmem:s7], [sflag:$0x2], $0x80, $0x38;
	[tilespmem:$0x1AE00] =	vst v63  }
0x20f: {  	s9 =	simm.s32 $0x13D30;
	s12 =	simm.s32 $0x13DC8;
	s10 =	sadd.s32 $0x20, s2  }
0x210: {  	[hbm4b:s10+s3] =	stream.linear.scatter [tilespmem:s9], [sflag:$0x2], $0x80, $0x38;
	[tilespmem:$0x1AE00] =	vst v63  }
0x211: {  	s30 =	simm.s32 $0x14028;
	s0 =	simm.s32 $0x4C0;
	s16 =	sadd.s32 $0x30, s2  }
0x212: {  	[hbm4b:s16+s3] =	stream.linear.scatter [tilespmem:s12], [sflag:$0x2], $0x80, $0x38;
	[tilespmem:$0x1AE00] =	vst v63  }
0x213: {  	s31 =	sadd.s32 $0x70, s2;
	s6 =	simm.s32 $0x13E60;
	s7 =	sadd.s32 $0x40, s2  }
0x214: {  	[hbm4b:s7+s3] =	stream.linear.scatter [tilespmem:s6], [sflag:$0x2], $0x80, $0x38;
	[tilespmem:$0x1AE00] =	vst v63  }
0x215: {  	s9 =	simm.s32 $0x13EF8;
	s10 =	sadd.s32 $0x50, s2;
	s12 =	simm.s32 $0x13F90  }
0x216: {  	[hbm4b:s10+s3] =	stream.linear.scatter [tilespmem:s9], [sflag:$0x2], $0x80, $0x38;
	[tilespmem:$0x1AE00] =	vst v63  }
0x217: {  	s16 =	sadd.s32 $0x60, s2;
	s2 =	sadd.s32 $0x1000, s2;
	s9 =	simm.s32 $0x2600  }
0x218: {  	[hbm4b:s16+s3] =	stream.linear.scatter [tilespmem:s12], [sflag:$0x2], $0x80, $0x38;
	[tilespmem:$0x1AE00] =	vst v63  }
.LBB2_9:
0x219: {  	[hbm4b:s31+s3] =	stream.linear.scatter [tilespmem:s30], [sflag:$0x2], $0x80, $0x38;
	[tilespmem:$0x1AE00] =	vst v63  }
0x21a: {  	s6 =	smov.u32 s0;
	s0 =	smov.u32 s9  }
0x21b: {  	s7 =	sadd.s32 $0x1300, s9;
	s0 =	sshra.s32 s0, $0x2;
	s10 =	sadd.s32 $0x13C00, s6  }
0x21c: {  	[hbm4b:s2+s3] =	stream.linear.scatter [tilespmem:s10], [sflag:$0x2], $0x80, $0x38;
	[tilespmem:$0x1AE00] =	vst v63  }
0x21d: {  	p2 =	sne.s32 s9, $0x8500;
	s9 =	sadd.s32 $0x13C98, s6;
	s10 =	sadd.s32 $0x10, s2  }
0x21e: {  	[hbm4b:s10+s3] =	stream.linear.scatter [tilespmem:s9], [sflag:$0x2], $0x80, $0x38;
	[tilespmem:$0x1AE00] =	vst v63  }
0x21f: {  	s9 =	sadd.s32 $0x13D30, s6;
	s10 =	sadd.s32 $0x20, s2  }
0x220: {  	[hbm4b:s10+s3] =	stream.linear.scatter [tilespmem:s9], [sflag:$0x2], $0x80, $0x38;
	[tilespmem:$0x1AE00] =	vst v63  }
0x221: {  	s9 =	sadd.s32 $0x13DC8, s6;
	s10 =	sadd.s32 $0x30, s2  }
0x222: {  	[hbm4b:s10+s3] =	stream.linear.scatter [tilespmem:s9], [sflag:$0x2], $0x80, $0x38;
	[tilespmem:$0x1AE00] =	vst v63  }
0x223: {  	s9 =	sadd.s32 $0x13E60, s6;
	s10 =	sadd.s32 $0x40, s2  }
0x224: {  	[hbm4b:s10+s3] =	stream.linear.scatter [tilespmem:s9], [sflag:$0x2], $0x80, $0x38;
	[tilespmem:$0x1AE00] =	vst v63  }
.Ltmp3:
0x225: {  	s9 =	sadd.s32 $0x13EF8, s6;
	s10 =	sadd.s32 $0x50, s2;
	(pc) =	sbr.rel @p2 .LBB2_9-.Ltmp3, $4  }
0x226: {  	[hbm4b:s10+s3] =	stream.linear.scatter [tilespmem:s9], [sflag:$0x2], $0x80, $0x38;
	[tilespmem:$0x1AE00] =	vst v63  }
0x227: {  	s31 =	sadd.s32 $0x70, s2;
	s9 =	sadd.s32 $0x13F90, s6;
	s10 =	sadd.s32 $0x60, s2  }
0x228: {  	[hbm4b:s10+s3] =	stream.linear.scatter [tilespmem:s9], [sflag:$0x2], $0x80, $0x38;
	[tilespmem:$0x1AE00] =	vst v63  }
0x229: {  	s30 =	sadd.s32 $0x14028, s6;
	s2 =	sadd.s32 $0x1000, s2;
	s9 =	smov.u32 s7  }
0x22a: {  	[hbm4b:s31+s3] =	stream.linear.scatter [tilespmem:s30], [sflag:$0x2], $0x80, $0x38;
	[tilespmem:$0x1AE00] =	vst v63  }
0x22b: {  	s6 =	sadd.s32 $0x13C00, s0  }
0x22c: {  	[hbm4b:s2+s3] =	stream.linear.scatter [tilespmem:s6], [sflag:$0x2], $0x80, $0x38;
	[tilespmem:$0x1AE00] =	vst v63  }
0x22d: {  	s16 =	sadd.s32 $0x13C98, s0;
	s7 =	sadd.s32 $0x10, s2  }
0x22e: {  	[hbm4b:s7+s3] =	stream.linear.scatter [tilespmem:s16], [sflag:$0x2], $0x80, $0x38;
	[tilespmem:$0x1AE00] =	vst v63  }
0x22f: {  	s9 =	sadd.s32 $0x13D30, s0;
	s10 =	sadd.s32 $0x20, s2  }
0x230: {  	[hbm4b:s10+s3] =	stream.linear.scatter [tilespmem:s9], [sflag:$0x2], $0x80, $0x38;
	[tilespmem:$0x1AE00] =	vst v63  }
0x231: {  	s12 =	sadd.s32 $0x13DC8, s0;
	s16 =	sadd.s32 $0x30, s2  }
0x232: {  	[hbm4b:s16+s3] =	stream.linear.scatter [tilespmem:s12], [sflag:$0x2], $0x80, $0x38;
	[tilespmem:$0x1AE00] =	vst v63  }
0x233: {  	s9 =	sadd.s32 $0x13E60, s0;
	s10 =	sadd.s32 $0x40, s2  }
0x234: {  	[hbm4b:s10+s3] =	stream.linear.scatter [tilespmem:s9], [sflag:$0x2], $0x80, $0x38;
	[tilespmem:$0x1AE00] =	vst v63  }
0x235: {  	s12 =	sadd.s32 $0x13EF8, s0;
	s16 =	sadd.s32 $0x50, s2  }
0x236: {  	[hbm4b:s16+s3] =	stream.linear.scatter [tilespmem:s12], [sflag:$0x2], $0x80, $0x38;
	[tilespmem:$0x1AE00] =	vst v63  }
0x237: {  	s9 =	sadd.s32 $0x13F90, s0;
	s10 =	sadd.s32 $0x60, s2  }
0x238: {  	[hbm4b:s10+s3] =	stream.linear.scatter [tilespmem:s9], [sflag:$0x2], $0x80, $0x38;
	[tilespmem:$0x1AE00] =	vst v63  }
0x239: {  	s12 =	sadd.s32 $0x14028, s0;
	s16 =	sadd.s32 $0x70, s2;
	s0 =	simm.s32 @!p0 $0x2  }
0x23a: {  	[hbm4b:s16+s3] =	stream.linear.scatter [tilespmem:s12], [sflag:$0x2], $0x80, $0x38;
	[tilespmem:$0x1AE00] =	vst v63  }
0x23b: {  	_ =	swait.ge @!p0 [sflag:s0], $0x2000  }
0x23c: {  	[sflag:s0] =	ssyncset.done @!p0 $0x0;
	v63 =	vld [tilespmem:$0x1FE70]  }
0x23d: {  	v31 =	vld [tilespmem:$0x1FEB0];
	[sflag:s0] =	ssyncadd.s32 @!p0 $0xFFFFE000;
	s0 =	sshll.u32 @p1 s29, $0x7  }
0x23e: {  	v26 =	vld [tilespmem:$0x1FEC0];
	s0 =	sadd.s32 @p1 $0x280, s0  }
0x23f: {  	v30 =	vld [tilespmem:$0x1FED0];
	s0 =	sand.u32 @p1 $0xFE80, s0  }
0x240: {  	v11 =	vld [tilespmem:$0x1FEF0];
	[tilespmem:s15], [sflag:$0x1] =	stream.indirect.gather @p1 [hbm4b:s5+s13], $0x40, s0, s13, $0xb8  }
0x241: {  	v28 =	vld [tilespmem:$0x1FE00];
	_ =	swait.ge [sflag:s19], $0x2000  }
0x242: {  	s30 =	sor.u32 $0x2, s29;
	v48 =	vld [tilespmem:$0x1FF60]  }
0x243: {  	s6 =	sshll.u32 s30, $0x6;
	[sflag:s19] =	ssyncset.done $0x0;
	v53 =	vld [tilespmem:$0x1FF00]  }
0x244: {  	s16 =	simm.s32 $0x1;
	s0 =	sand.u32 $0x3FFFFFC0, s6;
	v62 =	vld [tilespmem:$0x1FF30];
	[sflag:s19] =	ssyncadd.s32 $0xFFFFE000  }
0x245: {  	s10 =	simm.s32 $0x4;
	v5 =	vmov s16;
	v36 =	vld [tilespmem:s0+$0x6400]  }
0x246: {  	s9 =	simm.s32 $0x7;
	v3 =	vmov s10;
	v5 =	vshrl.u32 v5, $0x3;
	v35 =	vld [tilespmem:s0+$0x6410]  }
0x247: {  	v2 =	vmov s9;
	s9 =	simm.s32 $0x2;
	v3 =	vshrl.u32 v3, $0x3;
	v5 =	vshll.u32 v5, v1;
	v34 =	vld [tilespmem:s0+$0x6420]  }
0x248: {  	v6 =	vmov s9;
	v3 =	vshll.u32 v3, v1;
	v5 =	vbroadcast v5, $0x0;
	s6 =	simm.s32 $0x3;
	v33 =	vld [tilespmem:s0+$0x6430];
	s0 =	simm.s32 $0xD7F0  }
0x249: {  	v6 =	vshrl.u32 v6, $0x3;
	v44 =	vbroadcast v3, $0x0;
	v3 =	vmov s6;
	v7 =	vld [tilespmem:s0+$0xFFFFFF10]  }
0x24a: {  	v6 =	vshll.u32 v6, v1;
	v12 =	vadd.s32 v11, v5;
	v3 =	vshrl.u32 v3, $0x3;
	v8 =	vld [tilespmem:s0+$0xFFFFFE50]  }
0x24b: {  	s7 =	simm.s32 $0x0;
	v37 =	vbroadcast v6, $0x0;
	v3 =	vshll.u32 v3, v1;
	v9 =	vld [tilespmem:s0+$0xFFFFFE90];
	[tilespmem:$0x1FD00] =	vst v12;
	v6 =	vadd.s32 v48, v44  }
0x24c: {  	v0 =	vmov s7;
	v10 =	vadd.s32 v31, v5;
	v58 =	vmovc v11;
	v50 =	vbroadcast v3, $0x0;
	v11 =	vld [tilespmem:s0+$0xFFFFFED0]  }
0x24d: {  	s7 =	simm.s32 $0x6;
	v0 =	vshrl.u32 v0, $0x3;
	v3 =	vld [tilespmem:s0+$0xFFFFFE10];
	v12 =	vadd.s32 v53, v37  }
0x24e: {  	v14 =	vmov s7;
	s12 =	simm.s32 $0x5;
	v13 =	vld [tilespmem:s0+$0xFFFFFFD0];
	v15 =	vadd.s32 v62, v50;
	v7 =	vadd.f32 v7, v36  }
0x24f: {  	v17 =	vshll.u32 v0, v1;
	v4 =	vmov s12;
	v16 =	vld [tilespmem:s0+$0xFFFFFF90];
	v0 =	vadd.f32 v8, v36  }
0x250: {  	v4 =	vshrl.u32 v4, $0x3;
	v8 =	vshrl.u32 v14, $0x3;
	v14 =	vld [tilespmem:s0+$0xFFFFFF50];
	v9 =	vadd.f32 v9, v36;
	[tilespmem:v6+s22+$0x0] =	vst.idx.msk $0xffff, v7  }
0x251: {  	v4 =	vshll.u32 v4, v1;
	[tilespmem:v10+s22+$0x0] =	vst.idx.msk $0xffff, v0;
	v7 =	vadd.f32 v11, v36;
	v6 =	vld [tilespmem:s0+$0xFFFFFF20]  }
0x252: {  	v55 =	vbroadcast v4, $0x0;
	[tilespmem:v12+s22+$0x0] =	vst.idx.msk $0xffff, v9;
	v4 =	vld [tilespmem:s0+$0xFFFFFE60]  }
0x253: {  	v10 =	vld [tilespmem:s0+$0xFFFFFEA0];
	[tilespmem:v15+s22+$0x0] =	vst.idx.msk $0xffff, v7  }
0x254: {  	v27 =	vld [tilespmem:$0x1FFB0]  }
0x255: {  	v61 =	vld [tilespmem:$0x1FF70]  }
0x256: {  	v8 =	vshll.u32 v8, v1;
	v60 =	vld [tilespmem:$0x1FF90]  }
0x257: {  	v52 =	vbroadcast v8, $0x0;
	v8 =	vadd.f32 v13, v36;
	v13 =	vld [tilespmem:s0+$0xFFFFFEE0]  }
0x258: {  	v29 =	vld [tilespmem:$0x1FF50]  }
0x259: {  	v57 =	vld [tilespmem:$0x1FEE0]  }
0x25a: {  	v24 =	vadd.s32 v30, v5;
	v9 =	vadd.s32 v26, v5;
	v5 =	vld [tilespmem:$0x1FFA0]  }
0x25b: {  	v2 =	vshrl.u32 v2, $0x3;
	v32 =	vld [tilespmem:$0x1FE50]  }
0x25c: {  	v54 =	vbroadcast v17, $0x0;
	v2 =	vshll.u32 v2, v1;
	v17 =	vadd.s32 v28, v37;
	v22 =	vld [tilespmem:$0x1FF40]  }
0x25d: {  	v0 =	vbroadcast v2, $0x0;
	v25 =	vld [tilespmem:$0x1FE60];
	v2 =	vadd.s32 v29, v50  }
0x25e: {  	v51 =	vld [tilespmem:$0x1FF80];
	v23 =	vadd.s32 v57, v54;
	[tilespmem:$0x1FD10] =	vst v2  }
0x25f: {  	v38 =	vld [tilespmem:$0x1FF10];
	v19 =	vadd.f32 v4, v35;
	v4 =	vadd.f32 v10, v35;
	v5 =	vadd.s32 v5, v55;
	[tilespmem:$0x1FCF0] =	vst v23  }
0x260: {  	v2 =	vld [tilespmem:$0x1FFC0];
	[tilespmem:$0x1FD30] =	vst v5  }
0x261: {  	v5 =	vld [tilespmem:$0x1FFE0];
	[tilespmem:v17+s22+$0x0] =	vst.idx.msk $0xffff, v4  }
0x262: {  	v4 =	vld [tilespmem:$0x1FFD0];
	_ =	sdelay $0x1  }
0x263: {  	v7 =	vadd.s32 v27, v52;
	_ =	sdelay $0x2  }
0x264: {  	s31 =	simm.s32 $0xD9F0;
	s9 =	simm.s32 $0x8;
	v16 =	vadd.f32 v16, v36;
	v23 =	vadd.s32 v51, v55;
	v4 =	vadd.s32 v4, v52  }
0x265: {  	s12 =	simm.s32 $0x9;
	v43 =	vmov s9;
	v18 =	vadd.s32 v63, v54;
	v3 =	vadd.f32 v3, v36;
	v42 =	vld [tilespmem:s31+$0xFFFFFE50];
	[tilespmem:$0x1FD20] =	vst v4  }
0x266: {  	s9 =	simm.s32 $0xA;
	v39 =	vmov s12;
	v14 =	vadd.f32 v14, v36;
	v11 =	vadd.s32 v61, v44;
	v4 =	vld [tilespmem:$0x1FE90];
	[tilespmem:v7+s22+$0x0] =	vst.idx.msk $0xffff, v16  }
0x267: {  	v6 =	vadd.f32 v6, v35;
	v15 =	vadd.s32 v32, v0;
	v16 =	vmov s9;
	v46 =	vld [tilespmem:s0+$0xFFFFFFA0]  }
0x268: {  	v12 =	vadd.s32 v60, v55;
	v21 =	vadd.s32 v22, v50;
	[tilespmem:v9+s22+$0x0] =	vst.idx.msk $0xffff, v19;
	v16 =	vshrl.u32 v16, $0x3  }
0x269: {  	v39 =	vshrl.u32 v39, $0x3;
	v20 =	vadd.s32 v2, v52;
	[tilespmem:v23+s22+$0x0] =	vst.idx.msk $0xffff, v14;
	v14 =	vshll.u32 v16, v1;
	v16 =	vld [tilespmem:s0+$0xFFFFFE70]  }
0x26a: {  	s16 =	simm.s32 $0xC;
	v13 =	vadd.f32 v13, v35;
	v17 =	vadd.s32 v49, v44;
	v49 =	vld [tilespmem:s0+$0xFFFFFEB0];
	v19 =	vshll.u32 v39, v1  }
0x26b: {  	v41 =	vadd.s32 v38, v37;
	v7 =	vmov s16;
	[tilespmem:v11+s22+$0x0] =	vst.idx.msk $0xffff, v6;
	v19 =	vbroadcast v19, $0x0  }
0x26c: {  	v45 =	vld [tilespmem:s31+$0xFFFFFE90];
	[tilespmem:v15+s22+$0x0] =	vst.idx.msk $0xffff, v8;
	v7 =	vshrl.u32 v7, $0x3;
	v39 =	vbroadcast v14, $0x0;
	v15 =	vadd.f32 v46, v35  }
0x26d: {  	s10 =	simm.s32 $0xF;
	[tilespmem:v21+s22+$0x0] =	vst.idx.msk $0xffff, v13;
	v6 =	vld [tilespmem:s0+$0xFFFFFF60];
	v7 =	vshll.u32 v7, v1;
	v23 =	vadd.s32 v31, v19  }
0x26e: {  	v40 =	vmov s10;
	v21 =	vadd.s32 v53, v39;
	v16 =	vadd.f32 v16, v34;
	[tilespmem:v20+s22+$0x0] =	vst.idx.msk $0xffff, v15;
	v20 =	vld [tilespmem:s0+$0xFFFFFFE0]  }
0x26f: {  	v47 =	vld [tilespmem:s31+$0xFFFFFF10];
	[tilespmem:v18+s22+$0x0] =	vst.idx.msk $0xffff, v3;
	v14 =	vshrl.u32 v40, $0x3;
	v40 =	vbroadcast v7, $0x0;
	v11 =	vadd.f32 v49, v34  }
0x270: {  	v10 =	vadd.s32 v25, v0;
	v46 =	vadd.f32 v42, v36;
	[tilespmem:v24+s22+$0x0] =	vst.idx.msk $0xffff, v16;
	v16 =	vld [tilespmem:s0+$0xFFFFFF30]  }
0x271: {  	v7 =	vld [tilespmem:s31+$0xFFFFFE10];
	v8 =	vadd.s32 v48, v40;
	v3 =	vadd.f32 v45, v36;
	[tilespmem:v41+s22+$0x0] =	vst.idx.msk $0xffff, v11  }
0x272: {  	v18 =	vld [tilespmem:s0+$0xFFFFFE20];
	v6 =	vadd.f32 v6, v35;
	[tilespmem:v23+s22+$0x0] =	vst.idx.msk $0xffff, v46  }
0x273: {  	v13 =	vshrl.u32 v43, $0x3;
	s16 =	simm.s32 $0xE;
	v43 =	vld [tilespmem:s31+$0xFFFFFFD0];
	[tilespmem:v21+s22+$0x0] =	vst.idx.msk $0xffff, v3;
	v3 =	vadd.f32 v20, v35  }
0x274: {  	s12 =	simm.s32 $0xB;
	v15 =	vmov s16;
	[tilespmem:v12+s22+$0x0] =	vst.idx.msk $0xffff, v6;
	v24 =	vadd.f32 v47, v36  }
0x275: {  	v59 =	vmov s12;
	v15 =	vshrl.u32 v15, $0x3;
	[tilespmem:v10+s22+$0x0] =	vst.idx.msk $0xffff, v3;
	v3 =	vadd.f32 v16, v34  }
0x276: {  	v53 =	vld [tilespmem:s31+$0xFFFFFED0];
	v41 =	vshrl.u32 v59, $0x3;
	v48 =	vadd.f32 v7, v36;
	v7 =	vshll.u32 v15, v1;
	[tilespmem:v8+s22+$0x0] =	vst.idx.msk $0xffff, v24  }
0x277: {  	v15 =	vshll.u32 v41, v1;
	v10 =	vadd.f32 v18, v35;
	v18 =	vld [tilespmem:$0x1FE20];
	[tilespmem:v17+s22+$0x0] =	vst.idx.msk $0xffff, v3  }
0x278: {  	v49 =	vadd.f32 v43, v36;
	v43 =	vbroadcast v15, $0x0;
	v3 =	vld [tilespmem:$0x1FCF0];
	_ =	sdelay $0x1  }
0x279: {  	v8 =	vadd.s32 v62, v43;
	_ =	sdelay $0x1  }
0x27a: {  	v15 =	vld [tilespmem:s31+$0xFFFFFF20]  }
0x27b: {  	v12 =	vadd.f32 v53, v36;
	_ =	sdelay $0x1  }
0x27c: {  	[tilespmem:v8+s22+$0x0] =	vst.idx.msk $0xffff, v12  }
0x27d: {  	v13 =	vshll.u32 v13, v1;
	v6 =	vld [tilespmem:s0+$0xFFFFFFF0];
	[tilespmem:v3+s22+$0x0] =	vst.idx.msk $0xffff, v10  }
0x27e: {  	v16 =	vadd.s32 v18, v44;
	v44 =	vbroadcast v13, $0x0;
	v13 =	vadd.f32 v15, v35;
	v15 =	vld [tilespmem:$0x1FD00]  }
0x27f: {  	v41 =	vbroadcast v7, $0x0;
	v7 =	vld [tilespmem:s0+$0xFFFFFE80]  }
0x280: {  	v5 =	vadd.s32 v5, v0;
	_ =	sdelay $0x2  }
0x281: {  	v6 =	vadd.f32 v6, v34  }
0x282: {  	v7 =	vadd.f32 v7, v33  }
0x283: {  	v12 =	vld [tilespmem:$0x1FE30];
	[tilespmem:v5+s22+$0x0] =	vst.idx.msk $0xffff, v6  }
0x284: {  	[tilespmem:v15+s22+$0x0] =	vst.idx.msk $0xffff, v7  }
0x285: {  	s10 =	simm.s32 $0xD;
	v14 =	vshll.u32 v14, v1;
	v5 =	vld [tilespmem:$0x1FD10]  }
0x286: {  	v9 =	vmov s10;
	v45 =	vbroadcast v14, $0x0;
	v14 =	vld [tilespmem:s0+$0xFFFFFEF0]  }
0x287: {  	v9 =	vshrl.u32 v9, $0x3  }
0x288: {  	v9 =	vshll.u32 v9, v1  }
0x289: {  	v38 =	vadd.s32 v58, v19;
	v42 =	vbroadcast v9, $0x0;
	v58 =	vld [tilespmem:s0+$0xFFFFFEC0];
	_ =	sdelay $0x1  }
0x28a: {  	v47 =	vadd.s32 v60, v42;
	v60 =	vadd.s32 v12, v55;
	v12 =	vadd.f32 v14, v34;
	_ =	sdelay $0x1  }
0x28b: {  	v9 =	vld [tilespmem:s0+$0xFFFFFFB0];
	[tilespmem:v5+s22+$0x0] =	vst.idx.msk $0xffff, v12  }
0x28c: {  	v20 =	vadd.s32 v61, v40;
	v61 =	vadd.f32 v58, v33;
	v58 =	vadd.s32 v2, v41;
	v2 =	vld [tilespmem:$0x1FE10];
	_ =	sdelay $0x4  }
0x28d: {  	v14 =	vadd.f32 v9, v34;
	v9 =	vadd.s32 v2, v50;
	v2 =	vld [tilespmem:$0x1FD20];
	_ =	sdelay $0x2  }
0x28e: {  	v11 =	vld [tilespmem:s31+$0xFFFFFF50];
	_ =	sdelay $0x4  }
0x28f: {  	v62 =	vadd.f32 v11, v36;
	v11 =	vld [tilespmem:s0+$0xFFFFFF40];
	[tilespmem:v2+s22+$0x0] =	vst.idx.msk $0xffff, v14  }
0x290: {  	v5 =	vld [tilespmem:$0x1FE80];
	_ =	sdelay $0x4  }
0x291: {  	v12 =	vadd.f32 v11, v33;
	v11 =	vadd.s32 v5, v0;
	v0 =	vld [tilespmem:$0x1FD30]  }
0x292: {  	v10 =	vld [tilespmem:s0+$0xFFFFFF70];
	_ =	sdelay $0x1  }
0x293: {  	v17 =	vld [tilespmem:s31+$0xFFFFFE60];
	_ =	sdelay $0x2  }
0x294: {  	v10 =	vadd.f32 v10, v34;
	_ =	sdelay $0x1  }
0x295: {  	v18 =	vadd.f32 v17, v35;
	v17 =	vld [tilespmem:s0+$0xFFFFFE30];
	[tilespmem:v0+s22+$0x0] =	vst.idx.msk $0xffff, v10  }
0x296: {  	v0 =	vld [tilespmem:$0x1FE40]  }
0x297: {  	v7 =	vld [tilespmem:s31+$0xFFFFFEA0]  }
0x298: {  	v2 =	vld [tilespmem:s0+$0x0];
	_ =	sdelay $0x2  }
0x299: {  	v10 =	vadd.s32 v0, v52;
	v0 =	vld [tilespmem:$0x1FEA0];
	[tilespmem:v16+s22+$0x0] =	vst.idx.msk $0xffff, v12  }
0x29a: {  	v14 =	vadd.f32 v7, v35;
	[tilespmem:v20+s22+$0x0] =	vst.idx.msk $0xffff, v13  }
0x29b: {  	v4 =	vadd.s32 v4, v54;
	v7 =	vadd.f32 v17, v34;
	v17 =	vadd.f32 v2, v33;
	v2 =	vld [tilespmem:$0x1FFA0]  }
0x29c: {  	v24 =	vadd.s32 v26, v19;
	_ =	sdelay $0x2  }
0x29d: {  	v56 =	vld [tilespmem:s31+$0xFFFFFF90]  }
0x29e: {  	v53 =	vadd.s32 v32, v45;
	v32 =	vmov v2;
	v50 =	vadd.s32 v2, v42;
	v2 =	vld [tilespmem:$0x1FFE0];
	[tilespmem:v4+s22+$0x0] =	vst.idx.msk $0xffff, v7  }
0x29f: {  	v6 =	vld [tilespmem:s31+$0xFFFFFEE0];
	[tilespmem:v24+s22+$0x0] =	vst.idx.msk $0xffff, v18  }
0x2a0: {  	v4 =	vld [tilespmem:$0x1FF10]  }
0x2a1: {  	v7 =	vld [tilespmem:$0x1FFD0]  }
0x2a2: {  	v26 =	vmovc v51;
	v59 =	vadd.s32 v27, v41;
	v46 =	vadd.s32 v29, v43;
	v8 =	vadd.f32 v56, v36;
	v15 =	vld [tilespmem:s0+$0xFFFFFF00]  }
0x2a3: {  	v27 =	vmovc v57;
	v56 =	vadd.s32 v25, v45;
	v3 =	vadd.s32 v28, v39;
	v55 =	vadd.s32 v63, v44;
	v12 =	vld [tilespmem:s0+$0xFFFFFFC0]  }
0x2a4: {  	v28 =	vmovc v30;
	v63 =	vadd.s32 v22, v43;
	v6 =	vadd.f32 v6, v35;
	v16 =	vadd.s32 v51, v42;
	v13 =	vld [tilespmem:s0+$0xFFFFFE40]  }
0x2a5: {  	v5 =	vadd.s32 v0, v54;
	v54 =	vadd.s32 v57, v44;
	v0 =	vadd.s32 v30, v19;
	v29 =	vld [tilespmem:$0x1FF20];
	v30 =	vmovc v2  }
0x2a6: {  	s2 =	simm.s32 $0x10;
	s9 =	simm.s32 $0xDBF0;
	v52 =	vadd.s32 v2, v45;
	v2 =	vld [tilespmem:s0+$0xFFFFFF80];
	v4 =	vadd.s32 v4, v39;
	v31 =	vmovc v7;
	v51 =	vadd.s32 v7, v41  }
.LBB2_11:
0x2a7: {  	_ = 	snop  }
0x2a8: {  	s7 =	smov.u32 s2;
	[tilespmem:v59+s22+$0x0] =	vst.idx.msk $0xffff, v8  }
0x2a9: {  	v7 =	vld [tilespmem:$0x1FE90];
	[tilespmem:v3+s22+$0x0] =	vst.idx.msk $0xffff, v14;
	s16 =	sadd.s32 $0x2, s7  }
0x2aa: {  	[tilespmem:v11+s22+$0x0] =	vst.idx.msk $0xffff, v17;
	v8 =	vld [tilespmem:s9+$0xFFFFFF90];
	v17 =	vmov s16;
	v3 =	vadd.f32 v15, v33  }
0x2ab: {  	v22 =	vadd.s32 v29, v37;
	[tilespmem:v16+s22+$0x0] =	vst.idx.msk $0xffff, v62;
	v21 =	vld [tilespmem:s31+$0xFFFFFEB0];
	v16 =	vshrl.u32 v17, $0x3;
	v13 =	vadd.f32 v13, v33  }
0x2ac: {  	v19 =	vmov s7;
	v12 =	vadd.f32 v12, v33;
	[tilespmem:v9+s22+$0x0] =	vst.idx.msk $0xffff, v3;
	v9 =	vshll.u32 v16, v1;
	v16 =	vld [tilespmem:s31+$0xFFFFFFA0]  }
0x2ad: {  	[tilespmem:v5+s22+$0x0] =	vst.idx.msk $0xffff, v13;
	v13 =	vshrl.u32 v19, $0x3;
	v19 =	vld [tilespmem:$0x1FF00]  }
0x2ae: {  	[tilespmem:v10+s22+$0x0] =	vst.idx.msk $0xffff, v12;
	v12 =	vld [tilespmem:s31+$0xFFFFFE70]  }
0x2af: {  	v18 =	vld [tilespmem:s9+$0xFFFFFE50];
	s10 =	sadd.s32 $0x4, s7;
	v3 =	vadd.f32 v2, v33  }
0x2b0: {  	v37 =	vmov v39;
	v14 =	vmov s10;
	v23 =	vld [tilespmem:s9+$0xFFFFFE90];
	[tilespmem:v22+s22+$0x0] =	vst.idx.msk $0xffff, v61;
	v39 =	vbroadcast v9, $0x0  }
0x2b1: {  	v17 =	vld [tilespmem:s31+$0xFFFFFF60];
	v10 =	vshrl.u32 v14, $0x3;
	[tilespmem:v60+s22+$0x0] =	vst.idx.msk $0xffff, v3  }
0x2b2: {  	v59 =	vld [tilespmem:$0x1FEF0];
	v3 =	vshll.u32 v10, v1;
	v10 =	vadd.f32 v21, v34;
	v19 =	vadd.s32 v19, v39  }
0x2b3: {  	s6 =	sadd.s32 $0x7, s2;
	v57 =	vadd.s32 v7, v44;
	v7 =	vld [tilespmem:$0x1FFF0];
	[tilespmem:v63+s22+$0x0] =	vst.idx.msk $0xffff, v6;
	v12 =	vadd.f32 v12, v34  }
0x2b4: {  	v20 =	vmov s6;
	s6 =	sadd.s32 $0x1, s7;
	v6 =	vld [tilespmem:$0x1FF60];
	[tilespmem:v4+s22+$0x0] =	vst.idx.msk $0xffff, v10  }
0x2b5: {  	v11 =	vmov s6;
	v60 =	vld [tilespmem:s9+$0xFFFFFF10];
	[tilespmem:v0+s22+$0x0] =	vst.idx.msk $0xffff, v12;
	v12 =	vadd.f32 v23, v36  }
0x2b6: {  	s0 =	sadd.s32 $0x6, s7;
	v11 =	vshrl.u32 v11, $0x3;
	v0 =	vld [tilespmem:s31+$0xFFFFFEC0]  }
0x2b7: {  	v3 =	vbroadcast v3, $0x0;
	v4 =	vadd.f32 v18, v36;
	v18 =	vmov s0;
	[tilespmem:v19+s22+$0x0] =	vst.idx.msk $0xffff, v12;
	v19 =	vld [tilespmem:$0x1FFB0]  }
0x2b8: {  	v2 =	vshll.u32 v11, v1;
	v18 =	vshrl.u32 v18, $0x3  }
0x2b9: {  	v24 =	vld [tilespmem:s31+$0xFFFFFF30];
	v2 =	vbroadcast v2, $0x0;
	v6 =	vadd.s32 v6, v3;
	v18 =	vshll.u32 v18, v1  }
0x2ba: {  	v11 =	vshrl.u32 v20, $0x3;
	v18 =	vbroadcast v18, $0x0  }
0x2bb: {  	v25 =	vld [tilespmem:s9+$0xFFFFFFD0];
	v11 =	vshll.u32 v11, v1;
	v20 =	vadd.s32 v59, v2;
	v7 =	vadd.s32 v7, v40  }
0x2bc: {  	v21 =	vadd.f32 v60, v36;
	v59 =	vadd.s32 v19, v18;
	v19 =	vbroadcast v11, $0x0;
	v11 =	vld [tilespmem:$0x1FF70]  }
0x2bd: {  	v14 =	vld [tilespmem:$0x1FEB0]  }
0x2be: {  	v62 =	vld [tilespmem:$0x1FEC0];
	v24 =	vadd.f32 v24, v34;
	[tilespmem:v6+s22+$0x0] =	vst.idx.msk $0xffff, v21  }
0x2bf: {  	v12 =	vld [tilespmem:s9+$0xFFFFFF20]  }
0x2c0: {  	s12 =	sadd.s32 $0x5, s7;
	[tilespmem:v7+s22+$0x0] =	vst.idx.msk $0xffff, v24;
	v24 =	vld [tilespmem:$0x1FE30]  }
0x2c1: {  	[tilespmem:v53+s22+$0x0] =	vst.idx.msk $0xffff, v49;
	v15 =	vmov s12;
	v49 =	vadd.f32 v25, v36;
	v25 =	vadd.s32 v11, v3;
	v11 =	vld [tilespmem:$0x1FF90]  }
0x2c2: {  	v15 =	vshrl.u32 v15, $0x3;
	v5 =	vld [tilespmem:s9+$0xFFFFFE10];
	[tilespmem:v55+s22+$0x0] =	vst.idx.msk $0xffff, v48;
	v14 =	vadd.s32 v14, v2  }
0x2c3: {  	v15 =	vshll.u32 v15, v1;
	v17 =	vadd.f32 v17, v35;
	v55 =	vld [tilespmem:s31+$0xFFFFFE20]  }
0x2c4: {  	v9 =	vld [tilespmem:s9+$0xFFFFFF50];
	v6 =	vbroadcast v15, $0x0  }
0x2c5: {  	[tilespmem:v47+s22+$0x0] =	vst.idx.msk $0xffff, v17;
	v23 =	vld [tilespmem:s31+$0xFFFFFE80]  }
0x2c6: {  	s7 =	sadd.s32 $0x3, s7;
	v16 =	vadd.f32 v16, v35;
	v60 =	vadd.s32 v24, v42;
	v42 =	vmovc v6;
	v11 =	vadd.s32 v11, v6;
	v6 =	vld [tilespmem:$0x1FE70]  }
0x2c7: {  	v61 =	vmov s7;
	[tilespmem:v14+s22+$0x0] =	vst.idx.msk $0xffff, v4;
	v14 =	vld [tilespmem:$0x1FE20]  }
0x2c8: {  	v22 =	vshrl.u32 v61, $0x3;
	v13 =	vshll.u32 v13, v1;
	[tilespmem:v58+s22+$0x0] =	vst.idx.msk $0xffff, v16;
	v7 =	vld [tilespmem:s31+$0xFFFFFF70]  }
0x2c9: {  	v22 =	vshll.u32 v22, v1;
	v13 =	vbroadcast v13, $0x0;
	v15 =	vld [tilespmem:s31+$0xFFFFFFB0]  }
0x2ca: {  	v5 =	vadd.f32 v5, v36;
	v21 =	vadd.s32 v62, v2;
	v62 =	vadd.f32 v9, v36  }
0x2cb: {  	v16 =	vld [tilespmem:s31+$0xFFFFFFE0];
	v9 =	vadd.f32 v55, v35;
	v55 =	vadd.s32 v6, v13;
	v6 =	vadd.f32 v23, v33  }
0x2cc: {  	v48 =	vmov v5;
	v5 =	vbroadcast v22, $0x0;
	v22 =	vadd.s32 v14, v40;
	v14 =	vld [tilespmem:s9+$0xFFFFFE60]  }
0x2cd: {  	[tilespmem:v38+s22+$0x0] =	vst.idx.msk $0xffff, v6;
	v6 =	vadd.f32 v7, v34;
	v7 =	vld [tilespmem:$0x1FFC0]  }
0x2ce: {  	v61 =	vadd.f32 v0, v33;
	v40 =	vmov v3;
	v0 =	vadd.f32 v15, v34;
	v3 =	vld [tilespmem:$0x1FF30]  }
0x2cf: {  	v10 =	vld [tilespmem:s9+$0xFFFFFED0]  }
0x2d0: {  	[tilespmem:v51+s22+$0x0] =	vst.idx.msk $0xffff, v0;
	v0 =	vld [tilespmem:$0x1FE80]  }
0x2d1: {  	v16 =	vadd.f32 v16, v35;
	v47 =	vmov v11;
	v11 =	vld [tilespmem:s31+$0xFFFFFF40]  }
0x2d2: {  	v58 =	vadd.s32 v7, v18;
	v7 =	vld [tilespmem:$0x1FE10]  }
0x2d3: {  	[tilespmem:v56+s22+$0x0] =	vst.idx.msk $0xffff, v16;
	v16 =	vadd.s32 v3, v5  }
0x2d4: {  	v17 =	vld [tilespmem:s31+$0xFFFFFFF0]  }
0x2d5: {  	v4 =	vadd.f32 v10, v36;
	v10 =	vld [tilespmem:s31+$0xFFFFFEF0]  }
0x2d6: {  	[tilespmem:v54+s22+$0x0] =	vst.idx.msk $0xffff, v9;
	v3 =	vld [tilespmem:$0x1FF50]  }
0x2d7: {  	v9 =	vadd.s32 v7, v43;
	v7 =	vadd.f32 v11, v33;
	v11 =	vadd.s32 v0, v45;
	v0 =	vld [tilespmem:$0x1FE60]  }
0x2d8: {  	[tilespmem:v16+s22+$0x0] =	vst.idx.msk $0xffff, v4;
	v4 =	vld [tilespmem:s31+$0xFFFFFE30]  }
0x2d9: {  	v63 =	vld [tilespmem:$0x1FE50];
	v15 =	vadd.f32 v17, v34  }
0x2da: {  	v10 =	vadd.f32 v10, v34;
	v24 =	vadd.f32 v12, v35;
	v12 =	vld [tilespmem:s9+$0xFFFFFEA0]  }
0x2db: {  	[tilespmem:v52+s22+$0x0] =	vst.idx.msk $0xffff, v15;
	v56 =	vadd.s32 v3, v5;
	v16 =	vld [tilespmem:s9+$0xFFFFFEE0];
	v45 =	vmov v19  }
0x2dc: {  	[tilespmem:v46+s22+$0x0] =	vst.idx.msk $0xffff, v10;
	v46 =	vmov v56;
	v56 =	vadd.s32 v0, v45;
	v0 =	vld [tilespmem:$0x1FE40]  }
0x2dd: {  	v17 =	vld [tilespmem:s31+$0x0];
	v4 =	vadd.f32 v4, v34  }
0x2de: {  	v3 =	vld [tilespmem:$0x1FE00]  }
0x2df: {  	[tilespmem:v57+s22+$0x0] =	vst.idx.msk $0xffff, v4;
	v4 =	vld [tilespmem:$0x1FF10]  }
0x2e0: {  	v23 =	vadd.f32 v14, v35;
	v43 =	vmov v5;
	v5 =	vld [tilespmem:$0x1FF40]  }
0x2e1: {  	v8 =	vadd.f32 v8, v36;
	v53 =	vadd.s32 v63, v19;
	v10 =	vadd.s32 v0, v41;
	v0 =	vld [tilespmem:$0x1FEA0]  }
0x2e2: {  	p2 =	slt.u32 s2, $0x78;
	v17 =	vadd.f32 v17, v33;
	v14 =	vadd.f32 v12, v35;
	[tilespmem:v21+s22+$0x0] =	vst.idx.msk $0xffff, v23  }
.Ltmp4:
0x2e3: {  	[tilespmem:v50+s22+$0x0] =	vst.idx.msk $0xffff, v6;
	v50 =	vadd.s32 v32, v42;
	v3 =	vadd.s32 v3, v39;
	(pc) =	sbr.rel @p2 .LBB2_11-.Ltmp4, $4  }
0x2e4: {  	v12 =	vld [tilespmem:s31+$0xFFFFFFC0];
	v6 =	vadd.f32 v16, v35;
	v16 =	vadd.s32 v26, v42;
	v4 =	vadd.s32 v4, v39  }
0x2e5: {  	v15 =	vld [tilespmem:s31+$0xFFFFFF00];
	v52 =	vadd.s32 v30, v45;
	[tilespmem:v22+s22+$0x0] =	vst.idx.msk $0xffff, v7;
	v63 =	vadd.s32 v5, v43  }
0x2e6: {  	v41 =	vmovc v18;
	v5 =	vadd.s32 v0, v44;
	v44 =	vmov v13;
	v0 =	vadd.s32 v28, v2;
	v2 =	vld [tilespmem:s31+$0xFFFFFF80]  }
0x2e7: {  	s2 =	sadd.s32 $0x8, s2;
	v38 =	vmov v20;
	[tilespmem:v25+s22+$0x0] =	vst.idx.msk $0xffff, v24;
	v51 =	vadd.s32 v31, v41;
	v13 =	vld [tilespmem:s31+$0xFFFFFE40];
	s31 =	smov.u32 s9;
	s9 =	sadd.s32 $0x200, s9;
	v54 =	vadd.s32 v27, v44  }
0x2e8: {  	_ =	sdelay $0x3  }
0x2e9: {  	[tilespmem:v59+s22+$0x0] =	vst.idx.msk $0xffff, v8  }
0x2ea: {  	[tilespmem:v3+s22+$0x0] =	vst.idx.msk $0xffff, v14  }
0x2eb: {  	[tilespmem:v53+s22+$0x0] =	vst.idx.msk $0xffff, v49  }
0x2ec: {  	[tilespmem:v11+s22+$0x0] =	vst.idx.msk $0xffff, v17  }
0x2ed: {  	[tilespmem:v16+s22+$0x0] =	vst.idx.msk $0xffff, v62;
	v7 =	vld [tilespmem:s31+$0xFFFFFFE0]  }
0x2ee: {  	v23 =	vadd.s32 v29, v37;
	[tilespmem:v55+s22+$0x0] =	vst.idx.msk $0xffff, v48;
	v24 =	vadd.f32 v12, v33  }
0x2ef: {  	[tilespmem:v63+s22+$0x0] =	vst.idx.msk $0xffff, v6;
	v3 =	vadd.f32 v15, v33  }
0x2f0: {  	v2 =	vadd.f32 v2, v33;
	[tilespmem:v10+s22+$0x0] =	vst.idx.msk $0xffff, v24  }
0x2f1: {  	[tilespmem:v9+s22+$0x0] =	vst.idx.msk $0xffff, v3  }
0x2f2: {  	[tilespmem:v60+s22+$0x0] =	vst.idx.msk $0xffff, v2;
	v7 =	vadd.f32 v7, v35  }
0x2f3: {  	v3 =	vld [tilespmem:s31+$0xFFFFFFA0];
	[tilespmem:v23+s22+$0x0] =	vst.idx.msk $0xffff, v61  }
0x2f4: {  	v25 =	vld [tilespmem:s31+$0xFFFFFF60];
	[tilespmem:v56+s22+$0x0] =	vst.idx.msk $0xffff, v7  }
0x2f5: {  	v49 =	vld [tilespmem:$0x1FFF0]  }
0x2f6: {  	v26 =	vld [tilespmem:s31+$0xFFFFFE70]  }
0x2f7: {  	v2 =	vld [tilespmem:s31+$0xFFFFFE20]  }
0x2f8: {  	v27 =	vld [tilespmem:s31+$0xFFFFFF30];
	v3 =	vadd.f32 v3, v35  }
0x2f9: {  	v28 =	vadd.f32 v25, v35;
	v7 =	vld [tilespmem:s31+$0xFFFFFFF0]  }
0x2fa: {  	v31 =	vadd.f32 v13, v33;
	[tilespmem:v58+s22+$0x0] =	vst.idx.msk $0xffff, v3;
	v3 =	vld [tilespmem:s31+$0xFFFFFEF0];
	v30 =	vadd.s32 v49, v40  }
0x2fb: {  	v36 =	vadd.f32 v26, v34;
	[tilespmem:v47+s22+$0x0] =	vst.idx.msk $0xffff, v28  }
0x2fc: {  	[tilespmem:v5+s22+$0x0] =	vst.idx.msk $0xffff, v31;
	v2 =	vadd.f32 v2, v35  }
0x2fd: {  	v8 =	vadd.f32 v27, v34;
	[tilespmem:v0+s22+$0x0] =	vst.idx.msk $0xffff, v36  }
0x2fe: {  	v6 =	vld [tilespmem:s31+$0xFFFFFF70];
	[tilespmem:v54+s22+$0x0] =	vst.idx.msk $0xffff, v2;
	v2 =	vadd.f32 v7, v34  }
0x2ff: {  	v32 =	vld [tilespmem:s31+$0xFFFFFFB0];
	v3 =	vadd.f32 v3, v34;
	[tilespmem:v30+s22+$0x0] =	vst.idx.msk $0xffff, v8  }
0x300: {  	v47 =	vld [tilespmem:$0x1FE90];
	[tilespmem:v52+s22+$0x0] =	vst.idx.msk $0xffff, v2  }
0x301: {  	v37 =	vld [tilespmem:s31+$0xFFFFFEB0];
	[tilespmem:v46+s22+$0x0] =	vst.idx.msk $0xffff, v3  }
0x302: {  	v53 =	vld [tilespmem:$0x1FE20]  }
0x303: {  	v0 =	vld [tilespmem:s31+$0xFFFFFE30]  }
0x304: {  	v5 =	vld [tilespmem:s31+$0xFFFFFE80];
	v48 =	vadd.f32 v32, v34  }
0x305: {  	v8 =	vld [tilespmem:s31+$0xFFFFFF40];
	v2 =	vadd.f32 v6, v34;
	v7 =	vadd.s32 v47, v44  }
0x306: {  	v52 =	vadd.f32 v37, v34;
	v3 =	vld [tilespmem:s31+$0x0];
	[tilespmem:v51+s22+$0x0] =	vst.idx.msk $0xffff, v48  }
0x307: {  	v9 =	vld [tilespmem:$0x1FE80];
	[tilespmem:v50+s22+$0x0] =	vst.idx.msk $0xffff, v2;
	v10 =	vadd.s32 v53, v40  }
0x308: {  	v0 =	vadd.f32 v0, v34;
	v54 =	vld [tilespmem:s31+$0xFFFFFF00];
	[tilespmem:v4+s22+$0x0] =	vst.idx.msk $0xffff, v52  }
0x309: {  	v55 =	vadd.f32 v5, v33;
	v56 =	vld [tilespmem:$0x1FE10]  }
0x30a: {  	v59 =	vld [tilespmem:$0x1FE40];
	v8 =	vadd.f32 v8, v33;
	[tilespmem:v7+s22+$0x0] =	vst.idx.msk $0xffff, v0  }
0x30b: {  	v0 =	vld [tilespmem:$0x1FE30];
	[tilespmem:v38+s22+$0x0] =	vst.idx.msk $0xffff, v55  }
0x30c: {  	v58 =	vld [tilespmem:s31+$0xFFFFFEC0];
	[tilespmem:v10+s22+$0x0] =	vst.idx.msk $0xffff, v8  }
0x30d: {  	v9 =	vadd.s32 v9, v45;
	v10 =	vld [tilespmem:$0x1FEA0]  }
0x30e: {  	v62 =	vadd.s32 v29, v39;
	v2 =	vld [tilespmem:s31+$0xFFFFFFC0]  }
0x30f: {  	v57 =	vld [tilespmem:s31+$0xFFFFFF80];
	v5 =	vadd.s32 v56, v43  }
0x310: {  	v3 =	vadd.f32 v3, v33;
	v13 =	vadd.s32 v59, v41;
	v60 =	vld [tilespmem:s31+$0xFFFFFE40]  }
0x311: {  	v63 =	vadd.f32 v58, v33;
	v0 =	vadd.s32 v0, v42  }
0x312: {  	v61 =	vadd.f32 v54, v33;
	[tilespmem:v9+s22+$0x0] =	vst.idx.msk $0xffff, v3;
	v10 =	vadd.s32 v10, v44  }
0x313: {  	v2 =	vadd.f32 v2, v33;
	[tilespmem:v62+s22+$0x0] =	vst.idx.msk $0xffff, v63  }
0x314: {  	s0 =	sshll.u32 s30, $0x12;
	v3 =	vadd.f32 v57, v33;
	[tilespmem:v5+s22+$0x0] =	vst.idx.msk $0xffff, v61  }
0x315: {  	s0 =	sor.u32 s4, s0;
	[tilespmem:v13+s22+$0x0] =	vst.idx.msk $0xffff, v2;
	v2 =	vadd.f32 v60, v33  }
0x316: {  	s0 =	sshrl.u32 s0, $0x3;
	[tilespmem:v0+s22+$0x0] =	vst.idx.msk $0xffff, v3  }
0x317: {  	s6 =	simm.s32 $0x16200;
	s2 =	sadd.s32 s1, s0;
	[tilespmem:v10+s22+$0x0] =	vst.idx.msk $0xffff, v2  }
0x318: {  	[hbm4b:s2+s3] =	stream.linear.scatter [tilespmem:s6], [sflag:$0x2], $0x80, $0x38;
	[tilespmem:$0x1AE00] =	vst v63  }
0x319: {  	s7 =	simm.s32 $0x16298;
	s6 =	sadd.s32 $0x10, s2  }
0x31a: {  	[hbm4b:s6+s3] =	stream.linear.scatter [tilespmem:s7], [sflag:$0x2], $0x80, $0x38;
	[tilespmem:$0x1AE00] =	vst v63  }
0x31b: {  	s9 =	simm.s32 $0x16330;
	s12 =	simm.s32 $0x163C8;
	s10 =	sadd.s32 $0x20, s2  }
0x31c: {  	[hbm4b:s10+s3] =	stream.linear.scatter [tilespmem:s9], [sflag:$0x2], $0x80, $0x38;
	[tilespmem:$0x1AE00] =	vst v63  }
0x31d: {  	s30 =	simm.s32 $0x16628;
	s0 =	simm.s32 $0x4C0;
	s16 =	sadd.s32 $0x30, s2  }
0x31e: {  	[hbm4b:s16+s3] =	stream.linear.scatter [tilespmem:s12], [sflag:$0x2], $0x80, $0x38;
	[tilespmem:$0x1AE00] =	vst v63  }
0x31f: {  	s31 =	sadd.s32 $0x70, s2;
	s6 =	simm.s32 $0x16460;
	s7 =	sadd.s32 $0x40, s2  }
0x320: {  	[hbm4b:s7+s3] =	stream.linear.scatter [tilespmem:s6], [sflag:$0x2], $0x80, $0x38;
	[tilespmem:$0x1AE00] =	vst v63  }
0x321: {  	s9 =	simm.s32 $0x164F8;
	s10 =	sadd.s32 $0x50, s2;
	s12 =	simm.s32 $0x16590  }
0x322: {  	[hbm4b:s10+s3] =	stream.linear.scatter [tilespmem:s9], [sflag:$0x2], $0x80, $0x38;
	[tilespmem:$0x1AE00] =	vst v63  }
0x323: {  	s16 =	sadd.s32 $0x60, s2;
	s2 =	sadd.s32 $0x1000, s2;
	s9 =	simm.s32 $0x2600  }
0x324: {  	[hbm4b:s16+s3] =	stream.linear.scatter [tilespmem:s12], [sflag:$0x2], $0x80, $0x38;
	[tilespmem:$0x1AE00] =	vst v63  }
.LBB2_13:
0x325: {  	[hbm4b:s31+s3] =	stream.linear.scatter [tilespmem:s30], [sflag:$0x2], $0x80, $0x38;
	[tilespmem:$0x1AE00] =	vst v63  }
0x326: {  	s6 =	smov.u32 s0;
	s0 =	smov.u32 s9  }
0x327: {  	s7 =	sadd.s32 $0x1300, s9;
	s0 =	sshra.s32 s0, $0x2;
	s10 =	sadd.s32 $0x16200, s6  }
0x328: {  	[hbm4b:s2+s3] =	stream.linear.scatter [tilespmem:s10], [sflag:$0x2], $0x80, $0x38;
	[tilespmem:$0x1AE00] =	vst v63  }
0x329: {  	p2 =	sne.s32 s9, $0x8500;
	s9 =	sadd.s32 $0x16298, s6;
	s10 =	sadd.s32 $0x10, s2  }
0x32a: {  	[hbm4b:s10+s3] =	stream.linear.scatter [tilespmem:s9], [sflag:$0x2], $0x80, $0x38;
	[tilespmem:$0x1AE00] =	vst v63  }
0x32b: {  	s9 =	sadd.s32 $0x16330, s6;
	s10 =	sadd.s32 $0x20, s2  }
0x32c: {  	[hbm4b:s10+s3] =	stream.linear.scatter [tilespmem:s9], [sflag:$0x2], $0x80, $0x38;
	[tilespmem:$0x1AE00] =	vst v63  }
0x32d: {  	s9 =	sadd.s32 $0x163C8, s6;
	s10 =	sadd.s32 $0x30, s2  }
0x32e: {  	[hbm4b:s10+s3] =	stream.linear.scatter [tilespmem:s9], [sflag:$0x2], $0x80, $0x38;
	[tilespmem:$0x1AE00] =	vst v63  }
0x32f: {  	s9 =	sadd.s32 $0x16460, s6;
	s10 =	sadd.s32 $0x40, s2  }
0x330: {  	[hbm4b:s10+s3] =	stream.linear.scatter [tilespmem:s9], [sflag:$0x2], $0x80, $0x38;
	[tilespmem:$0x1AE00] =	vst v63  }
.Ltmp5:
0x331: {  	s9 =	sadd.s32 $0x164F8, s6;
	s10 =	sadd.s32 $0x50, s2;
	(pc) =	sbr.rel @p2 .LBB2_13-.Ltmp5, $4  }
0x332: {  	[hbm4b:s10+s3] =	stream.linear.scatter [tilespmem:s9], [sflag:$0x2], $0x80, $0x38;
	[tilespmem:$0x1AE00] =	vst v63  }
0x333: {  	s31 =	sadd.s32 $0x70, s2;
	s9 =	sadd.s32 $0x16590, s6;
	s10 =	sadd.s32 $0x60, s2  }
0x334: {  	[hbm4b:s10+s3] =	stream.linear.scatter [tilespmem:s9], [sflag:$0x2], $0x80, $0x38;
	[tilespmem:$0x1AE00] =	vst v63  }
0x335: {  	s30 =	sadd.s32 $0x16628, s6;
	s2 =	sadd.s32 $0x1000, s2;
	s9 =	smov.u32 s7  }
0x336: {  	[hbm4b:s31+s3] =	stream.linear.scatter [tilespmem:s30], [sflag:$0x2], $0x80, $0x38;
	[tilespmem:$0x1AE00] =	vst v63  }
0x337: {  	s6 =	sadd.s32 $0x16200, s0  }
0x338: {  	[hbm4b:s2+s3] =	stream.linear.scatter [tilespmem:s6], [sflag:$0x2], $0x80, $0x38;
	[tilespmem:$0x1AE00] =	vst v63  }
0x339: {  	s31 =	sadd.s32 $0x16298, s0;
	s7 =	sadd.s32 $0x10, s2  }
0x33a: {  	[hbm4b:s7+s3] =	stream.linear.scatter [tilespmem:s31], [sflag:$0x2], $0x80, $0x38;
	[tilespmem:$0x1AE00] =	vst v63  }
0x33b: {  	s9 =	sadd.s32 $0x16330, s0;
	s10 =	sadd.s32 $0x20, s2  }
0x33c: {  	[hbm4b:s10+s3] =	stream.linear.scatter [tilespmem:s9], [sflag:$0x2], $0x80, $0x38;
	[tilespmem:$0x1AE00] =	vst v63  }
0x33d: {  	s12 =	sadd.s32 $0x163C8, s0;
	s16 =	sadd.s32 $0x30, s2  }
0x33e: {  	[hbm4b:s16+s3] =	stream.linear.scatter [tilespmem:s12], [sflag:$0x2], $0x80, $0x38;
	[tilespmem:$0x1AE00] =	vst v63  }
0x33f: {  	s30 =	sadd.s32 $0x16460, s0;
	s31 =	sadd.s32 $0x40, s2  }
0x340: {  	[hbm4b:s31+s3] =	stream.linear.scatter [tilespmem:s30], [sflag:$0x2], $0x80, $0x38;
	[tilespmem:$0x1AE00] =	vst v63  }
0x341: {  	s9 =	sadd.s32 $0x164F8, s0;
	s10 =	sadd.s32 $0x50, s2  }
0x342: {  	[hbm4b:s10+s3] =	stream.linear.scatter [tilespmem:s9], [sflag:$0x2], $0x80, $0x38;
	[tilespmem:$0x1AE00] =	vst v63  }
0x343: {  	s12 =	sadd.s32 $0x16590, s0;
	s16 =	sadd.s32 $0x60, s2  }
0x344: {  	[hbm4b:s16+s3] =	stream.linear.scatter [tilespmem:s12], [sflag:$0x2], $0x80, $0x38;
	[tilespmem:$0x1AE00] =	vst v63  }
0x345: {  	s30 =	sadd.s32 $0x16628, s0;
	s31 =	sadd.s32 $0x70, s2;
	s0 =	simm.s32 @!p0 $0x2  }
0x346: {  	[hbm4b:s31+s3] =	stream.linear.scatter [tilespmem:s30], [sflag:$0x2], $0x80, $0x38;
	[tilespmem:$0x1AE00] =	vst v63  }
0x347: {  	_ =	swait.ge @!p0 [sflag:s0], $0x2000  }
0x348: {  	v63 =	vld [tilespmem:$0x1FE70]  }
0x349: {  	v31 =	vld [tilespmem:$0x1FEB0]  }
0x34a: {  	[sflag:s0] =	ssyncset.done @!p0 $0x0;
	v59 =	vld [tilespmem:$0x1FEC0]  }
0x34b: {  	v28 =	vld [tilespmem:$0x1FED0];
	[sflag:s0] =	ssyncadd.s32 @!p0 $0xFFFFE000;
	s0 =	sshll.u32 @p1 s29, $0x7  }
0x34c: {  	v11 =	vld [tilespmem:$0x1FEF0];
	s0 =	sadd.s32 @p1 $0x300, s0  }
0x34d: {  	v56 =	vld [tilespmem:$0x1FE00];
	s0 =	sand.u32 @p1 $0xFF00, s0  }
0x34e: {  	v25 =	vld [tilespmem:$0x1FFC0];
	[tilespmem:s17], [sflag:$0x1] =	stream.indirect.gather @p1 [hbm4b:s5+s13], $0x40, s0, s13, $0xb8  }
0x34f: {  	v27 =	vld [tilespmem:$0x1FE60];
	_ =	swait.ge [sflag:s19], $0x2000  }
0x350: {  	v48 =	vld [tilespmem:$0x1FF60]  }
0x351: {  	s6 =	sshll.u32 s28, $0x6;
	[sflag:s19] =	ssyncset.done $0x0;
	v53 =	vld [tilespmem:$0x1FF00]  }
0x352: {  	s16 =	simm.s32 $0x1;
	s0 =	sand.u32 $0x3FFFFFC0, s6;
	v62 =	vld [tilespmem:$0x1FF30];
	[sflag:s19] =	ssyncadd.s32 $0xFFFFE000  }
0x353: {  	s10 =	simm.s32 $0x4;
	v5 =	vmov s16;
	v36 =	vld [tilespmem:s0+$0x6400]  }
0x354: {  	s9 =	simm.s32 $0x7;
	v3 =	vmov s10;
	v5 =	vshrl.u32 v5, $0x3;
	v35 =	vld [tilespmem:s0+$0x6410]  }
0x355: {  	v2 =	vmov s9;
	s9 =	simm.s32 $0x2;
	v3 =	vshrl.u32 v3, $0x3;
	v5 =	vshll.u32 v5, v1;
	v34 =	vld [tilespmem:s0+$0x6420]  }
0x356: {  	v6 =	vmov s9;
	v3 =	vshll.u32 v3, v1;
	s30 =	simm.s32 $0x3;
	v5 =	vbroadcast v5, $0x0;
	v33 =	vld [tilespmem:s0+$0x6430];
	s0 =	simm.s32 $0xF7F0  }
0x357: {  	v6 =	vshrl.u32 v6, $0x3;
	v44 =	vbroadcast v3, $0x0;
	v3 =	vmov s30;
	v7 =	vld [tilespmem:s0+$0xFFFFFF10]  }
0x358: {  	v6 =	vshll.u32 v6, v1;
	v3 =	vshrl.u32 v3, $0x3;
	v12 =	vadd.s32 v11, v5;
	v8 =	vld [tilespmem:s0+$0xFFFFFE50]  }
0x359: {  	v37 =	vbroadcast v6, $0x0;
	v3 =	vshll.u32 v3, v1;
	v9 =	vld [tilespmem:s0+$0xFFFFFE90];
	[tilespmem:$0x1FC90] =	vst v12;
	v6 =	vadd.s32 v48, v44  }
0x35a: {  	s7 =	simm.s32 $0x0;
	v50 =	vbroadcast v3, $0x0;
	v10 =	vadd.s32 v31, v5;
	v58 =	vmov v11;
	v11 =	vld [tilespmem:s0+$0xFFFFFED0]  }
0x35b: {  	v0 =	vmov s7;
	v12 =	vadd.s32 v53, v37  }
0x35c: {  	v0 =	vshrl.u32 v0, $0x3;
	v15 =	vadd.s32 v62, v50;
	v7 =	vadd.f32 v7, v36  }
0x35d: {  	v17 =	vshll.u32 v0, v1;
	v3 =	vld [tilespmem:s0+$0xFFFFFE10];
	v0 =	vadd.f32 v8, v36  }
0x35e: {  	s31 =	simm.s32 $0x6;
	v13 =	vld [tilespmem:s0+$0xFFFFFFD0];
	v9 =	vadd.f32 v9, v36;
	[tilespmem:v6+s23+$0x0] =	vst.idx.msk $0xffff, v7  }
0x35f: {  	s12 =	simm.s32 $0x5;
	v14 =	vmov s31;
	v16 =	vld [tilespmem:s0+$0xFFFFFF90];
	[tilespmem:v10+s23+$0x0] =	vst.idx.msk $0xffff, v0;
	v7 =	vadd.f32 v11, v36  }
0x360: {  	v4 =	vmov s12;
	v8 =	vshrl.u32 v14, $0x3;
	v14 =	vld [tilespmem:s0+$0xFFFFFF50];
	[tilespmem:v12+s23+$0x0] =	vst.idx.msk $0xffff, v9  }
0x361: {  	v4 =	vshrl.u32 v4, $0x3;
	v6 =	vld [tilespmem:s0+$0xFFFFFF20];
	[tilespmem:v15+s23+$0x0] =	vst.idx.msk $0xffff, v7  }
0x362: {  	v4 =	vshll.u32 v4, v1;
	v29 =	vld [tilespmem:$0x1FFA0]  }
0x363: {  	v55 =	vbroadcast v4, $0x0;
	v4 =	vld [tilespmem:s0+$0xFFFFFE60]  }
0x364: {  	v8 =	vshll.u32 v8, v1;
	v10 =	vld [tilespmem:s0+$0xFFFFFEA0]  }
0x365: {  	v52 =	vbroadcast v8, $0x0;
	v8 =	vadd.f32 v13, v36;
	v13 =	vld [tilespmem:s0+$0xFFFFFEE0]  }
0x366: {  	v24 =	vadd.s32 v28, v5;
	v57 =	vld [tilespmem:$0x1FF50]  }
0x367: {  	v9 =	vadd.s32 v59, v5;
	v5 =	vmovc v25;
	v20 =	vadd.s32 v25, v52;
	v26 =	vld [tilespmem:$0x1FEE0];
	v25 =	vadd.s32 v29, v55  }
0x368: {  	[tilespmem:$0x1FCD0] =	vst v25;
	v25 =	vld [tilespmem:$0x1FFE0]  }
0x369: {  	v2 =	vshrl.u32 v2, $0x3;
	v30 =	vld [tilespmem:$0x1FFB0]  }
0x36a: {  	v54 =	vbroadcast v17, $0x0;
	v2 =	vshll.u32 v2, v1;
	v17 =	vadd.s32 v56, v37;
	v61 =	vld [tilespmem:$0x1FF70]  }
0x36b: {  	v0 =	vbroadcast v2, $0x0;
	v60 =	vld [tilespmem:$0x1FF90];
	v2 =	vadd.s32 v57, v50  }
0x36c: {  	v32 =	vld [tilespmem:$0x1FE50];
	v22 =	vadd.s32 v26, v54;
	[tilespmem:$0x1FCB0] =	vst v2  }
0x36d: {  	v51 =	vld [tilespmem:$0x1FF10];
	v19 =	vadd.f32 v4, v35;
	v4 =	vadd.f32 v10, v35;
	[tilespmem:$0x1FC80] =	vst v22;
	v38 =	vadd.s32 v25, v0  }
0x36e: {  	v2 =	vld [tilespmem:$0x1FF40];
	[tilespmem:$0x1FCA0] =	vst v38  }
0x36f: {  	v22 =	vld [tilespmem:$0x1FF80];
	[tilespmem:v17+s23+$0x0] =	vst.idx.msk $0xffff, v4  }
0x370: {  	v4 =	vld [tilespmem:$0x1FFD0];
	_ =	sdelay $0x3  }
0x371: {  	s29 =	simm.s32 $0xF9F0  }
0x372: {  	v42 =	vld [tilespmem:s29+$0xFFFFFE50];
	v4 =	vadd.s32 v4, v52  }
0x373: {  	[tilespmem:$0x1FCC0] =	vst v4;
	v4 =	vld [tilespmem:$0x1FE90];
	_ =	sdelay $0x1  }
0x374: {  	v7 =	vadd.s32 v30, v52;
	_ =	sdelay $0x2  }
0x375: {  	v16 =	vadd.f32 v16, v36;
	v23 =	vadd.s32 v22, v55;
	v4 =	vadd.s32 v4, v54  }
0x376: {  	s9 =	simm.s32 $0x9;
	[tilespmem:$0x1FCE0] =	vst v4  }
0x377: {  	s12 =	simm.s32 $0xA;
	v39 =	vmov s9;
	v18 =	vadd.s32 v63, v54;
	v11 =	vadd.s32 v61, v44;
	[tilespmem:v7+s23+$0x0] =	vst.idx.msk $0xffff, v16  }
0x378: {  	v14 =	vadd.f32 v14, v36;
	v15 =	vadd.s32 v32, v0;
	v16 =	vmov s12;
	v46 =	vld [tilespmem:s0+$0xFFFFFFA0]  }
0x379: {  	v3 =	vadd.f32 v3, v36;
	v21 =	vadd.s32 v2, v50;
	[tilespmem:v9+s23+$0x0] =	vst.idx.msk $0xffff, v19;
	v16 =	vshrl.u32 v16, $0x3  }
0x37a: {  	v39 =	vshrl.u32 v39, $0x3;
	v6 =	vadd.f32 v6, v35;
	[tilespmem:v23+s23+$0x0] =	vst.idx.msk $0xffff, v14;
	v14 =	vshll.u32 v16, v1;
	v16 =	vld [tilespmem:s0+$0xFFFFFE70]  }
0x37b: {  	s10 =	simm.s32 $0xC;
	v12 =	vadd.s32 v60, v55;
	v13 =	vadd.f32 v13, v35;
	v38 =	vld [tilespmem:s0+$0xFFFFFEB0];
	v19 =	vshll.u32 v39, v1  }
0x37c: {  	v41 =	vadd.s32 v51, v37;
	v7 =	vmov s10;
	[tilespmem:v11+s23+$0x0] =	vst.idx.msk $0xffff, v6;
	v19 =	vbroadcast v19, $0x0  }
0x37d: {  	v45 =	vld [tilespmem:s29+$0xFFFFFE90];
	[tilespmem:v15+s23+$0x0] =	vst.idx.msk $0xffff, v8;
	v7 =	vshrl.u32 v7, $0x3;
	v39 =	vbroadcast v14, $0x0;
	v15 =	vadd.f32 v46, v35  }
0x37e: {  	s7 =	simm.s32 $0xF;
	[tilespmem:v21+s23+$0x0] =	vst.idx.msk $0xffff, v13;
	v6 =	vld [tilespmem:s0+$0xFFFFFF60];
	v7 =	vshll.u32 v7, v1;
	v23 =	vadd.s32 v31, v19  }
0x37f: {  	v40 =	vmov s7;
	v21 =	vadd.s32 v53, v39;
	v16 =	vadd.f32 v16, v34;
	[tilespmem:v20+s23+$0x0] =	vst.idx.msk $0xffff, v15;
	v20 =	vld [tilespmem:s0+$0xFFFFFFE0]  }
0x380: {  	v47 =	vld [tilespmem:s29+$0xFFFFFF10];
	[tilespmem:v18+s23+$0x0] =	vst.idx.msk $0xffff, v3;
	v14 =	vshrl.u32 v40, $0x3;
	v40 =	vbroadcast v7, $0x0;
	v11 =	vadd.f32 v38, v34  }
0x381: {  	v10 =	vadd.s32 v27, v0;
	v46 =	vadd.f32 v42, v36;
	[tilespmem:v24+s23+$0x0] =	vst.idx.msk $0xffff, v16;
	v16 =	vld [tilespmem:s0+$0xFFFFFF30]  }
0x382: {  	s6 =	simm.s32 $0x8;
	v7 =	vld [tilespmem:s29+$0xFFFFFE10];
	v8 =	vadd.s32 v48, v40;
	v3 =	vadd.f32 v45, v36;
	[tilespmem:v41+s23+$0x0] =	vst.idx.msk $0xffff, v11  }
0x383: {  	v43 =	vmov s6;
	v17 =	vadd.s32 v49, v44;
	v18 =	vld [tilespmem:s0+$0xFFFFFE20];
	v6 =	vadd.f32 v6, v35;
	[tilespmem:v23+s23+$0x0] =	vst.idx.msk $0xffff, v46  }
0x384: {  	s31 =	simm.s32 $0xE;
	v13 =	vshrl.u32 v43, $0x3;
	v43 =	vld [tilespmem:s29+$0xFFFFFFD0];
	[tilespmem:v21+s23+$0x0] =	vst.idx.msk $0xffff, v3;
	v3 =	vadd.f32 v20, v35  }
0x385: {  	s30 =	simm.s32 $0xB;
	v38 =	vadd.s32 v58, v19;
	v15 =	vmov s31;
	[tilespmem:v12+s23+$0x0] =	vst.idx.msk $0xffff, v6;
	v24 =	vadd.f32 v47, v36  }
0x386: {  	v58 =	vmov s30;
	v15 =	vshrl.u32 v15, $0x3;
	[tilespmem:v10+s23+$0x0] =	vst.idx.msk $0xffff, v3;
	v3 =	vadd.f32 v16, v34  }
0x387: {  	v53 =	vld [tilespmem:s29+$0xFFFFFED0];
	v41 =	vshrl.u32 v58, $0x3;
	v48 =	vadd.f32 v7, v36;
	v7 =	vshll.u32 v15, v1;
	[tilespmem:v8+s23+$0x0] =	vst.idx.msk $0xffff, v24  }
0x388: {  	v15 =	vshll.u32 v41, v1;
	v10 =	vadd.f32 v18, v35;
	v18 =	vld [tilespmem:$0x1FE20];
	[tilespmem:v17+s23+$0x0] =	vst.idx.msk $0xffff, v3  }
0x389: {  	v49 =	vadd.f32 v43, v36;
	v43 =	vbroadcast v15, $0x0;
	v3 =	vld [tilespmem:$0x1FC80];
	_ =	sdelay $0x1  }
0x38a: {  	v8 =	vadd.s32 v62, v43;
	_ =	sdelay $0x1  }
0x38b: {  	v15 =	vld [tilespmem:s29+$0xFFFFFF20]  }
0x38c: {  	v12 =	vadd.f32 v53, v36;
	_ =	sdelay $0x1  }
0x38d: {  	[tilespmem:v8+s23+$0x0] =	vst.idx.msk $0xffff, v12  }
0x38e: {  	v13 =	vshll.u32 v13, v1;
	[tilespmem:v3+s23+$0x0] =	vst.idx.msk $0xffff, v10  }
0x38f: {  	v16 =	vadd.s32 v18, v44;
	v44 =	vbroadcast v13, $0x0;
	v13 =	vadd.f32 v15, v35;
	v15 =	vld [tilespmem:$0x1FC90]  }
0x390: {  	v41 =	vbroadcast v7, $0x0;
	v7 =	vld [tilespmem:s0+$0xFFFFFE80];
	_ =	sdelay $0x2  }
0x391: {  	v4 =	vld [tilespmem:s29+$0xFFFFFF90];
	_ =	sdelay $0x1  }
0x392: {  	v7 =	vadd.f32 v7, v33;
	_ =	sdelay $0x1  }
0x393: {  	v12 =	vld [tilespmem:$0x1FE30];
	[tilespmem:v15+s23+$0x0] =	vst.idx.msk $0xffff, v7  }
0x394: {  	v8 =	vadd.f32 v4, v36;
	v4 =	vld [tilespmem:$0x1FCA0]  }
0x395: {  	v6 =	vld [tilespmem:s0+$0xFFFFFFF0];
	_ =	sdelay $0x4  }
0x396: {  	v6 =	vadd.f32 v6, v34;
	_ =	sdelay $0x1  }
0x397: {  	[tilespmem:v4+s23+$0x0] =	vst.idx.msk $0xffff, v6  }
0x398: {  	s16 =	simm.s32 $0xD;
	v14 =	vshll.u32 v14, v1;
	v4 =	vld [tilespmem:$0x1FCB0]  }
0x399: {  	v9 =	vmov s16;
	v45 =	vbroadcast v14, $0x0;
	v14 =	vld [tilespmem:s0+$0xFFFFFEF0]  }
0x39a: {  	v9 =	vshrl.u32 v9, $0x3  }
0x39b: {  	v9 =	vshll.u32 v9, v1  }
0x39c: {  	v42 =	vbroadcast v9, $0x0;
	_ =	sdelay $0x1  }
0x39d: {  	v47 =	vadd.s32 v60, v42;
	v60 =	vadd.s32 v12, v55;
	v12 =	vadd.f32 v14, v34;
	_ =	sdelay $0x1  }
0x39e: {  	v58 =	vld [tilespmem:s0+$0xFFFFFEC0];
	[tilespmem:v4+s23+$0x0] =	vst.idx.msk $0xffff, v12  }
0x39f: {  	v55 =	vadd.s32 v63, v44;
	v63 =	vadd.s32 v2, v43;
	v2 =	vld [tilespmem:$0x1FCC0]  }
0x3a0: {  	v9 =	vld [tilespmem:s0+$0xFFFFFFB0];
	_ =	sdelay $0x1  }
0x3a1: {  	v11 =	vld [tilespmem:s29+$0xFFFFFF50]  }
0x3a2: {  	v20 =	vadd.s32 v61, v40;
	v61 =	vadd.f32 v58, v33;
	v58 =	vadd.s32 v5, v41;
	v5 =	vld [tilespmem:$0x1FE10];
	_ =	sdelay $0x1  }
0x3a3: {  	v14 =	vadd.f32 v9, v34;
	_ =	sdelay $0x1  }
0x3a4: {  	v62 =	vadd.f32 v11, v36;
	v11 =	vld [tilespmem:s0+$0xFFFFFF40];
	[tilespmem:v2+s23+$0x0] =	vst.idx.msk $0xffff, v14  }
0x3a5: {  	v9 =	vadd.s32 v5, v50;
	v5 =	vld [tilespmem:$0x1FE80];
	_ =	sdelay $0x4  }
0x3a6: {  	v12 =	vadd.f32 v11, v33;
	v11 =	vadd.s32 v5, v0;
	v0 =	vld [tilespmem:$0x1FCD0]  }
0x3a7: {  	v10 =	vld [tilespmem:s0+$0xFFFFFF70];
	_ =	sdelay $0x1  }
0x3a8: {  	v17 =	vld [tilespmem:s29+$0xFFFFFE60];
	_ =	sdelay $0x2  }
0x3a9: {  	v10 =	vadd.f32 v10, v34;
	_ =	sdelay $0x1  }
0x3aa: {  	v18 =	vadd.f32 v17, v35;
	v17 =	vld [tilespmem:s0+$0xFFFFFE30];
	[tilespmem:v0+s23+$0x0] =	vst.idx.msk $0xffff, v10  }
0x3ab: {  	v0 =	vld [tilespmem:$0x1FE40]  }
0x3ac: {  	v7 =	vld [tilespmem:s29+$0xFFFFFEA0]  }
0x3ad: {  	v2 =	vld [tilespmem:s0+$0x0];
	_ =	sdelay $0x2  }
0x3ae: {  	v10 =	vadd.s32 v0, v52;
	v0 =	vld [tilespmem:$0x1FEA0];
	[tilespmem:v16+s23+$0x0] =	vst.idx.msk $0xffff, v12  }
0x3af: {  	v14 =	vadd.f32 v7, v35;
	[tilespmem:v20+s23+$0x0] =	vst.idx.msk $0xffff, v13  }
0x3b0: {  	v7 =	vadd.f32 v17, v34;
	v17 =	vadd.f32 v2, v33;
	v2 =	vld [tilespmem:$0x1FCE0];
	_ =	sdelay $0x1  }
0x3b1: {  	v24 =	vadd.s32 v59, v19;
	_ =	sdelay $0x3  }
0x3b2: {  	v6 =	vld [tilespmem:s29+$0xFFFFFEE0]  }
0x3b3: {  	[tilespmem:v24+s23+$0x0] =	vst.idx.msk $0xffff, v18  }
0x3b4: {  	[tilespmem:v2+s23+$0x0] =	vst.idx.msk $0xffff, v7  }
0x3b5: {  	v7 =	vld [tilespmem:$0x1FFD0]  }
0x3b6: {  	v53 =	vadd.s32 v32, v45;
	v59 =	vadd.s32 v30, v41;
	v46 =	vadd.s32 v57, v43;
	v15 =	vld [tilespmem:s0+$0xFFFFFF00]  }
0x3b7: {  	v3 =	vadd.s32 v56, v39;
	v56 =	vadd.s32 v27, v45;
	v6 =	vadd.f32 v6, v35;
	v12 =	vld [tilespmem:s0+$0xFFFFFFC0]  }
0x3b8: {  	v31 =	vmovc v25;
	v4 =	vadd.s32 v51, v39;
	v50 =	vadd.s32 v29, v42;
	v16 =	vadd.s32 v22, v42;
	v2 =	vld [tilespmem:s0+$0xFFFFFF80]  }
0x3b9: {  	v30 =	vmovc v26;
	v52 =	vadd.s32 v25, v45;
	v5 =	vadd.s32 v0, v54;
	v54 =	vadd.s32 v26, v44;
	v13 =	vld [tilespmem:s0+$0xFFFFFE40]  }
0x3ba: {  	s2 =	simm.s32 $0x10;
	s9 =	simm.s32 $0xFBF0;
	v27 =	vmovc v29;
	v26 =	vmovc v22;
	v0 =	vadd.s32 v28, v19;
	v32 =	vld [tilespmem:$0x1FF20];
	v29 =	vmov v7;
	v51 =	vadd.s32 v7, v41  }
.LBB2_15:
0x3bb: {  	_ = 	snop  }
0x3bc: {  	s7 =	smov.u32 s2;
	[tilespmem:v59+s23+$0x0] =	vst.idx.msk $0xffff, v8  }
0x3bd: {  	v7 =	vld [tilespmem:$0x1FE90];
	[tilespmem:v3+s23+$0x0] =	vst.idx.msk $0xffff, v14;
	s16 =	sadd.s32 $0x2, s7  }
0x3be: {  	[tilespmem:v11+s23+$0x0] =	vst.idx.msk $0xffff, v17;
	v8 =	vld [tilespmem:s9+$0xFFFFFF90];
	v17 =	vmov s16;
	v3 =	vadd.f32 v15, v33  }
0x3bf: {  	v22 =	vadd.s32 v32, v37;
	[tilespmem:v16+s23+$0x0] =	vst.idx.msk $0xffff, v62;
	v21 =	vld [tilespmem:s29+$0xFFFFFEB0];
	v16 =	vshrl.u32 v17, $0x3;
	v13 =	vadd.f32 v13, v33  }
0x3c0: {  	v19 =	vmov s7;
	v12 =	vadd.f32 v12, v33;
	[tilespmem:v9+s23+$0x0] =	vst.idx.msk $0xffff, v3;
	v9 =	vshll.u32 v16, v1;
	v16 =	vld [tilespmem:s29+$0xFFFFFFA0]  }
0x3c1: {  	[tilespmem:v5+s23+$0x0] =	vst.idx.msk $0xffff, v13;
	v13 =	vshrl.u32 v19, $0x3;
	v19 =	vld [tilespmem:$0x1FF00]  }
0x3c2: {  	[tilespmem:v10+s23+$0x0] =	vst.idx.msk $0xffff, v12;
	v12 =	vld [tilespmem:s29+$0xFFFFFE70]  }
0x3c3: {  	s10 =	sadd.s32 $0x4, s7;
	v3 =	vadd.f32 v2, v33  }
0x3c4: {  	v37 =	vmov v39;
	v14 =	vmov s10;
	v23 =	vld [tilespmem:s9+$0xFFFFFE90];
	[tilespmem:v22+s23+$0x0] =	vst.idx.msk $0xffff, v61;
	v39 =	vbroadcast v9, $0x0  }
0x3c5: {  	v17 =	vld [tilespmem:s29+$0xFFFFFF60];
	v10 =	vshrl.u32 v14, $0x3;
	[tilespmem:v60+s23+$0x0] =	vst.idx.msk $0xffff, v3  }
0x3c6: {  	v18 =	vld [tilespmem:s9+$0xFFFFFE50];
	v3 =	vshll.u32 v10, v1;
	v10 =	vadd.f32 v21, v34;
	v19 =	vadd.s32 v19, v39  }
0x3c7: {  	v57 =	vadd.s32 v7, v44;
	v7 =	vld [tilespmem:$0x1FFF0];
	[tilespmem:v63+s23+$0x0] =	vst.idx.msk $0xffff, v6;
	v12 =	vadd.f32 v12, v34  }
0x3c8: {  	v6 =	vld [tilespmem:$0x1FF60];
	[tilespmem:v4+s23+$0x0] =	vst.idx.msk $0xffff, v10  }
0x3c9: {  	v60 =	vld [tilespmem:s9+$0xFFFFFF10];
	[tilespmem:v0+s23+$0x0] =	vst.idx.msk $0xffff, v12;
	v12 =	vadd.f32 v23, v36  }
0x3ca: {  	s0 =	sadd.s32 $0x6, s7;
	v0 =	vld [tilespmem:s29+$0xFFFFFEC0]  }
0x3cb: {  	s6 =	sadd.s32 $0x7, s2;
	s31 =	sadd.s32 $0x1, s7;
	v3 =	vbroadcast v3, $0x0;
	v4 =	vadd.f32 v18, v36;
	v18 =	vmov s0;
	[tilespmem:v19+s23+$0x0] =	vst.idx.msk $0xffff, v12;
	v19 =	vld [tilespmem:$0x1FFB0]  }
0x3cc: {  	v20 =	vmov s6;
	v11 =	vmov s31;
	v18 =	vshrl.u32 v18, $0x3  }
0x3cd: {  	v24 =	vld [tilespmem:s29+$0xFFFFFF30];
	v11 =	vshrl.u32 v11, $0x3;
	v6 =	vadd.s32 v6, v3;
	v18 =	vshll.u32 v18, v1  }
0x3ce: {  	v25 =	vld [tilespmem:s9+$0xFFFFFFD0];
	v2 =	vshll.u32 v11, v1;
	v11 =	vshrl.u32 v20, $0x3;
	v18 =	vbroadcast v18, $0x0  }
0x3cf: {  	v14 =	vld [tilespmem:$0x1FEB0];
	v11 =	vshll.u32 v11, v1;
	v7 =	vadd.s32 v7, v40  }
0x3d0: {  	v21 =	vadd.f32 v60, v36;
	v59 =	vadd.s32 v19, v18;
	v19 =	vbroadcast v11, $0x0;
	v11 =	vld [tilespmem:$0x1FF70]  }
0x3d1: {  	v62 =	vld [tilespmem:$0x1FEC0]  }
0x3d2: {  	v24 =	vadd.f32 v24, v34;
	v2 =	vbroadcast v2, $0x0;
	v5 =	vld [tilespmem:s9+$0xFFFFFE10];
	[tilespmem:v6+s23+$0x0] =	vst.idx.msk $0xffff, v21  }
0x3d3: {  	[tilespmem:v53+s23+$0x0] =	vst.idx.msk $0xffff, v49;
	v12 =	vld [tilespmem:s9+$0xFFFFFF20]  }
0x3d4: {  	s12 =	sadd.s32 $0x5, s7;
	v14 =	vadd.s32 v14, v2;
	[tilespmem:v7+s23+$0x0] =	vst.idx.msk $0xffff, v24;
	v24 =	vld [tilespmem:$0x1FE30]  }
0x3d5: {  	v15 =	vmov s12;
	[tilespmem:v55+s23+$0x0] =	vst.idx.msk $0xffff, v48;
	v49 =	vadd.f32 v25, v36;
	v25 =	vadd.s32 v11, v3;
	v11 =	vld [tilespmem:$0x1FF90]  }
0x3d6: {  	v15 =	vshrl.u32 v15, $0x3;
	v55 =	vld [tilespmem:s29+$0xFFFFFE20]  }
0x3d7: {  	v15 =	vshll.u32 v15, v1;
	v9 =	vld [tilespmem:s9+$0xFFFFFF50]  }
0x3d8: {  	v16 =	vadd.f32 v16, v35;
	v23 =	vld [tilespmem:s29+$0xFFFFFE80];
	v6 =	vbroadcast v15, $0x0  }
0x3d9: {  	v17 =	vadd.f32 v17, v35;
	[tilespmem:v14+s23+$0x0] =	vst.idx.msk $0xffff, v4;
	v14 =	vld [tilespmem:$0x1FE20]  }
0x3da: {  	s7 =	sadd.s32 $0x3, s7;
	[tilespmem:v58+s23+$0x0] =	vst.idx.msk $0xffff, v16;
	v60 =	vadd.s32 v24, v42;
	v42 =	vmov v6;
	v11 =	vadd.s32 v11, v6;
	v6 =	vld [tilespmem:$0x1FE70]  }
0x3db: {  	v61 =	vmov s7;
	[tilespmem:v47+s23+$0x0] =	vst.idx.msk $0xffff, v17;
	v15 =	vld [tilespmem:s29+$0xFFFFFFB0]  }
0x3dc: {  	v22 =	vshrl.u32 v61, $0x3;
	v13 =	vshll.u32 v13, v1;
	v7 =	vld [tilespmem:s29+$0xFFFFFF70]  }
0x3dd: {  	v22 =	vshll.u32 v22, v1;
	v13 =	vbroadcast v13, $0x0  }
0x3de: {  	v5 =	vadd.f32 v5, v36;
	v21 =	vadd.s32 v62, v2;
	v62 =	vadd.f32 v9, v36  }
0x3df: {  	v16 =	vld [tilespmem:s29+$0xFFFFFFE0];
	v9 =	vadd.f32 v55, v35;
	v55 =	vadd.s32 v6, v13;
	v6 =	vadd.f32 v23, v33  }
0x3e0: {  	v48 =	vmovc v5;
	v5 =	vbroadcast v22, $0x0;
	v61 =	vadd.f32 v0, v33;
	v22 =	vadd.s32 v14, v40;
	v14 =	vld [tilespmem:s9+$0xFFFFFE60]  }
0x3e1: {  	v0 =	vadd.f32 v15, v34;
	[tilespmem:v38+s23+$0x0] =	vst.idx.msk $0xffff, v6;
	v6 =	vadd.f32 v7, v34;
	v7 =	vld [tilespmem:$0x1FFC0]  }
0x3e2: {  	v10 =	vld [tilespmem:s9+$0xFFFFFED0]  }
0x3e3: {  	[tilespmem:v51+s23+$0x0] =	vst.idx.msk $0xffff, v0;
	v0 =	vld [tilespmem:$0x1FE80]  }
0x3e4: {  	v40 =	vmov v3;
	v3 =	vld [tilespmem:$0x1FF30]  }
0x3e5: {  	v16 =	vadd.f32 v16, v35;
	v47 =	vmov v11;
	v11 =	vld [tilespmem:s29+$0xFFFFFF40]  }
0x3e6: {  	v58 =	vadd.s32 v7, v18;
	v7 =	vld [tilespmem:$0x1FE10]  }
0x3e7: {  	v20 =	vld [tilespmem:$0x1FEF0];
	[tilespmem:v56+s23+$0x0] =	vst.idx.msk $0xffff, v16  }
0x3e8: {  	v17 =	vld [tilespmem:s29+$0xFFFFFFF0]  }
0x3e9: {  	v4 =	vadd.f32 v10, v36;
	v10 =	vld [tilespmem:s29+$0xFFFFFEF0];
	v16 =	vadd.s32 v3, v5  }
0x3ea: {  	[tilespmem:v54+s23+$0x0] =	vst.idx.msk $0xffff, v9;
	v3 =	vld [tilespmem:$0x1FF50]  }
0x3eb: {  	v9 =	vadd.s32 v7, v43;
	v7 =	vadd.f32 v11, v33;
	v11 =	vadd.s32 v0, v45;
	v0 =	vld [tilespmem:$0x1FE60]  }
0x3ec: {  	v63 =	vld [tilespmem:$0x1FE50]  }
0x3ed: {  	v24 =	vadd.f32 v12, v35;
	v12 =	vld [tilespmem:s9+$0xFFFFFEA0];
	v15 =	vadd.f32 v17, v34  }
0x3ee: {  	v10 =	vadd.f32 v10, v34;
	[tilespmem:v16+s23+$0x0] =	vst.idx.msk $0xffff, v4;
	v4 =	vld [tilespmem:s29+$0xFFFFFE30]  }
0x3ef: {  	[tilespmem:v52+s23+$0x0] =	vst.idx.msk $0xffff, v15;
	v56 =	vadd.s32 v3, v5;
	v16 =	vld [tilespmem:s9+$0xFFFFFEE0];
	v45 =	vmov v19  }
0x3f0: {  	[tilespmem:v46+s23+$0x0] =	vst.idx.msk $0xffff, v10;
	v46 =	vmov v56;
	v56 =	vadd.s32 v0, v45;
	v0 =	vld [tilespmem:$0x1FE40]  }
0x3f1: {  	v17 =	vld [tilespmem:s29+$0x0]  }
0x3f2: {  	v3 =	vld [tilespmem:$0x1FE00]  }
0x3f3: {  	v23 =	vadd.f32 v14, v35  }
0x3f4: {  	v8 =	vadd.f32 v8, v36;
	v20 =	vadd.s32 v20, v2;
	v53 =	vadd.s32 v63, v19;
	v43 =	vmovc v5;
	v5 =	vld [tilespmem:$0x1FF40]  }
0x3f5: {  	[tilespmem:v21+s23+$0x0] =	vst.idx.msk $0xffff, v23;
	v4 =	vadd.f32 v4, v34;
	v10 =	vadd.s32 v0, v41;
	v0 =	vld [tilespmem:$0x1FEA0]  }
0x3f6: {  	p0 =	slt.u32 s2, $0x78;
	v17 =	vadd.f32 v17, v33;
	v14 =	vadd.f32 v12, v35;
	[tilespmem:v50+s23+$0x0] =	vst.idx.msk $0xffff, v6;
	v19 =	vld [tilespmem:$0x1FF10]  }
.Ltmp6:
0x3f7: {  	v50 =	vadd.s32 v27, v42;
	v3 =	vadd.s32 v3, v39;
	[tilespmem:v57+s23+$0x0] =	vst.idx.msk $0xffff, v4;
	(pc) =	sbr.rel @p0 .LBB2_15-.Ltmp6, $4  }
0x3f8: {  	v12 =	vld [tilespmem:s29+$0xFFFFFFC0];
	v6 =	vadd.f32 v16, v35;
	v16 =	vadd.s32 v26, v42;
	[tilespmem:v22+s23+$0x0] =	vst.idx.msk $0xffff, v7  }
0x3f9: {  	v15 =	vld [tilespmem:s29+$0xFFFFFF00];
	v52 =	vadd.s32 v31, v45;
	[tilespmem:v25+s23+$0x0] =	vst.idx.msk $0xffff, v24;
	v63 =	vadd.s32 v5, v43  }
0x3fa: {  	v41 =	vmovc v18;
	v5 =	vadd.s32 v0, v44;
	v44 =	vmov v13;
	v0 =	vadd.s32 v28, v2;
	v2 =	vld [tilespmem:s29+$0xFFFFFF80]  }
0x3fb: {  	s2 =	sadd.s32 $0x8, s2;
	v38 =	vmovc v20;
	v4 =	vadd.s32 v19, v39;
	v51 =	vadd.s32 v29, v41;
	v13 =	vld [tilespmem:s29+$0xFFFFFE40];
	s29 =	smov.u32 s9;
	s9 =	sadd.s32 $0x200, s9;
	v54 =	vadd.s32 v30, v44  }
0x3fc: {  	_ =	sdelay $0x3  }
0x3fd: {  	[tilespmem:v59+s23+$0x0] =	vst.idx.msk $0xffff, v8  }
0x3fe: {  	[tilespmem:v3+s23+$0x0] =	vst.idx.msk $0xffff, v14  }
0x3ff: {  	[tilespmem:v53+s23+$0x0] =	vst.idx.msk $0xffff, v49  }
0x400: {  	[tilespmem:v11+s23+$0x0] =	vst.idx.msk $0xffff, v17  }
0x401: {  	[tilespmem:v16+s23+$0x0] =	vst.idx.msk $0xffff, v62;
	v7 =	vld [tilespmem:s29+$0xFFFFFFE0]  }
0x402: {  	v23 =	vadd.s32 v32, v37;
	[tilespmem:v55+s23+$0x0] =	vst.idx.msk $0xffff, v48;
	v24 =	vadd.f32 v12, v33  }
0x403: {  	[tilespmem:v63+s23+$0x0] =	vst.idx.msk $0xffff, v6;
	v3 =	vadd.f32 v15, v33  }
0x404: {  	v2 =	vadd.f32 v2, v33;
	[tilespmem:v10+s23+$0x0] =	vst.idx.msk $0xffff, v24  }
0x405: {  	[tilespmem:v9+s23+$0x0] =	vst.idx.msk $0xffff, v3  }
0x406: {  	[tilespmem:v60+s23+$0x0] =	vst.idx.msk $0xffff, v2;
	v7 =	vadd.f32 v7, v35  }
0x407: {  	v3 =	vld [tilespmem:s29+$0xFFFFFFA0];
	[tilespmem:v23+s23+$0x0] =	vst.idx.msk $0xffff, v61  }
0x408: {  	v25 =	vld [tilespmem:s29+$0xFFFFFF60];
	[tilespmem:v56+s23+$0x0] =	vst.idx.msk $0xffff, v7  }
0x409: {  	v14 =	vld [tilespmem:$0x1FFF0]  }
0x40a: {  	v26 =	vld [tilespmem:s29+$0xFFFFFE70]  }
0x40b: {  	v2 =	vld [tilespmem:s29+$0xFFFFFE20]  }
0x40c: {  	v27 =	vld [tilespmem:s29+$0xFFFFFF30];
	v3 =	vadd.f32 v3, v35  }
0x40d: {  	v28 =	vadd.f32 v25, v35;
	v7 =	vld [tilespmem:s29+$0xFFFFFFF0]  }
0x40e: {  	v30 =	vadd.f32 v13, v33;
	[tilespmem:v58+s23+$0x0] =	vst.idx.msk $0xffff, v3;
	v3 =	vld [tilespmem:s29+$0xFFFFFEF0];
	v29 =	vadd.s32 v14, v40  }
0x40f: {  	v36 =	vadd.f32 v26, v34;
	[tilespmem:v47+s23+$0x0] =	vst.idx.msk $0xffff, v28  }
0x410: {  	[tilespmem:v5+s23+$0x0] =	vst.idx.msk $0xffff, v30;
	v2 =	vadd.f32 v2, v35  }
0x411: {  	v8 =	vadd.f32 v27, v34;
	[tilespmem:v0+s23+$0x0] =	vst.idx.msk $0xffff, v36  }
0x412: {  	v6 =	vld [tilespmem:s29+$0xFFFFFF70];
	[tilespmem:v54+s23+$0x0] =	vst.idx.msk $0xffff, v2;
	v2 =	vadd.f32 v7, v34  }
0x413: {  	v31 =	vld [tilespmem:s29+$0xFFFFFFB0];
	v3 =	vadd.f32 v3, v34;
	[tilespmem:v29+s23+$0x0] =	vst.idx.msk $0xffff, v8  }
0x414: {  	v53 =	vld [tilespmem:$0x1FE90];
	[tilespmem:v52+s23+$0x0] =	vst.idx.msk $0xffff, v2  }
0x415: {  	v37 =	vld [tilespmem:s29+$0xFFFFFEB0];
	[tilespmem:v46+s23+$0x0] =	vst.idx.msk $0xffff, v3  }
0x416: {  	v52 =	vld [tilespmem:$0x1FE20]  }
0x417: {  	v0 =	vld [tilespmem:s29+$0xFFFFFE30]  }
0x418: {  	v5 =	vld [tilespmem:s29+$0xFFFFFE80];
	v48 =	vadd.f32 v31, v34  }
0x419: {  	v8 =	vld [tilespmem:s29+$0xFFFFFF40];
	v2 =	vadd.f32 v6, v34;
	v47 =	vadd.s32 v53, v44  }
0x41a: {  	v49 =	vadd.f32 v37, v34;
	v3 =	vld [tilespmem:s29+$0x0];
	[tilespmem:v51+s23+$0x0] =	vst.idx.msk $0xffff, v48  }
0x41b: {  	v9 =	vld [tilespmem:$0x1FE80];
	[tilespmem:v50+s23+$0x0] =	vst.idx.msk $0xffff, v2;
	v10 =	vadd.s32 v52, v40  }
0x41c: {  	v0 =	vadd.f32 v0, v34;
	v54 =	vld [tilespmem:s29+$0xFFFFFF00];
	[tilespmem:v4+s23+$0x0] =	vst.idx.msk $0xffff, v49  }
0x41d: {  	v55 =	vadd.f32 v5, v33;
	v56 =	vld [tilespmem:$0x1FE10]  }
0x41e: {  	v59 =	vld [tilespmem:$0x1FE40];
	v8 =	vadd.f32 v8, v33;
	[tilespmem:v47+s23+$0x0] =	vst.idx.msk $0xffff, v0  }
0x41f: {  	v0 =	vld [tilespmem:$0x1FE30];
	[tilespmem:v38+s23+$0x0] =	vst.idx.msk $0xffff, v55  }
0x420: {  	v58 =	vld [tilespmem:s29+$0xFFFFFEC0];
	[tilespmem:v10+s23+$0x0] =	vst.idx.msk $0xffff, v8  }
0x421: {  	v9 =	vadd.s32 v9, v45;
	v10 =	vld [tilespmem:$0x1FEA0]  }
0x422: {  	v62 =	vadd.s32 v32, v39;
	v2 =	vld [tilespmem:s29+$0xFFFFFFC0]  }
0x423: {  	v57 =	vld [tilespmem:s29+$0xFFFFFF80];
	v5 =	vadd.s32 v56, v43  }
0x424: {  	v3 =	vadd.f32 v3, v33;
	v13 =	vadd.s32 v59, v41;
	v60 =	vld [tilespmem:s29+$0xFFFFFE40]  }
0x425: {  	v63 =	vadd.f32 v58, v33;
	v0 =	vadd.s32 v0, v42  }
0x426: {  	v61 =	vadd.f32 v54, v33;
	[tilespmem:v9+s23+$0x0] =	vst.idx.msk $0xffff, v3;
	v10 =	vadd.s32 v10, v44  }
0x427: {  	v2 =	vadd.f32 v2, v33;
	[tilespmem:v62+s23+$0x0] =	vst.idx.msk $0xffff, v63  }
0x428: {  	s0 =	sshll.u32 s28, $0x12;
	v3 =	vadd.f32 v57, v33;
	[tilespmem:v5+s23+$0x0] =	vst.idx.msk $0xffff, v61  }
0x429: {  	s0 =	sor.u32 s4, s0;
	[tilespmem:v13+s23+$0x0] =	vst.idx.msk $0xffff, v2;
	v2 =	vadd.f32 v60, v33  }
0x42a: {  	s0 =	sshrl.u32 s0, $0x3;
	[tilespmem:v0+s23+$0x0] =	vst.idx.msk $0xffff, v3  }
0x42b: {  	s12 =	simm.s32 $0x18800;
	s2 =	sadd.s32 s1, s0;
	[tilespmem:v10+s23+$0x0] =	vst.idx.msk $0xffff, v2  }
0x42c: {  	[hbm4b:s2+s3] =	stream.linear.scatter [tilespmem:s12], [sflag:$0x2], $0x80, $0x38;
	[tilespmem:$0x1AE00] =	vst v63  }
0x42d: {  	s16 =	simm.s32 $0x18898;
	s6 =	sadd.s32 $0x10, s2  }
0x42e: {  	[hbm4b:s6+s3] =	stream.linear.scatter [tilespmem:s16], [sflag:$0x2], $0x80, $0x38;
	[tilespmem:$0x1AE00] =	vst v63  }
0x42f: {  	s30 =	simm.s32 $0x18930;
	s9 =	simm.s32 $0x18A60;
	s31 =	sadd.s32 $0x20, s2  }
0x430: {  	[hbm4b:s31+s3] =	stream.linear.scatter [tilespmem:s30], [sflag:$0x2], $0x80, $0x38;
	[tilespmem:$0x1AE00] =	vst v63  }
0x431: {  	s28 =	simm.s32 $0x18C28;
	s7 =	sadd.s32 $0x30, s2;
	s6 =	simm.s32 $0x189C8  }
0x432: {  	[hbm4b:s7+s3] =	stream.linear.scatter [tilespmem:s6], [sflag:$0x2], $0x80, $0x38;
	[tilespmem:$0x1AE00] =	vst v63  }
0x433: {  	s0 =	simm.s32 $0x4C0;
	s10 =	sadd.s32 $0x40, s2;
	s29 =	sadd.s32 $0x70, s2  }
0x434: {  	[hbm4b:s10+s3] =	stream.linear.scatter [tilespmem:s9], [sflag:$0x2], $0x80, $0x38;
	[tilespmem:$0x1AE00] =	vst v63  }
0x435: {  	s12 =	simm.s32 $0x18AF8;
	s16 =	sadd.s32 $0x50, s2;
	s30 =	simm.s32 $0x18B90  }
0x436: {  	[hbm4b:s16+s3] =	stream.linear.scatter [tilespmem:s12], [sflag:$0x2], $0x80, $0x38;
	[tilespmem:$0x1AE00] =	vst v63  }
0x437: {  	s31 =	sadd.s32 $0x60, s2;
	s2 =	sadd.s32 $0x1000, s2;
	s9 =	simm.s32 $0x2600  }
0x438: {  	v40 =	vmov v14;
	[hbm4b:s31+s3] =	stream.linear.scatter [tilespmem:s30], [sflag:$0x2], $0x80, $0x38;
	[tilespmem:$0x1AE00] =	vst v63  }
.LBB2_17:
0x439: {  	[hbm4b:s29+s3] =	stream.linear.scatter [tilespmem:s28], [sflag:$0x2], $0x80, $0x38;
	[tilespmem:$0x1AE00] =	vst v63  }
0x43a: {  	s6 =	smov.u32 s0;
	s0 =	smov.u32 s9  }
0x43b: {  	s7 =	sadd.s32 $0x1300, s9;
	s0 =	sshra.s32 s0, $0x2;
	s10 =	sadd.s32 $0x18800, s6  }
0x43c: {  	[hbm4b:s2+s3] =	stream.linear.scatter [tilespmem:s10], [sflag:$0x2], $0x80, $0x38;
	[tilespmem:$0x1AE00] =	vst v63  }
0x43d: {  	p0 =	sne.s32 s9, $0x8500;
	s9 =	sadd.s32 $0x18898, s6;
	s10 =	sadd.s32 $0x10, s2  }
0x43e: {  	[hbm4b:s10+s3] =	stream.linear.scatter [tilespmem:s9], [sflag:$0x2], $0x80, $0x38;
	[tilespmem:$0x1AE00] =	vst v63  }
0x43f: {  	s9 =	sadd.s32 $0x18930, s6;
	s10 =	sadd.s32 $0x20, s2  }
0x440: {  	[hbm4b:s10+s3] =	stream.linear.scatter [tilespmem:s9], [sflag:$0x2], $0x80, $0x38;
	[tilespmem:$0x1AE00] =	vst v63  }
0x441: {  	s9 =	sadd.s32 $0x189C8, s6;
	s10 =	sadd.s32 $0x30, s2  }
0x442: {  	[hbm4b:s10+s3] =	stream.linear.scatter [tilespmem:s9], [sflag:$0x2], $0x80, $0x38;
	[tilespmem:$0x1AE00] =	vst v63  }
0x443: {  	s9 =	sadd.s32 $0x18A60, s6;
	s10 =	sadd.s32 $0x40, s2  }
0x444: {  	[hbm4b:s10+s3] =	stream.linear.scatter [tilespmem:s9], [sflag:$0x2], $0x80, $0x38;
	[tilespmem:$0x1AE00] =	vst v63  }
.Ltmp7:
0x445: {  	s9 =	sadd.s32 $0x18AF8, s6;
	s10 =	sadd.s32 $0x50, s2;
	(pc) =	sbr.rel @p0 .LBB2_17-.Ltmp7, $4  }
0x446: {  	[hbm4b:s10+s3] =	stream.linear.scatter [tilespmem:s9], [sflag:$0x2], $0x80, $0x38;
	[tilespmem:$0x1AE00] =	vst v63  }
0x447: {  	s29 =	sadd.s32 $0x70, s2;
	s9 =	sadd.s32 $0x18B90, s6;
	s10 =	sadd.s32 $0x60, s2  }
0x448: {  	[hbm4b:s10+s3] =	stream.linear.scatter [tilespmem:s9], [sflag:$0x2], $0x80, $0x38;
	[tilespmem:$0x1AE00] =	vst v63  }
0x449: {  	s28 =	sadd.s32 $0x18C28, s6;
	s2 =	sadd.s32 $0x1000, s2;
	s9 =	smov.u32 s7  }
0x44a: {  	[hbm4b:s29+s3] =	stream.linear.scatter [tilespmem:s28], [sflag:$0x2], $0x80, $0x38;
	v18 =	vld [tilespmem:$0x1FEE0]  }
0x44b: {  	s6 =	sadd.s32 $0x18800, s0;
	v57 =	vld [tilespmem:$0x1FEB0]  }
0x44c: {  	v51 =	vld [tilespmem:$0x1FEC0];
	[hbm4b:s2+s3] =	stream.linear.scatter [tilespmem:s6], [sflag:$0x2], $0x80, $0x38  }
0x44d: {  	s16 =	sadd.s32 $0x18898, s0;
	s7 =	sadd.s32 $0x10, s2;
	v59 =	vld [tilespmem:$0x1FED0]  }
0x44e: {  	v63 =	vld [tilespmem:$0x1FEF0];
	[hbm4b:s7+s3] =	stream.linear.scatter [tilespmem:s16], [sflag:$0x2], $0x80, $0x38  }
0x44f: {  	s28 =	sadd.s32 $0x18930, s0;
	s29 =	sadd.s32 $0x20, s2;
	v30 =	vld [tilespmem:$0x1FF00]  }
0x450: {  	v32 =	vld [tilespmem:$0x1FF30];
	[hbm4b:s29+s3] =	stream.linear.scatter [tilespmem:s28], [sflag:$0x2], $0x80, $0x38  }
0x451: {  	s30 =	sadd.s32 $0x189C8, s0;
	s31 =	sadd.s32 $0x30, s2;
	v22 =	vld [tilespmem:$0x1FF40]  }
0x452: {  	v20 =	vld [tilespmem:$0x1FF50];
	[hbm4b:s31+s3] =	stream.linear.scatter [tilespmem:s30], [sflag:$0x2], $0x80, $0x38  }
0x453: {  	s9 =	sadd.s32 $0x18A60, s0;
	s10 =	sadd.s32 $0x40, s2;
	s26 =	sadd.s32 $0x1, s26;
	v29 =	vld [tilespmem:$0x1FF60]  }
0x454: {  	v28 =	vld [tilespmem:$0x1FF70];
	[hbm4b:s10+s3] =	stream.linear.scatter [tilespmem:s9], [sflag:$0x2], $0x80, $0x38  }
0x455: {  	s12 =	sadd.s32 $0x18AF8, s0;
	v23 =	vld [tilespmem:$0x1FF80];
	p0 =	sne.s32 s26, $0x32;
	s16 =	sadd.s32 $0x50, s2  }
0x456: {  	v24 =	vld [tilespmem:$0x1FF90];
	[hbm4b:s16+s3] =	stream.linear.scatter [tilespmem:s12], [sflag:$0x2], $0x80, $0x38  }
.Ltmp8:
0x457: {  	v26 =	vld [tilespmem:$0x1FFA0];
	(pc) =	sbr.rel @p0 .LBB2_2-.Ltmp8, $4  }
0x458: {  	v27 =	vld [tilespmem:$0x1FFB0];
	s28 =	sadd.s32 $0x18B90, s0;
	s29 =	sadd.s32 $0x60, s2  }
0x459: {  	v31 =	vld [tilespmem:$0x1FFC0];
	[hbm4b:s29+s3] =	stream.linear.scatter [tilespmem:s28], [sflag:$0x2], $0x80, $0x38  }
0x45a: {  	v50 =	vld [tilespmem:$0x1FFD0];
	s30 =	sadd.s32 $0x18C28, s0;
	s31 =	sadd.s32 $0x70, s2  }
0x45b: {  	v49 =	vld [tilespmem:$0x1FFE0];
	[hbm4b:s31+s3] =	stream.linear.scatter [tilespmem:s30], [sflag:$0x2], $0x80, $0x38  }
0x45c: {  	_ =	swait.ge [sflag:s24], $0x2000  }
0x45d: {  	[sflag:s24] =	ssyncset.done $0x0  }
0x45e: {  	[sflag:s24] =	ssyncadd.s32 $0xFFFFE000  }
0x45f: {  	_ =	swait.ge [sflag:s24], $0x2000  }
0x460: {  	[sflag:s24] =	ssyncset.done $0x0  }
0x461: {  	s25 =	sadd.s32 $0x1, s25;
	[sflag:s24] =	ssyncadd.s32 $0xFFFFE000  }
0x462: {  	p0 =	sne.s32 s25, s8;
	_ =	swait.ge [sflag:s24], $0x2000  }
.Ltmp9:
0x463: {  	[sflag:s24] =	ssyncset.done $0x0;
	(pc) =	sbr.rel @p0 .LBB2_1-.Ltmp9, $4  }
0x464: {  	[sflag:s24] =	ssyncadd.s32 $0xFFFFE000  }
0x465: {  	_ =	swait.ge [sflag:s24], $0x2000  }
0x466: {  	[sflag:s24] =	ssyncset.done $0x0  }
0x467: {  	[sflag:s24] =	ssyncadd.s32 $0xFFFFE000  }
0x468: {  	_ =	sfence.sel $0x180000  }
0x469: {  	[bflag:$0x0] =	sbarrier.arrive $0xFFFF  }
0x46a: {  	_ =	strace $0x90000047  }
0x46b: {  	s0 =	stileid.u32;
	[bflag:$0x2] =	sbarrier.arrive $0xFFFF  }
0x46c: {  	p0 =	sne.s32 s0, $0x0;
	s0 =	rddreg [dreg:$0x3]  }
0x46d: {  	s0 =	sadd.s32 @!p0 $0x100000, s0  }
0x46e: {  	[sflag:s0] =	ssyncadd.tile.s32 @!p0 $0x1;
	_ =	shalt  }
.Lfunc_end2:
_tile_overlayer_lowered:
.L_overlay_start_2:
0x46f: {  	(tag) =	ssettag $0x2  }
0x470: {  	s0 =	rddreg [dreg:$0x0];
	s2 =	stileid.u32  }
0x471: {  	s1 =	rddreg [dreg:$0x1];
	p0 =	sne.s32 s2, $0x0  }
0x472: {  	s3 =	rddreg [dreg:$0x2];
	[bflag:$0x3] =	sbarrier.arrive $0xFFFF;
	s2 =	simm.s32 @!p0 $0x1C03  }
0x473: {  	[timem:s3], [sflag:s2] =	dma.local @!p0 [hbm:s0], s1  }
0x474: {  	s0 =	simm.s32 @!p0 $0x3  }
0x475: {  	_ =	swait.ge @!p0 [sflag:s0], s1  }
0x476: {  	s1 =	ssub.s32 @!p0 $0x0, s1;
	[sflag:s0] =	ssyncset.done @!p0 $0x0  }
0x477: {  	[sflag:s0] =	ssyncadd.s32 @!p0 s1  }
0x478: {  	[bflag:$0x3] =	sbarrier.arrive $0xFFFF  }
0x479: {  	_ =	shalt  }

</sc_bundles>
